<compile_context>
chip_gen: v7x
topology: tpu7x:2x2x1
jax: 0.10.2.dev20260603
libtpu: 0.0.44.dev20260713+nightly
codegen_flags: <defaults>
</compile_context>

<pallas_src>
import jax
import jax.numpy as jnp
from jax import lax
from jax.experimental import pallas as pl
from jax.experimental.pallas import tpu as pltpu
from jax.experimental.pallas import tpu_sc as plsc

_N = 10000
_E = 320000
_D = 128
_NC = 2
_NS = 16
_NW = _NC * _NS
_EPW = _E // _NW
_CH = 128
_NCHUNK = _EPW // _CH
_TAIL = _EPW - _NCHUNK * _CH
_RPT = 640
_NP = _RPT * _NS

_ROWS = 1000
_GRID = _N // _ROWS


def _make_edge_accum(with_deg):
  mesh = plsc.VectorSubcoreMesh(core_axis_name="c", subcore_axis_name="s")
  out_type = [jax.ShapeDtypeStruct((_NC, _NP, _D), jnp.float32)]
  scratch = [
      pltpu.VMEM((2, _CH), jnp.int32),
      pltpu.VMEM((2, _CH), jnp.int32),
      pltpu.VMEM((_CH, _D), jnp.float32),
      pltpu.VMEM((_CH, _D), jnp.float32),
      pltpu.VMEM_SHARED((_NP, _D), jnp.float32),
      pltpu.SemaphoreType.DMA,
      pltpu.SemaphoreType.DMA,
      pltpu.SemaphoreType.DMA,
      pltpu.SemaphoreType.DMA,
      pltpu.VMEM((2, _TAIL), jnp.int32),
      pltpu.VMEM((_TAIL, _D), jnp.float32),
  ]
  if with_deg:
    out_type.append(jax.ShapeDtypeStruct((_NC, _NP, _D), jnp.float32))

  def body(table, sd_main, sd_tail, zeros_d, ones_d, *rest):
    if with_deg:
      (out_sum, out_deg, sd_a, sd_b, rows_a, rows_b, acc,
       sem_a, sem_b, isem_a, isem_b, sd_t, rows_t) = rest
    else:
      (out_sum, sd_a, sd_b, rows_a, rows_b, acc,
       sem_a, sem_b, isem_a, isem_b, sd_t, rows_t) = rest
    c = lax.axis_index("c")
    s = lax.axis_index("s")
    wid = c * _NS + s
    r0 = s * _RPT
    c0 = wid * _NCHUNK

    def zero_acc():
      pltpu.sync_copy(zeros_d, rows_a)
      cps = [pltpu.async_copy(rows_a, acc.at[pl.ds(r0 + k * _CH, _CH)], sem_a)
             for k in range(_RPT // _CH)]
      for cp in cps:
        cp.wait()

    def writeout(dst_hbm):
      for k in range(_RPT // _CH):
        buf = rows_a if k % 2 == 0 else rows_b
        sm = sem_a if k % 2 == 0 else sem_b
        if k >= 2:
          pltpu.make_async_copy(
              buf, dst_hbm.at[c, pl.ds(r0, _CH)], sm).wait()
        pltpu.sync_copy(acc.at[pl.ds(r0 + k * _CH, _CH)], buf)
        pltpu.async_copy(buf, dst_hbm.at[c, pl.ds(r0 + k * _CH, _CH)], sm)
      pltpu.make_async_copy(rows_a, dst_hbm.at[c, pl.ds(r0, _CH)], sem_a).wait()
      pltpu.make_async_copy(rows_b, dst_hbm.at[c, pl.ds(r0, _CH)], sem_b).wait()

    zero_acc()
    plsc.subcore_barrier()

    def step(j, sd_cur, r_cur, g_cur, i_cur, sd_nxt, r_nxt, g_nxt, i_nxt):
      @pl.when(j < _NCHUNK - 1)
      def _():
        pltpu.make_async_copy(sd_main.at[c0], sd_nxt, i_nxt).wait()
        pltpu.async_copy(table.at[sd_nxt.at[0]], r_nxt, g_nxt)

      pltpu.make_async_copy(table.at[sd_cur.at[0]], r_cur, g_cur).wait()
      pltpu.sync_copy(r_cur, acc.at[sd_cur.at[1]], add=True)

      @pl.when(j < _NCHUNK - 2)
      def _():
        pltpu.async_copy(sd_main.at[c0 + j + 2], sd_cur, i_cur)

    def chunk(j, carry):
      @pl.when(j % 2 == 0)
      def _():
        step(j, sd_a, rows_a, sem_a, isem_a, sd_b, rows_b, sem_b, isem_b)

      @pl.when(j % 2 == 1)
      def _():
        step(j, sd_b, rows_b, sem_b, isem_b, sd_a, rows_a, sem_a, isem_a)

      return carry

    pltpu.sync_copy(sd_main.at[c0], sd_a)
    pltpu.async_copy(table.at[sd_a.at[0]], rows_a, sem_a)
    pltpu.async_copy(sd_main.at[c0 + 1], sd_b, isem_b)
    lax.fori_loop(0, _NCHUNK, chunk, 0)
    pltpu.sync_copy(sd_tail.at[wid], sd_t)
    pltpu.async_copy(table.at[sd_t.at[0]], rows_t, sem_a).wait()
    pltpu.sync_copy(rows_t, acc.at[sd_t.at[1]], add=True)
    plsc.subcore_barrier()
    writeout(out_sum)

    if with_deg:
      zero_acc()
      plsc.subcore_barrier()
      pltpu.sync_copy(ones_d, rows_b)

      def deg_step(j, sd_cur, i_cur, sd_nxt, i_nxt):
        @pl.when(j < _NCHUNK - 1)
        def _():
          pltpu.async_copy(sd_main.at[c0 + j + 1], sd_nxt, i_nxt)

        pltpu.make_async_copy(sd_main.at[c0], sd_cur, i_cur).wait()
        pltpu.sync_copy(rows_b, acc.at[sd_cur.at[1]], add=True)

      def deg_chunk(j, carry):
        @pl.when(j % 2 == 0)
        def _():
          deg_step(j, sd_a, sem_a, sd_b, sem_b)

        @pl.when(j % 2 == 1)
        def _():
          deg_step(j, sd_b, sem_b, sd_a, sem_a)

        return carry

      pltpu.async_copy(sd_main.at[c0], sd_a, sem_a)
      lax.fori_loop(0, _NCHUNK, deg_chunk, 0)
      pltpu.sync_copy(ones_d.at[pl.ds(0, _TAIL)], rows_t)
      pltpu.sync_copy(rows_t, acc.at[sd_t.at[1]], add=True)
      plsc.subcore_barrier()
      writeout(out_deg)

  return pl.kernel(body, mesh=mesh, out_type=out_type, scratch_types=scratch)


_EDGE_ACCUM_DEG = _make_edge_accum(True)
_EDGE_ACCUM = _make_edge_accum(False)


def _mm_body(x_ref, w_ref, o_ref):
  o_ref[...] = lax.dot_general(
      x_ref[...], w_ref[...], (((1,), (1,)), ((), ())),
      preferred_element_type=jnp.float32)


def _mm(x, w):
  return pl.pallas_call(
      _mm_body,
      grid=(_GRID,),
      in_specs=[
          pl.BlockSpec((_ROWS, _D), lambda i: (i, 0)),
          pl.BlockSpec((_D, _D), lambda i: (0, 0)),
      ],
      out_specs=pl.BlockSpec((_ROWS, _D), lambda i: (i, 0)),
      out_shape=jax.ShapeDtypeStruct((_N, _D), jnp.float32),
  )(x, w)


def _mid_body(s_ref, deg_ref, x_ref, w1r_ref, b1_ref, w2l_ref, w2r_ref,
              b2_ref, y2_ref, r2_ref):
  ssum = s_ref[0] + s_ref[1]
  deg = jnp.maximum(deg_ref[0] + deg_ref[1], 1.0)
  inv = (1.0 / deg)[:, 0:1]
  xr = lax.dot_general(x_ref[...], w1r_ref[...], (((1,), (1,)), ((), ())),
                       preferred_element_type=jnp.float32)
  h = jnp.maximum(ssum * inv + b1_ref[...] + xr, 0.0)
  y2_ref[...] = lax.dot_general(h, w2l_ref[...], (((1,), (1,)), ((), ())),
                                preferred_element_type=jnp.float32)
  r2_ref[...] = lax.dot_general(h, w2r_ref[...], (((1,), (1,)), ((), ())),
                                preferred_element_type=jnp.float32) + b2_ref[...]


def _mid(sums1, degs, x, w1r, b1, w2l, w2r, b2):
  return pl.pallas_call(
      _mid_body,
      grid=(_GRID,),
      in_specs=[
          pl.BlockSpec((_NC, _ROWS, _D), lambda i: (0, i, 0)),
          pl.BlockSpec((_NC, _ROWS, _D), lambda i: (0, i, 0)),
          pl.BlockSpec((_ROWS, _D), lambda i: (i, 0)),
          pl.BlockSpec((_D, _D), lambda i: (0, 0)),
          pl.BlockSpec((1, _D), lambda i: (0, 0)),
          pl.BlockSpec((_D, _D), lambda i: (0, 0)),
          pl.BlockSpec((_D, _D), lambda i: (0, 0)),
          pl.BlockSpec((1, _D), lambda i: (0, 0)),
      ],
      out_specs=[
          pl.BlockSpec((_ROWS, _D), lambda i: (i, 0)),
          pl.BlockSpec((_ROWS, _D), lambda i: (i, 0)),
      ],
      out_shape=[
          jax.ShapeDtypeStruct((_N, _D), jnp.float32),
          jax.ShapeDtypeStruct((_N, _D), jnp.float32),
      ],
  )(sums1, degs, x, w1r, b1, w2l, w2r, b2)


def _out_body(s_ref, deg_ref, r2_ref, o_ref):
  deg = jnp.maximum(deg_ref[0] + deg_ref[1], 1.0)
  inv = (1.0 / deg)[:, 0:1]
  o_ref[...] = (s_ref[0] + s_ref[1]) * inv + r2_ref[...]


def _final(sums2, degs, r2):
  return pl.pallas_call(
      _out_body,
      grid=(_GRID,),
      in_specs=[
          pl.BlockSpec((_NC, _ROWS, _D), lambda i: (0, i, 0)),
          pl.BlockSpec((_NC, _ROWS, _D), lambda i: (0, i, 0)),
          pl.BlockSpec((_ROWS, _D), lambda i: (i, 0)),
      ],
      out_specs=pl.BlockSpec((_ROWS, _D), lambda i: (i, 0)),
      out_shape=jax.ShapeDtypeStruct((_N, _D), jnp.float32),
  )(sums2, degs, r2)


def kernel(x, edge_index, W1l, b1l, W1r, W2l, b2l, W2r):
  ei = edge_index.astype(jnp.int32).reshape(2, _NW, _EPW)
  main = ei[:, :, :_NCHUNK * _CH].reshape(2, _NW, _NCHUNK, _CH)
  sd_main = jnp.stack([main[0], main[1]], axis=2).reshape(
      _NW * _NCHUNK, 2, _CH)
  tail = ei[:, :, _NCHUNK * _CH:]
  sd_tail = jnp.stack([tail[0], tail[1]], axis=1)
  zeros_d = jnp.zeros((_CH, _D), jnp.float32)
  ones_d = jnp.ones((_CH, _D), jnp.float32)
  b1 = b1l.reshape(1, _D)
  b2 = b2l.reshape(1, _D)

  y1 = _mm(x, W1l)
  sums1, degs = _EDGE_ACCUM_DEG(y1, sd_main, sd_tail, zeros_d, ones_d)
  y2, r2 = _mid(sums1, degs, x, W1r, b1, W2l, W2r, b2)
  sums2, = _EDGE_ACCUM(y2, sd_main, sd_tail, zeros_d, ones_d)
  return _final(sums2, degs, r2)

# --- scband reference (transcript-rebuilt; emitter-appended) ---
"""Pipeline reference for scband-simple-graph-sage-10514079941027 (READ-ONLY COPY).

The authoritative reference and input builder live on the scoring server;
editing this copy changes nothing except your own understanding.
"""

import jax, jax.numpy as jnp
import numpy as np

N = 10000
E = 320000
D_IN = 128
D_HID = 128
D_OUT = 128


def setup_inputs(seed: int = 0) -> dict:
    key = jax.random.key(seed)
    ks = jax.random.split(key, 8)
    x = jax.random.normal(ks[0], (N, D_IN), dtype=jnp.float32)
    edge_index = jax.random.randint(ks[1], (2, E), 0, N, dtype=jnp.int64)
    # SAGEConv params (PyG semantics): lin_l applied to mean-aggregated neighbors (with bias),
    # lin_r applied to root features (no bias).
    s1 = 1.0 / np.sqrt(D_IN)
    s2 = 1.0 / np.sqrt(D_HID)
    W1l = jax.random.uniform(ks[2], (D_HID, D_IN), minval=-s1, maxval=s1, dtype=jnp.float32)
    b1l = jax.random.uniform(ks[3], (D_HID,), minval=-s1, maxval=s1, dtype=jnp.float32)
    W1r = jax.random.uniform(ks[4], (D_HID, D_IN), minval=-s1, maxval=s1, dtype=jnp.float32)
    W2l = jax.random.uniform(ks[5], (D_OUT, D_HID), minval=-s2, maxval=s2, dtype=jnp.float32)
    b2l = jax.random.uniform(ks[6], (D_OUT,), minval=-s2, maxval=s2, dtype=jnp.float32)
    W2r = jax.random.uniform(ks[7], (D_OUT, D_HID), minval=-s2, maxval=s2, dtype=jnp.float32)
    return {"x": x, "edge_index": edge_index, "W1l": W1l, "b1l": b1l, "W1r": W1r,
            "W2l": W2l, "b2l": b2l, "W2r": W2r}


def _sage_conv(x, src, dst, Wl, bl, Wr, num_nodes):
    # message = x[src]; mean-aggregate at dst
    msgs = jnp.take(x, src, axis=0)
    summed = jax.ops.segment_sum(msgs, dst, num_segments=num_nodes)
    deg = jax.ops.segment_sum(jnp.ones((src.shape[0],), dtype=x.dtype), dst, num_segments=num_nodes)
    deg = jnp.clip(deg, 1.0, None)
    mean_agg = summed / deg[:, None]
    return mean_agg @ Wl.T + bl + x @ Wr.T


def reference(x, edge_index, W1l, b1l, W1r, W2l, b2l, W2r):
    src = edge_index[0]
    dst = edge_index[1]
    h = _sage_conv(x, src, dst, W1l, b1l, W1r, N)
    h = jax.nn.relu(h)
    out = _sage_conv(h, src, dst, W2l, b2l, W2r, N)
    return out

if __name__ == "__main__":
    import jax
    _d = setup_inputs()
    print(jax.jit(kernel)(*tuple(_d.values())))

</pallas_src>

<mosaic_0001>
#map = affine_map<(d0, d1) -> (0, 0)>
#map1 = affine_map<(d0, d1) -> (0, 0, 0)>
module attributes {stable_mosaic.version = 14 : i64} {
  func.func @body(%arg0: i32, %arg1: i32, %arg2: memref<10000x128xf32, #tpu.memory_space<hbm>>, %arg3: memref<2496x2x128xi32, #tpu.memory_space<hbm>>, %arg4: memref<32x2x16xi32, #tpu.memory_space<hbm>>, %arg5: memref<128x128xf32, #tpu.memory_space<hbm>>, %arg6: memref<128x128xf32, #tpu.memory_space<hbm>>, %arg7: memref<2x10240x128xf32, #tpu.memory_space<hbm>>, %arg8: memref<2x128xi32, #tpu.memory_space<vmem>>, %arg9: memref<2x128xi32, #tpu.memory_space<vmem>>, %arg10: memref<128x128xf32, #tpu.memory_space<vmem>>, %arg11: memref<128x128xf32, #tpu.memory_space<vmem>>, %arg12: memref<10240x128xf32, #tpu.memory_space<vmem_shared>>, %arg13: memref<!tpu.dma_semaphore, #tpu.memory_space<semaphore_mem>>, %arg14: memref<!tpu.dma_semaphore, #tpu.memory_space<semaphore_mem>>, %arg15: memref<!tpu.dma_semaphore, #tpu.memory_space<semaphore_mem>>, %arg16: memref<!tpu.dma_semaphore, #tpu.memory_space<semaphore_mem>>, %arg17: memref<2x16xi32, #tpu.memory_space<vmem>>, %arg18: memref<16x128xf32, #tpu.memory_space<vmem>>) attributes {dimension_semantics = [#tpu.dimension_semantics<core_parallel>, #tpu.dimension_semantics<subcore_parallel>], iteration_bounds = array<i64: 2, 16>, scalar_prefetch = 0 : i64, scratch_operands = 11 : i64, tpu.core_type = #tpu.core_type<sc_vector_subcore>, window_params = [{transform_indices = #map}, {transform_indices = #map1}, {transform_indices = #map1}, {transform_indices = #map}, {transform_indices = #map}, {transform_indices = #map1}]} {
    %mul3A = arith.constant 16 : i32
    %mul3A_0 = arith.muli %arg0, %mul3A : i32
    %add3A = arith.addi %mul3A_0, %arg1 : i32
    %mul3A_1 = arith.constant 640 : i32
    %mul3A_2 = arith.muli %arg1, %mul3A_1 : i32
    %mul3A_3 = arith.constant 78 : i32
    %mul3A_4 = arith.muli %add3A, %mul3A_3 : i32
    "tpu.region"() ({
      %run_scoped3A_170 = tpu.sem_alloc : memref<!tpu.dma_semaphore, #tpu.memory_space<semaphore_mem>>
      tpu.enqueue_dma source(%arg5 : memref<128x128xf32, #tpu.memory_space<hbm>>) target(%arg10 : memref<128x128xf32, #tpu.memory_space<vmem>>) target_semaphore(%run_scoped3A_170 : memref<!tpu.dma_semaphore, #tpu.memory_space<semaphore_mem>>)
      tpu.wait_dma2 semaphore(%run_scoped3A_170 : memref<!tpu.dma_semaphore, #tpu.memory_space<semaphore_mem>>) src(%arg5 : memref<128x128xf32, #tpu.memory_space<hbm>>) dst(%arg10 : memref<128x128xf32, #tpu.memory_space<vmem>>)
      tpu.yield
    }) : () -> ()
    %add3A_5 = arith.constant 0 : i32
    %add3A_6 = arith.addi %mul3A_2, %add3A_5 : i32
    %dma_start3A = arith.constant 0 : i32
    %dma_start3A_7 = tpu.memref_slice %arg12[%add3A_6, %dma_start3A] : memref<10240x128xf32, #tpu.memory_space<vmem_shared>> -> memref<128x128xf32, #tpu.memory_space<vmem_shared>>
    %dma_start3A_8 = arith.constant 0 : i32
    %dma_start3A_9 = tpu.memref_slice %arg12[%add3A_6, %dma_start3A_8] : memref<10240x128xf32, #tpu.memory_space<vmem_shared>> -> memref<128x128xf32, #tpu.memory_space<vmem_shared>>
    tpu.enqueue_dma source(%arg10 : memref<128x128xf32, #tpu.memory_space<vmem>>) target(%dma_start3A_9 : memref<128x128xf32, #tpu.memory_space<vmem_shared>>) target_semaphore(%arg13 : memref<!tpu.dma_semaphore, #tpu.memory_space<semaphore_mem>>)
    %add3A_10 = arith.constant 128 : i32
    %add3A_11 = arith.addi %mul3A_2, %add3A_10 : i32
    %dma_start3A_12 = arith.constant 0 : i32
    %dma_start3A_13 = tpu.memref_slice %arg12[%add3A_11, %dma_start3A_12] : memref<10240x128xf32, #tpu.memory_space<vmem_shared>> -> memref<128x128xf32, #tpu.memory_space<vmem_shared>>
    %dma_start3A_14 = arith.constant 0 : i32
    %dma_start3A_15 = tpu.memref_slice %arg12[%add3A_11, %dma_start3A_14] : memref<10240x128xf32, #tpu.memory_space<vmem_shared>> -> memref<128x128xf32, #tpu.memory_space<vmem_shared>>
    tpu.enqueue_dma source(%arg10 : memref<128x128xf32, #tpu.memory_space<vmem>>) target(%dma_start3A_15 : memref<128x128xf32, #tpu.memory_space<vmem_shared>>) target_semaphore(%arg13 : memref<!tpu.dma_semaphore, #tpu.memory_space<semaphore_mem>>)
    %add3A_16 = arith.constant 256 : i32
    %add3A_17 = arith.addi %mul3A_2, %add3A_16 : i32
    %dma_start3A_18 = arith.constant 0 : i32
    %dma_start3A_19 = tpu.memref_slice %arg12[%add3A_17, %dma_start3A_18] : memref<10240x128xf32, #tpu.memory_space<vmem_shared>> -> memref<128x128xf32, #tpu.memory_space<vmem_shared>>
    %dma_start3A_20 = arith.constant 0 : i32
    %dma_start3A_21 = tpu.memref_slice %arg12[%add3A_17, %dma_start3A_20] : memref<10240x128xf32, #tpu.memory_space<vmem_shared>> -> memref<128x128xf32, #tpu.memory_space<vmem_shared>>
    tpu.enqueue_dma source(%arg10 : memref<128x128xf32, #tpu.memory_space<vmem>>) target(%dma_start3A_21 : memref<128x128xf32, #tpu.memory_space<vmem_shared>>) target_semaphore(%arg13 : memref<!tpu.dma_semaphore, #tpu.memory_space<semaphore_mem>>)
    %add3A_22 = arith.constant 384 : i32
    %add3A_23 = arith.addi %mul3A_2, %add3A_22 : i32
    %dma_start3A_24 = arith.constant 0 : i32
    %dma_start3A_25 = tpu.memref_slice %arg12[%add3A_23, %dma_start3A_24] : memref<10240x128xf32, #tpu.memory_space<vmem_shared>> -> memref<128x128xf32, #tpu.memory_space<vmem_shared>>
    %dma_start3A_26 = arith.constant 0 : i32
    %dma_start3A_27 = tpu.memref_slice %arg12[%add3A_23, %dma_start3A_26] : memref<10240x128xf32, #tpu.memory_space<vmem_shared>> -> memref<128x128xf32, #tpu.memory_space<vmem_shared>>
    tpu.enqueue_dma source(%arg10 : memref<128x128xf32, #tpu.memory_space<vmem>>) target(%dma_start3A_27 : memref<128x128xf32, #tpu.memory_space<vmem_shared>>) target_semaphore(%arg13 : memref<!tpu.dma_semaphore, #tpu.memory_space<semaphore_mem>>)
    %add3A_28 = arith.constant 512 : i32
    %add3A_29 = arith.addi %mul3A_2, %add3A_28 : i32
    %dma_start3A_30 = arith.constant 0 : i32
    %dma_start3A_31 = tpu.memref_slice %arg12[%add3A_29, %dma_start3A_30] : memref<10240x128xf32, #tpu.memory_space<vmem_shared>> -> memref<128x128xf32, #tpu.memory_space<vmem_shared>>
    %dma_start3A_32 = arith.constant 0 : i32
    %dma_start3A_33 = tpu.memref_slice %arg12[%add3A_29, %dma_start3A_32] : memref<10240x128xf32, #tpu.memory_space<vmem_shared>> -> memref<128x128xf32, #tpu.memory_space<vmem_shared>>
    tpu.enqueue_dma source(%arg10 : memref<128x128xf32, #tpu.memory_space<vmem>>) target(%dma_start3A_33 : memref<128x128xf32, #tpu.memory_space<vmem_shared>>) target_semaphore(%arg13 : memref<!tpu.dma_semaphore, #tpu.memory_space<semaphore_mem>>)
    %dma_wait3A = arith.constant 0 : i32
    %dma_wait3A_34 = tpu.memref_slice %arg12[%add3A_6, %dma_wait3A] : memref<10240x128xf32, #tpu.memory_space<vmem_shared>> -> memref<128x128xf32, #tpu.memory_space<vmem_shared>>
    %dma_wait3A_35 = arith.constant 0 : i32
    %dma_wait3A_36 = tpu.memref_slice %arg12[%add3A_6, %dma_wait3A_35] : memref<10240x128xf32, #tpu.memory_space<vmem_shared>> -> memref<128x128xf32, #tpu.memory_space<vmem_shared>>
    tpu.wait_dma2 semaphore(%arg13 : memref<!tpu.dma_semaphore, #tpu.memory_space<semaphore_mem>>) src(%arg10 : memref<128x128xf32, #tpu.memory_space<vmem>>) dst(%dma_wait3A_36 : memref<128x128xf32, #tpu.memory_space<vmem_shared>>)
    %dma_wait3A_37 = arith.constant 0 : i32
    %dma_wait3A_38 = tpu.memref_slice %arg12[%add3A_11, %dma_wait3A_37] : memref<10240x128xf32, #tpu.memory_space<vmem_shared>> -> memref<128x128xf32, #tpu.memory_space<vmem_shared>>
    %dma_wait3A_39 = arith.constant 0 : i32
    %dma_wait3A_40 = tpu.memref_slice %arg12[%add3A_11, %dma_wait3A_39] : memref<10240x128xf32, #tpu.memory_space<vmem_shared>> -> memref<128x128xf32, #tpu.memory_space<vmem_shared>>
    tpu.wait_dma2 semaphore(%arg13 : memref<!tpu.dma_semaphore, #tpu.memory_space<semaphore_mem>>) src(%arg10 : memref<128x128xf32, #tpu.memory_space<vmem>>) dst(%dma_wait3A_40 : memref<128x128xf32, #tpu.memory_space<vmem_shared>>)
    %dma_wait3A_41 = arith.constant 0 : i32
    %dma_wait3A_42 = tpu.memref_slice %arg12[%add3A_17, %dma_wait3A_41] : memref<10240x128xf32, #tpu.memory_space<vmem_shared>> -> memref<128x128xf32, #tpu.memory_space<vmem_shared>>
    %dma_wait3A_43 = arith.constant 0 : i32
    %dma_wait3A_44 = tpu.memref_slice %arg12[%add3A_17, %dma_wait3A_43] : memref<10240x128xf32, #tpu.memory_space<vmem_shared>> -> memref<128x128xf32, #tpu.memory_space<vmem_shared>>
    tpu.wait_dma2 semaphore(%arg13 : memref<!tpu.dma_semaphore, #tpu.memory_space<semaphore_mem>>) src(%arg10 : memref<128x128xf32, #tpu.memory_space<vmem>>) dst(%dma_wait3A_44 : memref<128x128xf32, #tpu.memory_space<vmem_shared>>)
    %dma_wait3A_45 = arith.constant 0 : i32
    %dma_wait3A_46 = tpu.memref_slice %arg12[%add3A_23, %dma_wait3A_45] : memref<10240x128xf32, #tpu.memory_space<vmem_shared>> -> memref<128x128xf32, #tpu.memory_space<vmem_shared>>
    %dma_wait3A_47 = arith.constant 0 : i32
    %dma_wait3A_48 = tpu.memref_slice %arg12[%add3A_23, %dma_wait3A_47] : memref<10240x128xf32, #tpu.memory_space<vmem_shared>> -> memref<128x128xf32, #tpu.memory_space<vmem_shared>>
    tpu.wait_dma2 semaphore(%arg13 : memref<!tpu.dma_semaphore, #tpu.memory_space<semaphore_mem>>) src(%arg10 : memref<128x128xf32, #tpu.memory_space<vmem>>) dst(%dma_wait3A_48 : memref<128x128xf32, #tpu.memory_space<vmem_shared>>)
    %dma_wait3A_49 = arith.constant 0 : i32
    %dma_wait3A_50 = tpu.memref_slice %arg12[%add3A_29, %dma_wait3A_49] : memref<10240x128xf32, #tpu.memory_space<vmem_shared>> -> memref<128x128xf32, #tpu.memory_space<vmem_shared>>
    %dma_wait3A_51 = arith.constant 0 : i32
    %dma_wait3A_52 = tpu.memref_slice %arg12[%add3A_29, %dma_wait3A_51] : memref<10240x128xf32, #tpu.memory_space<vmem_shared>> -> memref<128x128xf32, #tpu.memory_space<vmem_shared>>
    tpu.wait_dma2 semaphore(%arg13 : memref<!tpu.dma_semaphore, #tpu.memory_space<semaphore_mem>>) src(%arg10 : memref<128x128xf32, #tpu.memory_space<vmem>>) dst(%dma_wait3A_52 : memref<128x128xf32, #tpu.memory_space<vmem_shared>>)
    %barrier3A = arith.constant 0 : index
    tpu.barrier barrier_id(%barrier3A)
    "tpu.region"() ({
      %run_scoped3A_170 = tpu.sem_alloc : memref<!tpu.dma_semaphore, #tpu.memory_space<semaphore_mem>>
      %dma_start3A_171 = arith.constant 0 : i32
      %dma_start3A_172 = arith.constant 0 : i32
      %dma_start3A_173 = tpu.memref_slice %arg3[%mul3A_4, %dma_start3A_171, %dma_start3A_172] : memref<2496x2x128xi32, #tpu.memory_space<hbm>> -> memref<1x2x128xi32, #tpu.memory_space<hbm>>
      %dma_start3A_174 = tpu.memref_squeeze %dma_start3A_173 : memref<1x2x128xi32, #tpu.memory_space<hbm>> -> memref<2x128xi32, #tpu.memory_space<hbm>>
      %dma_start3A_175 = arith.constant 0 : i32
      %dma_start3A_176 = arith.constant 0 : i32
      %dma_start3A_177 = tpu.memref_slice %arg3[%mul3A_4, %dma_start3A_175, %dma_start3A_176] : memref<2496x2x128xi32, #tpu.memory_space<hbm>> -> memref<1x2x128xi32, #tpu.memory_space<hbm>>
      %dma_start3A_178 = tpu.memref_squeeze %dma_start3A_177 : memref<1x2x128xi32, #tpu.memory_space<hbm>> -> memref<2x128xi32, #tpu.memory_space<hbm>>
      tpu.enqueue_dma source(%dma_start3A_178 : memref<2x128xi32, #tpu.memory_space<hbm>>) target(%arg8 : memref<2x128xi32, #tpu.memory_space<vmem>>) target_semaphore(%run_scoped3A_170 : memref<!tpu.dma_semaphore, #tpu.memory_space<semaphore_mem>>)
      %dma_wait3A_179 = arith.constant 0 : i32
      %dma_wait3A_180 = arith.constant 0 : i32
      %dma_wait3A_181 = tpu.memref_slice %arg3[%mul3A_4, %dma_wait3A_179, %dma_wait3A_180] : memref<2496x2x128xi32, #tpu.memory_space<hbm>> -> memref<1x2x128xi32, #tpu.memory_space<hbm>>
      %dma_wait3A_182 = tpu.memref_squeeze %dma_wait3A_181 : memref<1x2x128xi32, #tpu.memory_space<hbm>> -> memref<2x128xi32, #tpu.memory_space<hbm>>
      %dma_wait3A_183 = arith.constant 0 : i32
      %dma_wait3A_184 = arith.constant 0 : i32
      %dma_wait3A_185 = tpu.memref_slice %arg3[%mul3A_4, %dma_wait3A_183, %dma_wait3A_184] : memref<2496x2x128xi32, #tpu.memory_space<hbm>> -> memref<1x2x128xi32, #tpu.memory_space<hbm>>
      %dma_wait3A_186 = tpu.memref_squeeze %dma_wait3A_185 : memref<1x2x128xi32, #tpu.memory_space<hbm>> -> memref<2x128xi32, #tpu.memory_space<hbm>>
      tpu.wait_dma2 semaphore(%run_scoped3A_170 : memref<!tpu.dma_semaphore, #tpu.memory_space<semaphore_mem>>) src(%dma_wait3A_186 : memref<2x128xi32, #tpu.memory_space<hbm>>) dst(%arg8 : memref<2x128xi32, #tpu.memory_space<vmem>>)
      tpu.yield
    }) : () -> ()
    %dma_start3A_53 = arith.constant 0 : i32
    %dma_start3A_54 = arith.constant 0 : i32
    %dma_start3A_55 = tpu.memref_slice %arg8[%dma_start3A_53, %dma_start3A_54] : memref<2x128xi32, #tpu.memory_space<vmem>> -> memref<1x128xi32, #tpu.memory_space<vmem>>
    %dma_start3A_56 = tpu.memref_squeeze %dma_start3A_55 : memref<1x128xi32, #tpu.memory_space<vmem>> -> memref<128xi32, #tpu.memory_space<vmem>>
    %dma_start3A_57 = arith.constant 0 : i32
    %dma_start3A_58 = arith.constant 0 : i32
    %dma_start3A_59 = tpu.memref_slice %arg2[%dma_start3A_57, %dma_start3A_58] : memref<10000x128xf32, #tpu.memory_space<hbm>> -> memref<10000x128xf32, #tpu.memory_space<hbm>>
    tpu.enqueue_indirect_dma source(%dma_start3A_59 : memref<10000x128xf32, #tpu.memory_space<hbm>>) target(%arg10 : memref<128x128xf32, #tpu.memory_space<vmem>>) offsets(%dma_start3A_56 : memref<128xi32, #tpu.memory_space<vmem>>) semaphore(%arg13 : memref<!tpu.dma_semaphore, #tpu.memory_space<semaphore_mem>>)
    %add3A_60 = arith.constant 1 : i32
    %add3A_61 = arith.addi %mul3A_4, %add3A_60 : i32
    %dma_start3A_62 = arith.constant 0 : i32
    %dma_start3A_63 = arith.constant 0 : i32
    %dma_start3A_64 = tpu.memref_slice %arg3[%add3A_61, %dma_start3A_62, %dma_start3A_63] : memref<2496x2x128xi32, #tpu.memory_space<hbm>> -> memref<1x2x128xi32, #tpu.memory_space<hbm>>
    %dma_start3A_65 = tpu.memref_squeeze %dma_start3A_64 : memref<1x2x128xi32, #tpu.memory_space<hbm>> -> memref<2x128xi32, #tpu.memory_space<hbm>>
    %dma_start3A_66 = arith.constant 0 : i32
    %dma_start3A_67 = arith.constant 0 : i32
    %dma_start3A_68 = tpu.memref_slice %arg3[%add3A_61, %dma_start3A_66, %dma_start3A_67] : memref<2496x2x128xi32, #tpu.memory_space<hbm>> -> memref<1x2x128xi32, #tpu.memory_space<hbm>>
    %dma_start3A_69 = tpu.memref_squeeze %dma_start3A_68 : memref<1x2x128xi32, #tpu.memory_space<hbm>> -> memref<2x128xi32, #tpu.memory_space<hbm>>
    tpu.enqueue_dma source(%dma_start3A_69 : memref<2x128xi32, #tpu.memory_space<hbm>>) target(%arg9 : memref<2x128xi32, #tpu.memory_space<vmem>>) target_semaphore(%arg16 : memref<!tpu.dma_semaphore, #tpu.memory_space<semaphore_mem>>)
    %scan3A = arith.constant 0 : i32
    %scan3A_70 = arith.constant 0 : i32
    %scan3A_71 = arith.constant 78 : i32
    %scan3A_72 = arith.addi %scan3A_70, %scan3A_71 : i32
    %scan3A_73 = arith.constant 1 : i32
    scf.for %scan3A_170 = %scan3A_70 to %scan3A_72 step %scan3A_73  : i32 {
      %jit3A = arith.constant 2 : i32
      %eq3A = arith.constant 0 : i32
      %eq3A_171 = arith.cmpi eq, %jit3A, %eq3A : i32
      %jit3A_172 = arith.constant 1 : i32
      %select_n3A = arith.select %eq3A_171, %jit3A_172, %jit3A : i32
      %rem3A = arith.remsi %scan3A_170, %select_n3A : i32
      %ne3A = arith.constant 0 : i32
      %ne3A_173 = arith.cmpi ne, %rem3A, %ne3A : i32
      %lt3A = arith.constant 0 : i32
      %lt3A_174 = arith.cmpi slt, %rem3A, %lt3A : i32
      %lt3A_175 = arith.constant 0 : i32
      %lt3A_176 = arith.cmpi slt, %select_n3A, %lt3A_175 : i32
      %ne3A_177 = arith.xori %lt3A_174, %lt3A_176 : i1
      %and3A = arith.andi %ne3A_177, %ne3A_173 : i1
      %add3A_178 = arith.addi %rem3A, %select_n3A : i32
      %select_n3A_179 = arith.select %and3A, %add3A_178, %rem3A : i32
      %eq3A_180 = arith.constant 0 : i32
      %eq3A_181 = arith.cmpi eq, %select_n3A_179, %eq3A_180 : i32
      %convert_element_type3A = arith.extui %eq3A_181 : i1 to i32
      %cond3A = arith.constant 0 : i32
      %cond3A_182 = arith.cmpi ne, %convert_element_type3A, %cond3A : i32
      scf.if %cond3A_182 {
        %lt3A_204 = arith.constant 77 : i32
        %lt3A_205 = arith.cmpi slt, %scan3A_170, %lt3A_204 : i32
        %convert_element_type3A_206 = arith.extui %lt3A_205 : i1 to i32
        %cond3A_207 = arith.constant 0 : i32
        %cond3A_208 = arith.cmpi ne, %convert_element_type3A_206, %cond3A_207 : i32
        scf.if %cond3A_208 {
          %dma_wait3A_222 = arith.constant 0 : i32
          %dma_wait3A_223 = arith.constant 0 : i32
          %dma_wait3A_224 = tpu.memref_slice %arg3[%mul3A_4, %dma_wait3A_222, %dma_wait3A_223] : memref<2496x2x128xi32, #tpu.memory_space<hbm>> -> memref<1x2x128xi32, #tpu.memory_space<hbm>>
          %dma_wait3A_225 = tpu.memref_squeeze %dma_wait3A_224 : memref<1x2x128xi32, #tpu.memory_space<hbm>> -> memref<2x128xi32, #tpu.memory_space<hbm>>
          %dma_wait3A_226 = arith.constant 0 : i32
          %dma_wait3A_227 = arith.constant 0 : i32
          %dma_wait3A_228 = tpu.memref_slice %arg3[%mul3A_4, %dma_wait3A_226, %dma_wait3A_227] : memref<2496x2x128xi32, #tpu.memory_space<hbm>> -> memref<1x2x128xi32, #tpu.memory_space<hbm>>
          %dma_wait3A_229 = tpu.memref_squeeze %dma_wait3A_228 : memref<1x2x128xi32, #tpu.memory_space<hbm>> -> memref<2x128xi32, #tpu.memory_space<hbm>>
          tpu.wait_dma2 semaphore(%arg16 : memref<!tpu.dma_semaphore, #tpu.memory_space<semaphore_mem>>) src(%dma_wait3A_229 : memref<2x128xi32, #tpu.memory_space<hbm>>) dst(%arg9 : memref<2x128xi32, #tpu.memory_space<vmem>>)
          %dma_start3A_230 = arith.constant 0 : i32
          %dma_start3A_231 = arith.constant 0 : i32
          %dma_start3A_232 = tpu.memref_slice %arg9[%dma_start3A_230, %dma_start3A_231] : memref<2x128xi32, #tpu.memory_space<vmem>> -> memref<1x128xi32, #tpu.memory_space<vmem>>
          %dma_start3A_233 = tpu.memref_squeeze %dma_start3A_232 : memref<1x128xi32, #tpu.memory_space<vmem>> -> memref<128xi32, #tpu.memory_space<vmem>>
          %dma_start3A_234 = arith.constant 0 : i32
          %dma_start3A_235 = arith.constant 0 : i32
          %dma_start3A_236 = tpu.memref_slice %arg2[%dma_start3A_234, %dma_start3A_235] : memref<10000x128xf32, #tpu.memory_space<hbm>> -> memref<10000x128xf32, #tpu.memory_space<hbm>>
          tpu.enqueue_indirect_dma source(%dma_start3A_236 : memref<10000x128xf32, #tpu.memory_space<hbm>>) target(%arg11 : memref<128x128xf32, #tpu.memory_space<vmem>>) offsets(%dma_start3A_233 : memref<128xi32, #tpu.memory_space<vmem>>) semaphore(%arg14 : memref<!tpu.dma_semaphore, #tpu.memory_space<semaphore_mem>>)
        } else {
        }
        %dma_wait3A_209 = arith.constant 0 : i32
        %dma_wait3A_210 = arith.constant 0 : i32
        %dma_wait3A_211 = tpu.memref_slice %arg8[%dma_wait3A_209, %dma_wait3A_210] : memref<2x128xi32, #tpu.memory_space<vmem>> -> memref<1x128xi32, #tpu.memory_space<vmem>>
        %dma_wait3A_212 = tpu.memref_squeeze %dma_wait3A_211 : memref<1x128xi32, #tpu.memory_space<vmem>> -> memref<128xi32, #tpu.memory_space<vmem>>
        %dma_wait3A_213 = arith.constant 0 : i32
        %dma_wait3A_214 = arith.constant 0 : i32
        %dma_wait3A_215 = tpu.memref_slice %arg2[%dma_wait3A_213, %dma_wait3A_214] : memref<10000x128xf32, #tpu.memory_space<hbm>> -> memref<10000x128xf32, #tpu.memory_space<hbm>>
        tpu.wait_indirect_dma semaphore(%arg13 : memref<!tpu.dma_semaphore, #tpu.memory_space<semaphore_mem>>) src(%dma_wait3A_215 : memref<10000x128xf32, #tpu.memory_space<hbm>>) dst(%arg10 : memref<128x128xf32, #tpu.memory_space<vmem>>)
        %run_scoped3A_216 = arith.constant 1 : i32
        "tpu.region"() ({
          %run_scoped3A_222 = tpu.sem_alloc : memref<!tpu.dma_semaphore, #tpu.memory_space<semaphore_mem>>
          %dma_start3A_223 = arith.constant 0 : i32
          %dma_start3A_224 = tpu.memref_slice %arg8[%run_scoped3A_216, %dma_start3A_223] : memref<2x128xi32, #tpu.memory_space<vmem>> -> memref<1x128xi32, #tpu.memory_space<vmem>>
          %dma_start3A_225 = tpu.memref_squeeze %dma_start3A_224 : memref<1x128xi32, #tpu.memory_space<vmem>> -> memref<128xi32, #tpu.memory_space<vmem>>
          %dma_start3A_226 = arith.constant 0 : i32
          %dma_start3A_227 = arith.constant 0 : i32
          %dma_start3A_228 = tpu.memref_slice %arg12[%dma_start3A_226, %dma_start3A_227] : memref<10240x128xf32, #tpu.memory_space<vmem_shared>> -> memref<10240x128xf32, #tpu.memory_space<vmem_shared>>
          tpu.enqueue_indirect_dma source(%arg10 : memref<128x128xf32, #tpu.memory_space<vmem>>) target(%dma_start3A_228 : memref<10240x128xf32, #tpu.memory_space<vmem_shared>>) offsets(%dma_start3A_225 : memref<128xi32, #tpu.memory_space<vmem>>) semaphore(%run_scoped3A_222 : memref<!tpu.dma_semaphore, #tpu.memory_space<semaphore_mem>>) {add = true}
          %dma_wait3A_229 = arith.constant 0 : i32
          %dma_wait3A_230 = tpu.memref_slice %arg8[%run_scoped3A_216, %dma_wait3A_229] : memref<2x128xi32, #tpu.memory_space<vmem>> -> memref<1x128xi32, #tpu.memory_space<vmem>>
          %dma_wait3A_231 = tpu.memref_squeeze %dma_wait3A_230 : memref<1x128xi32, #tpu.memory_space<vmem>> -> memref<128xi32, #tpu.memory_space<vmem>>
          %dma_wait3A_232 = arith.constant 0 : i32
          %dma_wait3A_233 = arith.constant 0 : i32
          %dma_wait3A_234 = tpu.memref_slice %arg12[%dma_wait3A_232, %dma_wait3A_233] : memref<10240x128xf32, #tpu.memory_space<vmem_shared>> -> memref<10240x128xf32, #tpu.memory_space<vmem_shared>>
          tpu.wait_indirect_dma semaphore(%run_scoped3A_222 : memref<!tpu.dma_semaphore, #tpu.memory_space<semaphore_mem>>) src(%arg10 : memref<128x128xf32, #tpu.memory_space<vmem>>) dst(%dma_wait3A_234 : memref<10240x128xf32, #tpu.memory_space<vmem_shared>>)
          tpu.yield
        }) : () -> ()
        %lt3A_217 = arith.constant 76 : i32
        %lt3A_218 = arith.cmpi slt, %scan3A_170, %lt3A_217 : i32
        %convert_element_type3A_219 = arith.extui %lt3A_218 : i1 to i32
        %cond3A_220 = arith.constant 0 : i32
        %cond3A_221 = arith.cmpi ne, %convert_element_type3A_219, %cond3A_220 : i32
        scf.if %cond3A_221 {
          %add3A_222 = arith.addi %mul3A_4, %scan3A_170 : i32
          %add3A_223 = arith.constant 2 : i32
          %add3A_224 = arith.addi %add3A_222, %add3A_223 : i32
          %dma_start3A_225 = arith.constant 0 : i32
          %dma_start3A_226 = arith.constant 0 : i32
          %dma_start3A_227 = tpu.memref_slice %arg3[%add3A_224, %dma_start3A_225, %dma_start3A_226] : memref<2496x2x128xi32, #tpu.memory_space<hbm>> -> memref<1x2x128xi32, #tpu.memory_space<hbm>>
          %dma_start3A_228 = tpu.memref_squeeze %dma_start3A_227 : memref<1x2x128xi32, #tpu.memory_space<hbm>> -> memref<2x128xi32, #tpu.memory_space<hbm>>
          %dma_start3A_229 = arith.constant 0 : i32
          %dma_start3A_230 = arith.constant 0 : i32
          %dma_start3A_231 = tpu.memref_slice %arg3[%add3A_224, %dma_start3A_229, %dma_start3A_230] : memref<2496x2x128xi32, #tpu.memory_space<hbm>> -> memref<1x2x128xi32, #tpu.memory_space<hbm>>
          %dma_start3A_232 = tpu.memref_squeeze %dma_start3A_231 : memref<1x2x128xi32, #tpu.memory_space<hbm>> -> memref<2x128xi32, #tpu.memory_space<hbm>>
          tpu.enqueue_dma source(%dma_start3A_232 : memref<2x128xi32, #tpu.memory_space<hbm>>) target(%arg8 : memref<2x128xi32, #tpu.memory_space<vmem>>) target_semaphore(%arg15 : memref<!tpu.dma_semaphore, #tpu.memory_space<semaphore_mem>>)
        } else {
        }
      } else {
      }
      %jit3A_183 = arith.constant 2 : i32
      %eq3A_184 = arith.constant 0 : i32
      %eq3A_185 = arith.cmpi eq, %jit3A_183, %eq3A_184 : i32
      %jit3A_186 = arith.constant 1 : i32
      %select_n3A_187 = arith.select %eq3A_185, %jit3A_186, %jit3A_183 : i32
      %rem3A_188 = arith.remsi %scan3A_170, %select_n3A_187 : i32
      %ne3A_189 = arith.constant 0 : i32
      %ne3A_190 = arith.cmpi ne, %rem3A_188, %ne3A_189 : i32
      %lt3A_191 = arith.constant 0 : i32
      %lt3A_192 = arith.cmpi slt, %rem3A_188, %lt3A_191 : i32
      %lt3A_193 = arith.constant 0 : i32
      %lt3A_194 = arith.cmpi slt, %select_n3A_187, %lt3A_193 : i32
      %ne3A_195 = arith.xori %lt3A_192, %lt3A_194 : i1
      %and3A_196 = arith.andi %ne3A_195, %ne3A_190 : i1
      %add3A_197 = arith.addi %rem3A_188, %select_n3A_187 : i32
      %select_n3A_198 = arith.select %and3A_196, %add3A_197, %rem3A_188 : i32
      %eq3A_199 = arith.constant 1 : i32
      %eq3A_200 = arith.cmpi eq, %select_n3A_198, %eq3A_199 : i32
      %convert_element_type3A_201 = arith.extui %eq3A_200 : i1 to i32
      %cond3A_202 = arith.constant 0 : i32
      %cond3A_203 = arith.cmpi ne, %convert_element_type3A_201, %cond3A_202 : i32
      scf.if %cond3A_203 {
        %lt3A_204 = arith.constant 77 : i32
        %lt3A_205 = arith.cmpi slt, %scan3A_170, %lt3A_204 : i32
        %convert_element_type3A_206 = arith.extui %lt3A_205 : i1 to i32
        %cond3A_207 = arith.constant 0 : i32
        %cond3A_208 = arith.cmpi ne, %convert_element_type3A_206, %cond3A_207 : i32
        scf.if %cond3A_208 {
          %dma_wait3A_222 = arith.constant 0 : i32
          %dma_wait3A_223 = arith.constant 0 : i32
          %dma_wait3A_224 = tpu.memref_slice %arg3[%mul3A_4, %dma_wait3A_222, %dma_wait3A_223] : memref<2496x2x128xi32, #tpu.memory_space<hbm>> -> memref<1x2x128xi32, #tpu.memory_space<hbm>>
          %dma_wait3A_225 = tpu.memref_squeeze %dma_wait3A_224 : memref<1x2x128xi32, #tpu.memory_space<hbm>> -> memref<2x128xi32, #tpu.memory_space<hbm>>
          %dma_wait3A_226 = arith.constant 0 : i32
          %dma_wait3A_227 = arith.constant 0 : i32
          %dma_wait3A_228 = tpu.memref_slice %arg3[%mul3A_4, %dma_wait3A_226, %dma_wait3A_227] : memref<2496x2x128xi32, #tpu.memory_space<hbm>> -> memref<1x2x128xi32, #tpu.memory_space<hbm>>
          %dma_wait3A_229 = tpu.memref_squeeze %dma_wait3A_228 : memref<1x2x128xi32, #tpu.memory_space<hbm>> -> memref<2x128xi32, #tpu.memory_space<hbm>>
          tpu.wait_dma2 semaphore(%arg15 : memref<!tpu.dma_semaphore, #tpu.memory_space<semaphore_mem>>) src(%dma_wait3A_229 : memref<2x128xi32, #tpu.memory_space<hbm>>) dst(%arg8 : memref<2x128xi32, #tpu.memory_space<vmem>>)
          %dma_start3A_230 = arith.constant 0 : i32
          %dma_start3A_231 = arith.constant 0 : i32
          %dma_start3A_232 = tpu.memref_slice %arg8[%dma_start3A_230, %dma_start3A_231] : memref<2x128xi32, #tpu.memory_space<vmem>> -> memref<1x128xi32, #tpu.memory_space<vmem>>
          %dma_start3A_233 = tpu.memref_squeeze %dma_start3A_232 : memref<1x128xi32, #tpu.memory_space<vmem>> -> memref<128xi32, #tpu.memory_space<vmem>>
          %dma_start3A_234 = arith.constant 0 : i32
          %dma_start3A_235 = arith.constant 0 : i32
          %dma_start3A_236 = tpu.memref_slice %arg2[%dma_start3A_234, %dma_start3A_235] : memref<10000x128xf32, #tpu.memory_space<hbm>> -> memref<10000x128xf32, #tpu.memory_space<hbm>>
          tpu.enqueue_indirect_dma source(%dma_start3A_236 : memref<10000x128xf32, #tpu.memory_space<hbm>>) target(%arg10 : memref<128x128xf32, #tpu.memory_space<vmem>>) offsets(%dma_start3A_233 : memref<128xi32, #tpu.memory_space<vmem>>) semaphore(%arg13 : memref<!tpu.dma_semaphore, #tpu.memory_space<semaphore_mem>>)
        } else {
        }
        %dma_wait3A_209 = arith.constant 0 : i32
        %dma_wait3A_210 = arith.constant 0 : i32
        %dma_wait3A_211 = tpu.memref_slice %arg9[%dma_wait3A_209, %dma_wait3A_210] : memref<2x128xi32, #tpu.memory_space<vmem>> -> memref<1x128xi32, #tpu.memory_space<vmem>>
        %dma_wait3A_212 = tpu.memref_squeeze %dma_wait3A_211 : memref<1x128xi32, #tpu.memory_space<vmem>> -> memref<128xi32, #tpu.memory_space<vmem>>
        %dma_wait3A_213 = arith.constant 0 : i32
        %dma_wait3A_214 = arith.constant 0 : i32
        %dma_wait3A_215 = tpu.memref_slice %arg2[%dma_wait3A_213, %dma_wait3A_214] : memref<10000x128xf32, #tpu.memory_space<hbm>> -> memref<10000x128xf32, #tpu.memory_space<hbm>>
        tpu.wait_indirect_dma semaphore(%arg14 : memref<!tpu.dma_semaphore, #tpu.memory_space<semaphore_mem>>) src(%dma_wait3A_215 : memref<10000x128xf32, #tpu.memory_space<hbm>>) dst(%arg11 : memref<128x128xf32, #tpu.memory_space<vmem>>)
        %run_scoped3A_216 = arith.constant 1 : i32
        "tpu.region"() ({
          %run_scoped3A_222 = tpu.sem_alloc : memref<!tpu.dma_semaphore, #tpu.memory_space<semaphore_mem>>
          %dma_start3A_223 = arith.constant 0 : i32
          %dma_start3A_224 = tpu.memref_slice %arg9[%run_scoped3A_216, %dma_start3A_223] : memref<2x128xi32, #tpu.memory_space<vmem>> -> memref<1x128xi32, #tpu.memory_space<vmem>>
          %dma_start3A_225 = tpu.memref_squeeze %dma_start3A_224 : memref<1x128xi32, #tpu.memory_space<vmem>> -> memref<128xi32, #tpu.memory_space<vmem>>
          %dma_start3A_226 = arith.constant 0 : i32
          %dma_start3A_227 = arith.constant 0 : i32
          %dma_start3A_228 = tpu.memref_slice %arg12[%dma_start3A_226, %dma_start3A_227] : memref<10240x128xf32, #tpu.memory_space<vmem_shared>> -> memref<10240x128xf32, #tpu.memory_space<vmem_shared>>
          tpu.enqueue_indirect_dma source(%arg11 : memref<128x128xf32, #tpu.memory_space<vmem>>) target(%dma_start3A_228 : memref<10240x128xf32, #tpu.memory_space<vmem_shared>>) offsets(%dma_start3A_225 : memref<128xi32, #tpu.memory_space<vmem>>) semaphore(%run_scoped3A_222 : memref<!tpu.dma_semaphore, #tpu.memory_space<semaphore_mem>>) {add = true}
          %dma_wait3A_229 = arith.constant 0 : i32
          %dma_wait3A_230 = tpu.memref_slice %arg9[%run_scoped3A_216, %dma_wait3A_229] : memref<2x128xi32, #tpu.memory_space<vmem>> -> memref<1x128xi32, #tpu.memory_space<vmem>>
          %dma_wait3A_231 = tpu.memref_squeeze %dma_wait3A_230 : memref<1x128xi32, #tpu.memory_space<vmem>> -> memref<128xi32, #tpu.memory_space<vmem>>
          %dma_wait3A_232 = arith.constant 0 : i32
          %dma_wait3A_233 = arith.constant 0 : i32
          %dma_wait3A_234 = tpu.memref_slice %arg12[%dma_wait3A_232, %dma_wait3A_233] : memref<10240x128xf32, #tpu.memory_space<vmem_shared>> -> memref<10240x128xf32, #tpu.memory_space<vmem_shared>>
          tpu.wait_indirect_dma semaphore(%run_scoped3A_222 : memref<!tpu.dma_semaphore, #tpu.memory_space<semaphore_mem>>) src(%arg11 : memref<128x128xf32, #tpu.memory_space<vmem>>) dst(%dma_wait3A_234 : memref<10240x128xf32, #tpu.memory_space<vmem_shared>>)
          tpu.yield
        }) : () -> ()
        %lt3A_217 = arith.constant 76 : i32
        %lt3A_218 = arith.cmpi slt, %scan3A_170, %lt3A_217 : i32
        %convert_element_type3A_219 = arith.extui %lt3A_218 : i1 to i32
        %cond3A_220 = arith.constant 0 : i32
        %cond3A_221 = arith.cmpi ne, %convert_element_type3A_219, %cond3A_220 : i32
        scf.if %cond3A_221 {
          %add3A_222 = arith.addi %mul3A_4, %scan3A_170 : i32
          %add3A_223 = arith.constant 2 : i32
          %add3A_224 = arith.addi %add3A_222, %add3A_223 : i32
          %dma_start3A_225 = arith.constant 0 : i32
          %dma_start3A_226 = arith.constant 0 : i32
          %dma_start3A_227 = tpu.memref_slice %arg3[%add3A_224, %dma_start3A_225, %dma_start3A_226] : memref<2496x2x128xi32, #tpu.memory_space<hbm>> -> memref<1x2x128xi32, #tpu.memory_space<hbm>>
          %dma_start3A_228 = tpu.memref_squeeze %dma_start3A_227 : memref<1x2x128xi32, #tpu.memory_space<hbm>> -> memref<2x128xi32, #tpu.memory_space<hbm>>
          %dma_start3A_229 = arith.constant 0 : i32
          %dma_start3A_230 = arith.constant 0 : i32
          %dma_start3A_231 = tpu.memref_slice %arg3[%add3A_224, %dma_start3A_229, %dma_start3A_230] : memref<2496x2x128xi32, #tpu.memory_space<hbm>> -> memref<1x2x128xi32, #tpu.memory_space<hbm>>
          %dma_start3A_232 = tpu.memref_squeeze %dma_start3A_231 : memref<1x2x128xi32, #tpu.memory_space<hbm>> -> memref<2x128xi32, #tpu.memory_space<hbm>>
          tpu.enqueue_dma source(%dma_start3A_232 : memref<2x128xi32, #tpu.memory_space<hbm>>) target(%arg9 : memref<2x128xi32, #tpu.memory_space<vmem>>) target_semaphore(%arg16 : memref<!tpu.dma_semaphore, #tpu.memory_space<semaphore_mem>>)
        } else {
        }
      } else {
      }
    }
    %scan3A_74 = arith.constant 78 : i32
    "tpu.region"() ({
      %run_scoped3A_170 = tpu.sem_alloc : memref<!tpu.dma_semaphore, #tpu.memory_space<semaphore_mem>>
      %dma_start3A_171 = arith.constant 0 : i32
      %dma_start3A_172 = arith.constant 0 : i32
      %dma_start3A_173 = tpu.memref_slice %arg4[%add3A, %dma_start3A_171, %dma_start3A_172] : memref<32x2x16xi32, #tpu.memory_space<hbm>> -> memref<1x2x16xi32, #tpu.memory_space<hbm>>
      %dma_start3A_174 = tpu.memref_squeeze %dma_start3A_173 : memref<1x2x16xi32, #tpu.memory_space<hbm>> -> memref<2x16xi32, #tpu.memory_space<hbm>>
      %dma_start3A_175 = arith.constant 0 : i32
      %dma_start3A_176 = arith.constant 0 : i32
      %dma_start3A_177 = tpu.memref_slice %arg4[%add3A, %dma_start3A_175, %dma_start3A_176] : memref<32x2x16xi32, #tpu.memory_space<hbm>> -> memref<1x2x16xi32, #tpu.memory_space<hbm>>
      %dma_start3A_178 = tpu.memref_squeeze %dma_start3A_177 : memref<1x2x16xi32, #tpu.memory_space<hbm>> -> memref<2x16xi32, #tpu.memory_space<hbm>>
      tpu.enqueue_dma source(%dma_start3A_178 : memref<2x16xi32, #tpu.memory_space<hbm>>) target(%arg17 : memref<2x16xi32, #tpu.memory_space<vmem>>) target_semaphore(%run_scoped3A_170 : memref<!tpu.dma_semaphore, #tpu.memory_space<semaphore_mem>>)
      %dma_wait3A_179 = arith.constant 0 : i32
      %dma_wait3A_180 = arith.constant 0 : i32
      %dma_wait3A_181 = tpu.memref_slice %arg4[%add3A, %dma_wait3A_179, %dma_wait3A_180] : memref<32x2x16xi32, #tpu.memory_space<hbm>> -> memref<1x2x16xi32, #tpu.memory_space<hbm>>
      %dma_wait3A_182 = tpu.memref_squeeze %dma_wait3A_181 : memref<1x2x16xi32, #tpu.memory_space<hbm>> -> memref<2x16xi32, #tpu.memory_space<hbm>>
      %dma_wait3A_183 = arith.constant 0 : i32
      %dma_wait3A_184 = arith.constant 0 : i32
      %dma_wait3A_185 = tpu.memref_slice %arg4[%add3A, %dma_wait3A_183, %dma_wait3A_184] : memref<32x2x16xi32, #tpu.memory_space<hbm>> -> memref<1x2x16xi32, #tpu.memory_space<hbm>>
      %dma_wait3A_186 = tpu.memref_squeeze %dma_wait3A_185 : memref<1x2x16xi32, #tpu.memory_space<hbm>> -> memref<2x16xi32, #tpu.memory_space<hbm>>
      tpu.wait_dma2 semaphore(%run_scoped3A_170 : memref<!tpu.dma_semaphore, #tpu.memory_space<semaphore_mem>>) src(%dma_wait3A_186 : memref<2x16xi32, #tpu.memory_space<hbm>>) dst(%arg17 : memref<2x16xi32, #tpu.memory_space<vmem>>)
      tpu.yield
    }) : () -> ()
    %dma_start3A_75 = arith.constant 0 : i32
    %dma_start3A_76 = arith.constant 0 : i32
    %dma_start3A_77 = tpu.memref_slice %arg17[%dma_start3A_75, %dma_start3A_76] : memref<2x16xi32, #tpu.memory_space<vmem>> -> memref<1x16xi32, #tpu.memory_space<vmem>>
    %dma_start3A_78 = tpu.memref_squeeze %dma_start3A_77 : memref<1x16xi32, #tpu.memory_space<vmem>> -> memref<16xi32, #tpu.memory_space<vmem>>
    %dma_start3A_79 = arith.constant 0 : i32
    %dma_start3A_80 = arith.constant 0 : i32
    %dma_start3A_81 = tpu.memref_slice %arg2[%dma_start3A_79, %dma_start3A_80] : memref<10000x128xf32, #tpu.memory_space<hbm>> -> memref<10000x128xf32, #tpu.memory_space<hbm>>
    tpu.enqueue_indirect_dma source(%dma_start3A_81 : memref<10000x128xf32, #tpu.memory_space<hbm>>) target(%arg18 : memref<16x128xf32, #tpu.memory_space<vmem>>) offsets(%dma_start3A_78 : memref<16xi32, #tpu.memory_space<vmem>>) semaphore(%arg13 : memref<!tpu.dma_semaphore, #tpu.memory_space<semaphore_mem>>)
    %dma_wait3A_82 = arith.constant 0 : i32
    %dma_wait3A_83 = arith.constant 0 : i32
    %dma_wait3A_84 = tpu.memref_slice %arg17[%dma_wait3A_82, %dma_wait3A_83] : memref<2x16xi32, #tpu.memory_space<vmem>> -> memref<1x16xi32, #tpu.memory_space<vmem>>
    %dma_wait3A_85 = tpu.memref_squeeze %dma_wait3A_84 : memref<1x16xi32, #tpu.memory_space<vmem>> -> memref<16xi32, #tpu.memory_space<vmem>>
    %dma_wait3A_86 = arith.constant 0 : i32
    %dma_wait3A_87 = arith.constant 0 : i32
    %dma_wait3A_88 = tpu.memref_slice %arg2[%dma_wait3A_86, %dma_wait3A_87] : memref<10000x128xf32, #tpu.memory_space<hbm>> -> memref<10000x128xf32, #tpu.memory_space<hbm>>
    tpu.wait_indirect_dma semaphore(%arg13 : memref<!tpu.dma_semaphore, #tpu.memory_space<semaphore_mem>>) src(%dma_wait3A_88 : memref<10000x128xf32, #tpu.memory_space<hbm>>) dst(%arg18 : memref<16x128xf32, #tpu.memory_space<vmem>>)
    %run_scoped3A = arith.constant 1 : i32
    "tpu.region"() ({
      %run_scoped3A_170 = tpu.sem_alloc : memref<!tpu.dma_semaphore, #tpu.memory_space<semaphore_mem>>
      %dma_start3A_171 = arith.constant 0 : i32
      %dma_start3A_172 = tpu.memref_slice %arg17[%run_scoped3A, %dma_start3A_171] : memref<2x16xi32, #tpu.memory_space<vmem>> -> memref<1x16xi32, #tpu.memory_space<vmem>>
      %dma_start3A_173 = tpu.memref_squeeze %dma_start3A_172 : memref<1x16xi32, #tpu.memory_space<vmem>> -> memref<16xi32, #tpu.memory_space<vmem>>
      %dma_start3A_174 = arith.constant 0 : i32
      %dma_start3A_175 = arith.constant 0 : i32
      %dma_start3A_176 = tpu.memref_slice %arg12[%dma_start3A_174, %dma_start3A_175] : memref<10240x128xf32, #tpu.memory_space<vmem_shared>> -> memref<10240x128xf32, #tpu.memory_space<vmem_shared>>
      tpu.enqueue_indirect_dma source(%arg18 : memref<16x128xf32, #tpu.memory_space<vmem>>) target(%dma_start3A_176 : memref<10240x128xf32, #tpu.memory_space<vmem_shared>>) offsets(%dma_start3A_173 : memref<16xi32, #tpu.memory_space<vmem>>) semaphore(%run_scoped3A_170 : memref<!tpu.dma_semaphore, #tpu.memory_space<semaphore_mem>>) {add = true}
      %dma_wait3A_177 = arith.constant 0 : i32
      %dma_wait3A_178 = tpu.memref_slice %arg17[%run_scoped3A, %dma_wait3A_177] : memref<2x16xi32, #tpu.memory_space<vmem>> -> memref<1x16xi32, #tpu.memory_space<vmem>>
      %dma_wait3A_179 = tpu.memref_squeeze %dma_wait3A_178 : memref<1x16xi32, #tpu.memory_space<vmem>> -> memref<16xi32, #tpu.memory_space<vmem>>
      %dma_wait3A_180 = arith.constant 0 : i32
      %dma_wait3A_181 = arith.constant 0 : i32
      %dma_wait3A_182 = tpu.memref_slice %arg12[%dma_wait3A_180, %dma_wait3A_181] : memref<10240x128xf32, #tpu.memory_space<vmem_shared>> -> memref<10240x128xf32, #tpu.memory_space<vmem_shared>>
      tpu.wait_indirect_dma semaphore(%run_scoped3A_170 : memref<!tpu.dma_semaphore, #tpu.memory_space<semaphore_mem>>) src(%arg18 : memref<16x128xf32, #tpu.memory_space<vmem>>) dst(%dma_wait3A_182 : memref<10240x128xf32, #tpu.memory_space<vmem_shared>>)
      tpu.yield
    }) : () -> ()
    %barrier3A_89 = arith.constant 0 : index
    tpu.barrier barrier_id(%barrier3A_89)
    %add3A_90 = arith.constant 0 : i32
    %add3A_91 = arith.addi %mul3A_2, %add3A_90 : i32
    "tpu.region"() ({
      %run_scoped3A_170 = tpu.sem_alloc : memref<!tpu.dma_semaphore, #tpu.memory_space<semaphore_mem>>
      %dma_start3A_171 = arith.constant 0 : i32
      %dma_start3A_172 = tpu.memref_slice %arg12[%add3A_91, %dma_start3A_171] : memref<10240x128xf32, #tpu.memory_space<vmem_shared>> -> memref<128x128xf32, #tpu.memory_space<vmem_shared>>
      %dma_start3A_173 = arith.constant 0 : i32
      %dma_start3A_174 = tpu.memref_slice %arg12[%add3A_91, %dma_start3A_173] : memref<10240x128xf32, #tpu.memory_space<vmem_shared>> -> memref<128x128xf32, #tpu.memory_space<vmem_shared>>
      tpu.enqueue_dma source(%dma_start3A_174 : memref<128x128xf32, #tpu.memory_space<vmem_shared>>) target(%arg10 : memref<128x128xf32, #tpu.memory_space<vmem>>) target_semaphore(%run_scoped3A_170 : memref<!tpu.dma_semaphore, #tpu.memory_space<semaphore_mem>>)
      %dma_wait3A_175 = arith.constant 0 : i32
      %dma_wait3A_176 = tpu.memref_slice %arg12[%add3A_91, %dma_wait3A_175] : memref<10240x128xf32, #tpu.memory_space<vmem_shared>> -> memref<128x128xf32, #tpu.memory_space<vmem_shared>>
      %dma_wait3A_177 = arith.constant 0 : i32
      %dma_wait3A_178 = tpu.memref_slice %arg12[%add3A_91, %dma_wait3A_177] : memref<10240x128xf32, #tpu.memory_space<vmem_shared>> -> memref<128x128xf32, #tpu.memory_space<vmem_shared>>
      tpu.wait_dma2 semaphore(%run_scoped3A_170 : memref<!tpu.dma_semaphore, #tpu.memory_space<semaphore_mem>>) src(%dma_wait3A_178 : memref<128x128xf32, #tpu.memory_space<vmem_shared>>) dst(%arg10 : memref<128x128xf32, #tpu.memory_space<vmem>>)
      tpu.yield
    }) : () -> ()
    %add3A_92 = arith.constant 0 : i32
    %add3A_93 = arith.addi %mul3A_2, %add3A_92 : i32
    %dma_start3A_94 = arith.constant 0 : i32
    %dma_start3A_95 = tpu.memref_slice %arg7[%arg0, %add3A_93, %dma_start3A_94] : memref<2x10240x128xf32, #tpu.memory_space<hbm>> -> memref<1x128x128xf32, #tpu.memory_space<hbm>>
    %dma_start3A_96 = tpu.memref_squeeze %dma_start3A_95 : memref<1x128x128xf32, #tpu.memory_space<hbm>> -> memref<128x128xf32, #tpu.memory_space<hbm>>
    %dma_start3A_97 = arith.constant 0 : i32
    %dma_start3A_98 = tpu.memref_slice %arg7[%arg0, %add3A_93, %dma_start3A_97] : memref<2x10240x128xf32, #tpu.memory_space<hbm>> -> memref<1x128x128xf32, #tpu.memory_space<hbm>>
    %dma_start3A_99 = tpu.memref_squeeze %dma_start3A_98 : memref<1x128x128xf32, #tpu.memory_space<hbm>> -> memref<128x128xf32, #tpu.memory_space<hbm>>
    tpu.enqueue_dma source(%arg10 : memref<128x128xf32, #tpu.memory_space<vmem>>) target(%dma_start3A_99 : memref<128x128xf32, #tpu.memory_space<hbm>>) target_semaphore(%arg13 : memref<!tpu.dma_semaphore, #tpu.memory_space<semaphore_mem>>)
    %add3A_100 = arith.constant 128 : i32
    %add3A_101 = arith.addi %mul3A_2, %add3A_100 : i32
    "tpu.region"() ({
      %run_scoped3A_170 = tpu.sem_alloc : memref<!tpu.dma_semaphore, #tpu.memory_space<semaphore_mem>>
      %dma_start3A_171 = arith.constant 0 : i32
      %dma_start3A_172 = tpu.memref_slice %arg12[%add3A_101, %dma_start3A_171] : memref<10240x128xf32, #tpu.memory_space<vmem_shared>> -> memref<128x128xf32, #tpu.memory_space<vmem_shared>>
      %dma_start3A_173 = arith.constant 0 : i32
      %dma_start3A_174 = tpu.memref_slice %arg12[%add3A_101, %dma_start3A_173] : memref<10240x128xf32, #tpu.memory_space<vmem_shared>> -> memref<128x128xf32, #tpu.memory_space<vmem_shared>>
      tpu.enqueue_dma source(%dma_start3A_174 : memref<128x128xf32, #tpu.memory_space<vmem_shared>>) target(%arg11 : memref<128x128xf32, #tpu.memory_space<vmem>>) target_semaphore(%run_scoped3A_170 : memref<!tpu.dma_semaphore, #tpu.memory_space<semaphore_mem>>)
      %dma_wait3A_175 = arith.constant 0 : i32
      %dma_wait3A_176 = tpu.memref_slice %arg12[%add3A_101, %dma_wait3A_175] : memref<10240x128xf32, #tpu.memory_space<vmem_shared>> -> memref<128x128xf32, #tpu.memory_space<vmem_shared>>
      %dma_wait3A_177 = arith.constant 0 : i32
      %dma_wait3A_178 = tpu.memref_slice %arg12[%add3A_101, %dma_wait3A_177] : memref<10240x128xf32, #tpu.memory_space<vmem_shared>> -> memref<128x128xf32, #tpu.memory_space<vmem_shared>>
      tpu.wait_dma2 semaphore(%run_scoped3A_170 : memref<!tpu.dma_semaphore, #tpu.memory_space<semaphore_mem>>) src(%dma_wait3A_178 : memref<128x128xf32, #tpu.memory_space<vmem_shared>>) dst(%arg11 : memref<128x128xf32, #tpu.memory_space<vmem>>)
      tpu.yield
    }) : () -> ()
    %add3A_102 = arith.constant 128 : i32
    %add3A_103 = arith.addi %mul3A_2, %add3A_102 : i32
    %dma_start3A_104 = arith.constant 0 : i32
    %dma_start3A_105 = tpu.memref_slice %arg7[%arg0, %add3A_103, %dma_start3A_104] : memref<2x10240x128xf32, #tpu.memory_space<hbm>> -> memref<1x128x128xf32, #tpu.memory_space<hbm>>
    %dma_start3A_106 = tpu.memref_squeeze %dma_start3A_105 : memref<1x128x128xf32, #tpu.memory_space<hbm>> -> memref<128x128xf32, #tpu.memory_space<hbm>>
    %dma_start3A_107 = arith.constant 0 : i32
    %dma_start3A_108 = tpu.memref_slice %arg7[%arg0, %add3A_103, %dma_start3A_107] : memref<2x10240x128xf32, #tpu.memory_space<hbm>> -> memref<1x128x128xf32, #tpu.memory_space<hbm>>
    %dma_start3A_109 = tpu.memref_squeeze %dma_start3A_108 : memref<1x128x128xf32, #tpu.memory_space<hbm>> -> memref<128x128xf32, #tpu.memory_space<hbm>>
    tpu.enqueue_dma source(%arg11 : memref<128x128xf32, #tpu.memory_space<vmem>>) target(%dma_start3A_109 : memref<128x128xf32, #tpu.memory_space<hbm>>) target_semaphore(%arg14 : memref<!tpu.dma_semaphore, #tpu.memory_space<semaphore_mem>>)
    %dma_wait3A_110 = arith.constant 0 : i32
    %dma_wait3A_111 = tpu.memref_slice %arg7[%arg0, %mul3A_2, %dma_wait3A_110] : memref<2x10240x128xf32, #tpu.memory_space<hbm>> -> memref<1x128x128xf32, #tpu.memory_space<hbm>>
    %dma_wait3A_112 = tpu.memref_squeeze %dma_wait3A_111 : memref<1x128x128xf32, #tpu.memory_space<hbm>> -> memref<128x128xf32, #tpu.memory_space<hbm>>
    %dma_wait3A_113 = arith.constant 0 : i32
    %dma_wait3A_114 = tpu.memref_slice %arg7[%arg0, %mul3A_2, %dma_wait3A_113] : memref<2x10240x128xf32, #tpu.memory_space<hbm>> -> memref<1x128x128xf32, #tpu.memory_space<hbm>>
    %dma_wait3A_115 = tpu.memref_squeeze %dma_wait3A_114 : memref<1x128x128xf32, #tpu.memory_space<hbm>> -> memref<128x128xf32, #tpu.memory_space<hbm>>
    tpu.wait_dma2 semaphore(%arg13 : memref<!tpu.dma_semaphore, #tpu.memory_space<semaphore_mem>>) src(%arg10 : memref<128x128xf32, #tpu.memory_space<vmem>>) dst(%dma_wait3A_115 : memref<128x128xf32, #tpu.memory_space<hbm>>)
    %add3A_116 = arith.constant 256 : i32
    %add3A_117 = arith.addi %mul3A_2, %add3A_116 : i32
    "tpu.region"() ({
      %run_scoped3A_170 = tpu.sem_alloc : memref<!tpu.dma_semaphore, #tpu.memory_space<semaphore_mem>>
      %dma_start3A_171 = arith.constant 0 : i32
      %dma_start3A_172 = tpu.memref_slice %arg12[%add3A_117, %dma_start3A_171] : memref<10240x128xf32, #tpu.memory_space<vmem_shared>> -> memref<128x128xf32, #tpu.memory_space<vmem_shared>>
      %dma_start3A_173 = arith.constant 0 : i32
      %dma_start3A_174 = tpu.memref_slice %arg12[%add3A_117, %dma_start3A_173] : memref<10240x128xf32, #tpu.memory_space<vmem_shared>> -> memref<128x128xf32, #tpu.memory_space<vmem_shared>>
      tpu.enqueue_dma source(%dma_start3A_174 : memref<128x128xf32, #tpu.memory_space<vmem_shared>>) target(%arg10 : memref<128x128xf32, #tpu.memory_space<vmem>>) target_semaphore(%run_scoped3A_170 : memref<!tpu.dma_semaphore, #tpu.memory_space<semaphore_mem>>)
      %dma_wait3A_175 = arith.constant 0 : i32
      %dma_wait3A_176 = tpu.memref_slice %arg12[%add3A_117, %dma_wait3A_175] : memref<10240x128xf32, #tpu.memory_space<vmem_shared>> -> memref<128x128xf32, #tpu.memory_space<vmem_shared>>
      %dma_wait3A_177 = arith.constant 0 : i32
      %dma_wait3A_178 = tpu.memref_slice %arg12[%add3A_117, %dma_wait3A_177] : memref<10240x128xf32, #tpu.memory_space<vmem_shared>> -> memref<128x128xf32, #tpu.memory_space<vmem_shared>>
      tpu.wait_dma2 semaphore(%run_scoped3A_170 : memref<!tpu.dma_semaphore, #tpu.memory_space<semaphore_mem>>) src(%dma_wait3A_178 : memref<128x128xf32, #tpu.memory_space<vmem_shared>>) dst(%arg10 : memref<128x128xf32, #tpu.memory_space<vmem>>)
      tpu.yield
    }) : () -> ()
    %add3A_118 = arith.constant 256 : i32
    %add3A_119 = arith.addi %mul3A_2, %add3A_118 : i32
    %dma_start3A_120 = arith.constant 0 : i32
    %dma_start3A_121 = tpu.memref_slice %arg7[%arg0, %add3A_119, %dma_start3A_120] : memref<2x10240x128xf32, #tpu.memory_space<hbm>> -> memref<1x128x128xf32, #tpu.memory_space<hbm>>
    %dma_start3A_122 = tpu.memref_squeeze %dma_start3A_121 : memref<1x128x128xf32, #tpu.memory_space<hbm>> -> memref<128x128xf32, #tpu.memory_space<hbm>>
    %dma_start3A_123 = arith.constant 0 : i32
    %dma_start3A_124 = tpu.memref_slice %arg7[%arg0, %add3A_119, %dma_start3A_123] : memref<2x10240x128xf32, #tpu.memory_space<hbm>> -> memref<1x128x128xf32, #tpu.memory_space<hbm>>
    %dma_start3A_125 = tpu.memref_squeeze %dma_start3A_124 : memref<1x128x128xf32, #tpu.memory_space<hbm>> -> memref<128x128xf32, #tpu.memory_space<hbm>>
    tpu.enqueue_dma source(%arg10 : memref<128x128xf32, #tpu.memory_space<vmem>>) target(%dma_start3A_125 : memref<128x128xf32, #tpu.memory_space<hbm>>) target_semaphore(%arg13 : memref<!tpu.dma_semaphore, #tpu.memory_space<semaphore_mem>>)
    %dma_wait3A_126 = arith.constant 0 : i32
    %dma_wait3A_127 = tpu.memref_slice %arg7[%arg0, %mul3A_2, %dma_wait3A_126] : memref<2x10240x128xf32, #tpu.memory_space<hbm>> -> memref<1x128x128xf32, #tpu.memory_space<hbm>>
    %dma_wait3A_128 = tpu.memref_squeeze %dma_wait3A_127 : memref<1x128x128xf32, #tpu.memory_space<hbm>> -> memref<128x128xf32, #tpu.memory_space<hbm>>
    %dma_wait3A_129 = arith.constant 0 : i32
    %dma_wait3A_130 = tpu.memref_slice %arg7[%arg0, %mul3A_2, %dma_wait3A_129] : memref<2x10240x128xf32, #tpu.memory_space<hbm>> -> memref<1x128x128xf32, #tpu.memory_space<hbm>>
    %dma_wait3A_131 = tpu.memref_squeeze %dma_wait3A_130 : memref<1x128x128xf32, #tpu.memory_space<hbm>> -> memref<128x128xf32, #tpu.memory_space<hbm>>
    tpu.wait_dma2 semaphore(%arg14 : memref<!tpu.dma_semaphore, #tpu.memory_space<semaphore_mem>>) src(%arg11 : memref<128x128xf32, #tpu.memory_space<vmem>>) dst(%dma_wait3A_131 : memref<128x128xf32, #tpu.memory_space<hbm>>)
    %add3A_132 = arith.constant 384 : i32
    %add3A_133 = arith.addi %mul3A_2, %add3A_132 : i32
    "tpu.region"() ({
      %run_scoped3A_170 = tpu.sem_alloc : memref<!tpu.dma_semaphore, #tpu.memory_space<semaphore_mem>>
      %dma_start3A_171 = arith.constant 0 : i32
      %dma_start3A_172 = tpu.memref_slice %arg12[%add3A_133, %dma_start3A_171] : memref<10240x128xf32, #tpu.memory_space<vmem_shared>> -> memref<128x128xf32, #tpu.memory_space<vmem_shared>>
      %dma_start3A_173 = arith.constant 0 : i32
      %dma_start3A_174 = tpu.memref_slice %arg12[%add3A_133, %dma_start3A_173] : memref<10240x128xf32, #tpu.memory_space<vmem_shared>> -> memref<128x128xf32, #tpu.memory_space<vmem_shared>>
      tpu.enqueue_dma source(%dma_start3A_174 : memref<128x128xf32, #tpu.memory_space<vmem_shared>>) target(%arg11 : memref<128x128xf32, #tpu.memory_space<vmem>>) target_semaphore(%run_scoped3A_170 : memref<!tpu.dma_semaphore, #tpu.memory_space<semaphore_mem>>)
      %dma_wait3A_175 = arith.constant 0 : i32
      %dma_wait3A_176 = tpu.memref_slice %arg12[%add3A_133, %dma_wait3A_175] : memref<10240x128xf32, #tpu.memory_space<vmem_shared>> -> memref<128x128xf32, #tpu.memory_space<vmem_shared>>
      %dma_wait3A_177 = arith.constant 0 : i32
      %dma_wait3A_178 = tpu.memref_slice %arg12[%add3A_133, %dma_wait3A_177] : memref<10240x128xf32, #tpu.memory_space<vmem_shared>> -> memref<128x128xf32, #tpu.memory_space<vmem_shared>>
      tpu.wait_dma2 semaphore(%run_scoped3A_170 : memref<!tpu.dma_semaphore, #tpu.memory_space<semaphore_mem>>) src(%dma_wait3A_178 : memref<128x128xf32, #tpu.memory_space<vmem_shared>>) dst(%arg11 : memref<128x128xf32, #tpu.memory_space<vmem>>)
      tpu.yield
    }) : () -> ()
    %add3A_134 = arith.constant 384 : i32
    %add3A_135 = arith.addi %mul3A_2, %add3A_134 : i32
    %dma_start3A_136 = arith.constant 0 : i32
    %dma_start3A_137 = tpu.memref_slice %arg7[%arg0, %add3A_135, %dma_start3A_136] : memref<2x10240x128xf32, #tpu.memory_space<hbm>> -> memref<1x128x128xf32, #tpu.memory_space<hbm>>
    %dma_start3A_138 = tpu.memref_squeeze %dma_start3A_137 : memref<1x128x128xf32, #tpu.memory_space<hbm>> -> memref<128x128xf32, #tpu.memory_space<hbm>>
    %dma_start3A_139 = arith.constant 0 : i32
    %dma_start3A_140 = tpu.memref_slice %arg7[%arg0, %add3A_135, %dma_start3A_139] : memref<2x10240x128xf32, #tpu.memory_space<hbm>> -> memref<1x128x128xf32, #tpu.memory_space<hbm>>
    %dma_start3A_141 = tpu.memref_squeeze %dma_start3A_140 : memref<1x128x128xf32, #tpu.memory_space<hbm>> -> memref<128x128xf32, #tpu.memory_space<hbm>>
    tpu.enqueue_dma source(%arg11 : memref<128x128xf32, #tpu.memory_space<vmem>>) target(%dma_start3A_141 : memref<128x128xf32, #tpu.memory_space<hbm>>) target_semaphore(%arg14 : memref<!tpu.dma_semaphore, #tpu.memory_space<semaphore_mem>>)
    %dma_wait3A_142 = arith.constant 0 : i32
    %dma_wait3A_143 = tpu.memref_slice %arg7[%arg0, %mul3A_2, %dma_wait3A_142] : memref<2x10240x128xf32, #tpu.memory_space<hbm>> -> memref<1x128x128xf32, #tpu.memory_space<hbm>>
    %dma_wait3A_144 = tpu.memref_squeeze %dma_wait3A_143 : memref<1x128x128xf32, #tpu.memory_space<hbm>> -> memref<128x128xf32, #tpu.memory_space<hbm>>
    %dma_wait3A_145 = arith.constant 0 : i32
    %dma_wait3A_146 = tpu.memref_slice %arg7[%arg0, %mul3A_2, %dma_wait3A_145] : memref<2x10240x128xf32, #tpu.memory_space<hbm>> -> memref<1x128x128xf32, #tpu.memory_space<hbm>>
    %dma_wait3A_147 = tpu.memref_squeeze %dma_wait3A_146 : memref<1x128x128xf32, #tpu.memory_space<hbm>> -> memref<128x128xf32, #tpu.memory_space<hbm>>
    tpu.wait_dma2 semaphore(%arg13 : memref<!tpu.dma_semaphore, #tpu.memory_space<semaphore_mem>>) src(%arg10 : memref<128x128xf32, #tpu.memory_space<vmem>>) dst(%dma_wait3A_147 : memref<128x128xf32, #tpu.memory_space<hbm>>)
    %add3A_148 = arith.constant 512 : i32
    %add3A_149 = arith.addi %mul3A_2, %add3A_148 : i32
    "tpu.region"() ({
      %run_scoped3A_170 = tpu.sem_alloc : memref<!tpu.dma_semaphore, #tpu.memory_space<semaphore_mem>>
      %dma_start3A_171 = arith.constant 0 : i32
      %dma_start3A_172 = tpu.memref_slice %arg12[%add3A_149, %dma_start3A_171] : memref<10240x128xf32, #tpu.memory_space<vmem_shared>> -> memref<128x128xf32, #tpu.memory_space<vmem_shared>>
      %dma_start3A_173 = arith.constant 0 : i32
      %dma_start3A_174 = tpu.memref_slice %arg12[%add3A_149, %dma_start3A_173] : memref<10240x128xf32, #tpu.memory_space<vmem_shared>> -> memref<128x128xf32, #tpu.memory_space<vmem_shared>>
      tpu.enqueue_dma source(%dma_start3A_174 : memref<128x128xf32, #tpu.memory_space<vmem_shared>>) target(%arg10 : memref<128x128xf32, #tpu.memory_space<vmem>>) target_semaphore(%run_scoped3A_170 : memref<!tpu.dma_semaphore, #tpu.memory_space<semaphore_mem>>)
      %dma_wait3A_175 = arith.constant 0 : i32
      %dma_wait3A_176 = tpu.memref_slice %arg12[%add3A_149, %dma_wait3A_175] : memref<10240x128xf32, #tpu.memory_space<vmem_shared>> -> memref<128x128xf32, #tpu.memory_space<vmem_shared>>
      %dma_wait3A_177 = arith.constant 0 : i32
      %dma_wait3A_178 = tpu.memref_slice %arg12[%add3A_149, %dma_wait3A_177] : memref<10240x128xf32, #tpu.memory_space<vmem_shared>> -> memref<128x128xf32, #tpu.memory_space<vmem_shared>>
      tpu.wait_dma2 semaphore(%run_scoped3A_170 : memref<!tpu.dma_semaphore, #tpu.memory_space<semaphore_mem>>) src(%dma_wait3A_178 : memref<128x128xf32, #tpu.memory_space<vmem_shared>>) dst(%arg10 : memref<128x128xf32, #tpu.memory_space<vmem>>)
      tpu.yield
    }) : () -> ()
    %add3A_150 = arith.constant 512 : i32
    %add3A_151 = arith.addi %mul3A_2, %add3A_150 : i32
    %dma_start3A_152 = arith.constant 0 : i32
    %dma_start3A_153 = tpu.memref_slice %arg7[%arg0, %add3A_151, %dma_start3A_152] : memref<2x10240x128xf32, #tpu.memory_space<hbm>> -> memref<1x128x128xf32, #tpu.memory_space<hbm>>
    %dma_start3A_154 = tpu.memref_squeeze %dma_start3A_153 : memref<1x128x128xf32, #tpu.memory_space<hbm>> -> memref<128x128xf32, #tpu.memory_space<hbm>>
    %dma_start3A_155 = arith.constant 0 : i32
    %dma_start3A_156 = tpu.memref_slice %arg7[%arg0, %add3A_151, %dma_start3A_155] : memref<2x10240x128xf32, #tpu.memory_space<hbm>> -> memref<1x128x128xf32, #tpu.memory_space<hbm>>
    %dma_start3A_157 = tpu.memref_squeeze %dma_start3A_156 : memref<1x128x128xf32, #tpu.memory_space<hbm>> -> memref<128x128xf32, #tpu.memory_space<hbm>>
    tpu.enqueue_dma source(%arg10 : memref<128x128xf32, #tpu.memory_space<vmem>>) target(%dma_start3A_157 : memref<128x128xf32, #tpu.memory_space<hbm>>) target_semaphore(%arg13 : memref<!tpu.dma_semaphore, #tpu.memory_space<semaphore_mem>>)
    %dma_wait3A_158 = arith.constant 0 : i32
    %dma_wait3A_159 = tpu.memref_slice %arg7[%arg0, %mul3A_2, %dma_wait3A_158] : memref<2x10240x128xf32, #tpu.memory_space<hbm>> -> memref<1x128x128xf32, #tpu.memory_space<hbm>>
    %dma_wait3A_160 = tpu.memref_squeeze %dma_wait3A_159 : memref<1x128x128xf32, #tpu.memory_space<hbm>> -> memref<128x128xf32, #tpu.memory_space<hbm>>
    %dma_wait3A_161 = arith.constant 0 : i32
    %dma_wait3A_162 = tpu.memref_slice %arg7[%arg0, %mul3A_2, %dma_wait3A_161] : memref<2x10240x128xf32, #tpu.memory_space<hbm>> -> memref<1x128x128xf32, #tpu.memory_space<hbm>>
    %dma_wait3A_163 = tpu.memref_squeeze %dma_wait3A_162 : memref<1x128x128xf32, #tpu.memory_space<hbm>> -> memref<128x128xf32, #tpu.memory_space<hbm>>
    tpu.wait_dma2 semaphore(%arg13 : memref<!tpu.dma_semaphore, #tpu.memory_space<semaphore_mem>>) src(%arg10 : memref<128x128xf32, #tpu.memory_space<vmem>>) dst(%dma_wait3A_163 : memref<128x128xf32, #tpu.memory_space<hbm>>)
    %dma_wait3A_164 = arith.constant 0 : i32
    %dma_wait3A_165 = tpu.memref_slice %arg7[%arg0, %mul3A_2, %dma_wait3A_164] : memref<2x10240x128xf32, #tpu.memory_space<hbm>> -> memref<1x128x128xf32, #tpu.memory_space<hbm>>
    %dma_wait3A_166 = tpu.memref_squeeze %dma_wait3A_165 : memref<1x128x128xf32, #tpu.memory_space<hbm>> -> memref<128x128xf32, #tpu.memory_space<hbm>>
    %dma_wait3A_167 = arith.constant 0 : i32
    %dma_wait3A_168 = tpu.memref_slice %arg7[%arg0, %mul3A_2, %dma_wait3A_167] : memref<2x10240x128xf32, #tpu.memory_space<hbm>> -> memref<1x128x128xf32, #tpu.memory_space<hbm>>
    %dma_wait3A_169 = tpu.memref_squeeze %dma_wait3A_168 : memref<1x128x128xf32, #tpu.memory_space<hbm>> -> memref<128x128xf32, #tpu.memory_space<hbm>>
    tpu.wait_dma2 semaphore(%arg14 : memref<!tpu.dma_semaphore, #tpu.memory_space<semaphore_mem>>) src(%arg11 : memref<128x128xf32, #tpu.memory_space<vmem>>) dst(%dma_wait3A_169 : memref<128x128xf32, #tpu.memory_space<hbm>>)
    return
  }
}

#map = affine_map<(d0, d1) -> (0, 0)>
#map1 = affine_map<(d0, d1) -> (0, 0, 0)>
module attributes {stable_mosaic.version = 14 : i64} {
  func.func @body(%arg0: i32, %arg1: i32, %arg2: memref<10000x128xf32, #tpu.memory_space<hbm>>, %arg3: memref<2496x2x128xi32, #tpu.memory_space<hbm>>, %arg4: memref<32x2x16xi32, #tpu.memory_space<hbm>>, %arg5: memref<128x128xf32, #tpu.memory_space<hbm>>, %arg6: memref<128x128xf32, #tpu.memory_space<hbm>>, %arg7: memref<2x10240x128xf32, #tpu.memory_space<hbm>>, %arg8: memref<2x10240x128xf32, #tpu.memory_space<hbm>>, %arg9: memref<2x128xi32, #tpu.memory_space<vmem>>, %arg10: memref<2x128xi32, #tpu.memory_space<vmem>>, %arg11: memref<128x128xf32, #tpu.memory_space<vmem>>, %arg12: memref<128x128xf32, #tpu.memory_space<vmem>>, %arg13: memref<10240x128xf32, #tpu.memory_space<vmem_shared>>, %arg14: memref<!tpu.dma_semaphore, #tpu.memory_space<semaphore_mem>>, %arg15: memref<!tpu.dma_semaphore, #tpu.memory_space<semaphore_mem>>, %arg16: memref<!tpu.dma_semaphore, #tpu.memory_space<semaphore_mem>>, %arg17: memref<!tpu.dma_semaphore, #tpu.memory_space<semaphore_mem>>, %arg18: memref<2x16xi32, #tpu.memory_space<vmem>>, %arg19: memref<16x128xf32, #tpu.memory_space<vmem>>) attributes {dimension_semantics = [#tpu.dimension_semantics<core_parallel>, #tpu.dimension_semantics<subcore_parallel>], iteration_bounds = array<i64: 2, 16>, scalar_prefetch = 0 : i64, scratch_operands = 11 : i64, tpu.core_type = #tpu.core_type<sc_vector_subcore>, window_params = [{transform_indices = #map}, {transform_indices = #map1}, {transform_indices = #map1}, {transform_indices = #map}, {transform_indices = #map}, {transform_indices = #map1}, {transform_indices = #map1}]} {
    %mul3A = arith.constant 16 : i32
    %mul3A_0 = arith.muli %arg0, %mul3A : i32
    %add3A = arith.addi %mul3A_0, %arg1 : i32
    %mul3A_1 = arith.constant 640 : i32
    %mul3A_2 = arith.muli %arg1, %mul3A_1 : i32
    %mul3A_3 = arith.constant 78 : i32
    %mul3A_4 = arith.muli %add3A, %mul3A_3 : i32
    "tpu.region"() ({
      %run_scoped3A_317 = tpu.sem_alloc : memref<!tpu.dma_semaphore, #tpu.memory_space<semaphore_mem>>
      tpu.enqueue_dma source(%arg5 : memref<128x128xf32, #tpu.memory_space<hbm>>) target(%arg11 : memref<128x128xf32, #tpu.memory_space<vmem>>) target_semaphore(%run_scoped3A_317 : memref<!tpu.dma_semaphore, #tpu.memory_space<semaphore_mem>>)
      tpu.wait_dma2 semaphore(%run_scoped3A_317 : memref<!tpu.dma_semaphore, #tpu.memory_space<semaphore_mem>>) src(%arg5 : memref<128x128xf32, #tpu.memory_space<hbm>>) dst(%arg11 : memref<128x128xf32, #tpu.memory_space<vmem>>)
      tpu.yield
    }) : () -> ()
    %add3A_5 = arith.constant 0 : i32
    %add3A_6 = arith.addi %mul3A_2, %add3A_5 : i32
    %dma_start3A = arith.constant 0 : i32
    %dma_start3A_7 = tpu.memref_slice %arg13[%add3A_6, %dma_start3A] : memref<10240x128xf32, #tpu.memory_space<vmem_shared>> -> memref<128x128xf32, #tpu.memory_space<vmem_shared>>
    %dma_start3A_8 = arith.constant 0 : i32
    %dma_start3A_9 = tpu.memref_slice %arg13[%add3A_6, %dma_start3A_8] : memref<10240x128xf32, #tpu.memory_space<vmem_shared>> -> memref<128x128xf32, #tpu.memory_space<vmem_shared>>
    tpu.enqueue_dma source(%arg11 : memref<128x128xf32, #tpu.memory_space<vmem>>) target(%dma_start3A_9 : memref<128x128xf32, #tpu.memory_space<vmem_shared>>) target_semaphore(%arg14 : memref<!tpu.dma_semaphore, #tpu.memory_space<semaphore_mem>>)
    %add3A_10 = arith.constant 128 : i32
    %add3A_11 = arith.addi %mul3A_2, %add3A_10 : i32
    %dma_start3A_12 = arith.constant 0 : i32
    %dma_start3A_13 = tpu.memref_slice %arg13[%add3A_11, %dma_start3A_12] : memref<10240x128xf32, #tpu.memory_space<vmem_shared>> -> memref<128x128xf32, #tpu.memory_space<vmem_shared>>
    %dma_start3A_14 = arith.constant 0 : i32
    %dma_start3A_15 = tpu.memref_slice %arg13[%add3A_11, %dma_start3A_14] : memref<10240x128xf32, #tpu.memory_space<vmem_shared>> -> memref<128x128xf32, #tpu.memory_space<vmem_shared>>
    tpu.enqueue_dma source(%arg11 : memref<128x128xf32, #tpu.memory_space<vmem>>) target(%dma_start3A_15 : memref<128x128xf32, #tpu.memory_space<vmem_shared>>) target_semaphore(%arg14 : memref<!tpu.dma_semaphore, #tpu.memory_space<semaphore_mem>>)
    %add3A_16 = arith.constant 256 : i32
    %add3A_17 = arith.addi %mul3A_2, %add3A_16 : i32
    %dma_start3A_18 = arith.constant 0 : i32
    %dma_start3A_19 = tpu.memref_slice %arg13[%add3A_17, %dma_start3A_18] : memref<10240x128xf32, #tpu.memory_space<vmem_shared>> -> memref<128x128xf32, #tpu.memory_space<vmem_shared>>
    %dma_start3A_20 = arith.constant 0 : i32
    %dma_start3A_21 = tpu.memref_slice %arg13[%add3A_17, %dma_start3A_20] : memref<10240x128xf32, #tpu.memory_space<vmem_shared>> -> memref<128x128xf32, #tpu.memory_space<vmem_shared>>
    tpu.enqueue_dma source(%arg11 : memref<128x128xf32, #tpu.memory_space<vmem>>) target(%dma_start3A_21 : memref<128x128xf32, #tpu.memory_space<vmem_shared>>) target_semaphore(%arg14 : memref<!tpu.dma_semaphore, #tpu.memory_space<semaphore_mem>>)
    %add3A_22 = arith.constant 384 : i32
    %add3A_23 = arith.addi %mul3A_2, %add3A_22 : i32
    %dma_start3A_24 = arith.constant 0 : i32
    %dma_start3A_25 = tpu.memref_slice %arg13[%add3A_23, %dma_start3A_24] : memref<10240x128xf32, #tpu.memory_space<vmem_shared>> -> memref<128x128xf32, #tpu.memory_space<vmem_shared>>
    %dma_start3A_26 = arith.constant 0 : i32
    %dma_start3A_27 = tpu.memref_slice %arg13[%add3A_23, %dma_start3A_26] : memref<10240x128xf32, #tpu.memory_space<vmem_shared>> -> memref<128x128xf32, #tpu.memory_space<vmem_shared>>
    tpu.enqueue_dma source(%arg11 : memref<128x128xf32, #tpu.memory_space<vmem>>) target(%dma_start3A_27 : memref<128x128xf32, #tpu.memory_space<vmem_shared>>) target_semaphore(%arg14 : memref<!tpu.dma_semaphore, #tpu.memory_space<semaphore_mem>>)
    %add3A_28 = arith.constant 512 : i32
    %add3A_29 = arith.addi %mul3A_2, %add3A_28 : i32
    %dma_start3A_30 = arith.constant 0 : i32
    %dma_start3A_31 = tpu.memref_slice %arg13[%add3A_29, %dma_start3A_30] : memref<10240x128xf32, #tpu.memory_space<vmem_shared>> -> memref<128x128xf32, #tpu.memory_space<vmem_shared>>
    %dma_start3A_32 = arith.constant 0 : i32
    %dma_start3A_33 = tpu.memref_slice %arg13[%add3A_29, %dma_start3A_32] : memref<10240x128xf32, #tpu.memory_space<vmem_shared>> -> memref<128x128xf32, #tpu.memory_space<vmem_shared>>
    tpu.enqueue_dma source(%arg11 : memref<128x128xf32, #tpu.memory_space<vmem>>) target(%dma_start3A_33 : memref<128x128xf32, #tpu.memory_space<vmem_shared>>) target_semaphore(%arg14 : memref<!tpu.dma_semaphore, #tpu.memory_space<semaphore_mem>>)
    %dma_wait3A = arith.constant 0 : i32
    %dma_wait3A_34 = tpu.memref_slice %arg13[%add3A_6, %dma_wait3A] : memref<10240x128xf32, #tpu.memory_space<vmem_shared>> -> memref<128x128xf32, #tpu.memory_space<vmem_shared>>
    %dma_wait3A_35 = arith.constant 0 : i32
    %dma_wait3A_36 = tpu.memref_slice %arg13[%add3A_6, %dma_wait3A_35] : memref<10240x128xf32, #tpu.memory_space<vmem_shared>> -> memref<128x128xf32, #tpu.memory_space<vmem_shared>>
    tpu.wait_dma2 semaphore(%arg14 : memref<!tpu.dma_semaphore, #tpu.memory_space<semaphore_mem>>) src(%arg11 : memref<128x128xf32, #tpu.memory_space<vmem>>) dst(%dma_wait3A_36 : memref<128x128xf32, #tpu.memory_space<vmem_shared>>)
    %dma_wait3A_37 = arith.constant 0 : i32
    %dma_wait3A_38 = tpu.memref_slice %arg13[%add3A_11, %dma_wait3A_37] : memref<10240x128xf32, #tpu.memory_space<vmem_shared>> -> memref<128x128xf32, #tpu.memory_space<vmem_shared>>
    %dma_wait3A_39 = arith.constant 0 : i32
    %dma_wait3A_40 = tpu.memref_slice %arg13[%add3A_11, %dma_wait3A_39] : memref<10240x128xf32, #tpu.memory_space<vmem_shared>> -> memref<128x128xf32, #tpu.memory_space<vmem_shared>>
    tpu.wait_dma2 semaphore(%arg14 : memref<!tpu.dma_semaphore, #tpu.memory_space<semaphore_mem>>) src(%arg11 : memref<128x128xf32, #tpu.memory_space<vmem>>) dst(%dma_wait3A_40 : memref<128x128xf32, #tpu.memory_space<vmem_shared>>)
    %dma_wait3A_41 = arith.constant 0 : i32
    %dma_wait3A_42 = tpu.memref_slice %arg13[%add3A_17, %dma_wait3A_41] : memref<10240x128xf32, #tpu.memory_space<vmem_shared>> -> memref<128x128xf32, #tpu.memory_space<vmem_shared>>
    %dma_wait3A_43 = arith.constant 0 : i32
    %dma_wait3A_44 = tpu.memref_slice %arg13[%add3A_17, %dma_wait3A_43] : memref<10240x128xf32, #tpu.memory_space<vmem_shared>> -> memref<128x128xf32, #tpu.memory_space<vmem_shared>>
    tpu.wait_dma2 semaphore(%arg14 : memref<!tpu.dma_semaphore, #tpu.memory_space<semaphore_mem>>) src(%arg11 : memref<128x128xf32, #tpu.memory_space<vmem>>) dst(%dma_wait3A_44 : memref<128x128xf32, #tpu.memory_space<vmem_shared>>)
    %dma_wait3A_45 = arith.constant 0 : i32
    %dma_wait3A_46 = tpu.memref_slice %arg13[%add3A_23, %dma_wait3A_45] : memref<10240x128xf32, #tpu.memory_space<vmem_shared>> -> memref<128x128xf32, #tpu.memory_space<vmem_shared>>
    %dma_wait3A_47 = arith.constant 0 : i32
    %dma_wait3A_48 = tpu.memref_slice %arg13[%add3A_23, %dma_wait3A_47] : memref<10240x128xf32, #tpu.memory_space<vmem_shared>> -> memref<128x128xf32, #tpu.memory_space<vmem_shared>>
    tpu.wait_dma2 semaphore(%arg14 : memref<!tpu.dma_semaphore, #tpu.memory_space<semaphore_mem>>) src(%arg11 : memref<128x128xf32, #tpu.memory_space<vmem>>) dst(%dma_wait3A_48 : memref<128x128xf32, #tpu.memory_space<vmem_shared>>)
    %dma_wait3A_49 = arith.constant 0 : i32
    %dma_wait3A_50 = tpu.memref_slice %arg13[%add3A_29, %dma_wait3A_49] : memref<10240x128xf32, #tpu.memory_space<vmem_shared>> -> memref<128x128xf32, #tpu.memory_space<vmem_shared>>
    %dma_wait3A_51 = arith.constant 0 : i32
    %dma_wait3A_52 = tpu.memref_slice %arg13[%add3A_29, %dma_wait3A_51] : memref<10240x128xf32, #tpu.memory_space<vmem_shared>> -> memref<128x128xf32, #tpu.memory_space<vmem_shared>>
    tpu.wait_dma2 semaphore(%arg14 : memref<!tpu.dma_semaphore, #tpu.memory_space<semaphore_mem>>) src(%arg11 : memref<128x128xf32, #tpu.memory_space<vmem>>) dst(%dma_wait3A_52 : memref<128x128xf32, #tpu.memory_space<vmem_shared>>)
    %barrier3A = arith.constant 0 : index
    tpu.barrier barrier_id(%barrier3A)
    "tpu.region"() ({
      %run_scoped3A_317 = tpu.sem_alloc : memref<!tpu.dma_semaphore, #tpu.memory_space<semaphore_mem>>
      %dma_start3A_318 = arith.constant 0 : i32
      %dma_start3A_319 = arith.constant 0 : i32
      %dma_start3A_320 = tpu.memref_slice %arg3[%mul3A_4, %dma_start3A_318, %dma_start3A_319] : memref<2496x2x128xi32, #tpu.memory_space<hbm>> -> memref<1x2x128xi32, #tpu.memory_space<hbm>>
      %dma_start3A_321 = tpu.memref_squeeze %dma_start3A_320 : memref<1x2x128xi32, #tpu.memory_space<hbm>> -> memref<2x128xi32, #tpu.memory_space<hbm>>
      %dma_start3A_322 = arith.constant 0 : i32
      %dma_start3A_323 = arith.constant 0 : i32
      %dma_start3A_324 = tpu.memref_slice %arg3[%mul3A_4, %dma_start3A_322, %dma_start3A_323] : memref<2496x2x128xi32, #tpu.memory_space<hbm>> -> memref<1x2x128xi32, #tpu.memory_space<hbm>>
      %dma_start3A_325 = tpu.memref_squeeze %dma_start3A_324 : memref<1x2x128xi32, #tpu.memory_space<hbm>> -> memref<2x128xi32, #tpu.memory_space<hbm>>
      tpu.enqueue_dma source(%dma_start3A_325 : memref<2x128xi32, #tpu.memory_space<hbm>>) target(%arg9 : memref<2x128xi32, #tpu.memory_space<vmem>>) target_semaphore(%run_scoped3A_317 : memref<!tpu.dma_semaphore, #tpu.memory_space<semaphore_mem>>)
      %dma_wait3A_326 = arith.constant 0 : i32
      %dma_wait3A_327 = arith.constant 0 : i32
      %dma_wait3A_328 = tpu.memref_slice %arg3[%mul3A_4, %dma_wait3A_326, %dma_wait3A_327] : memref<2496x2x128xi32, #tpu.memory_space<hbm>> -> memref<1x2x128xi32, #tpu.memory_space<hbm>>
      %dma_wait3A_329 = tpu.memref_squeeze %dma_wait3A_328 : memref<1x2x128xi32, #tpu.memory_space<hbm>> -> memref<2x128xi32, #tpu.memory_space<hbm>>
      %dma_wait3A_330 = arith.constant 0 : i32
      %dma_wait3A_331 = arith.constant 0 : i32
      %dma_wait3A_332 = tpu.memref_slice %arg3[%mul3A_4, %dma_wait3A_330, %dma_wait3A_331] : memref<2496x2x128xi32, #tpu.memory_space<hbm>> -> memref<1x2x128xi32, #tpu.memory_space<hbm>>
      %dma_wait3A_333 = tpu.memref_squeeze %dma_wait3A_332 : memref<1x2x128xi32, #tpu.memory_space<hbm>> -> memref<2x128xi32, #tpu.memory_space<hbm>>
      tpu.wait_dma2 semaphore(%run_scoped3A_317 : memref<!tpu.dma_semaphore, #tpu.memory_space<semaphore_mem>>) src(%dma_wait3A_333 : memref<2x128xi32, #tpu.memory_space<hbm>>) dst(%arg9 : memref<2x128xi32, #tpu.memory_space<vmem>>)
      tpu.yield
    }) : () -> ()
    %dma_start3A_53 = arith.constant 0 : i32
    %dma_start3A_54 = arith.constant 0 : i32
    %dma_start3A_55 = tpu.memref_slice %arg9[%dma_start3A_53, %dma_start3A_54] : memref<2x128xi32, #tpu.memory_space<vmem>> -> memref<1x128xi32, #tpu.memory_space<vmem>>
    %dma_start3A_56 = tpu.memref_squeeze %dma_start3A_55 : memref<1x128xi32, #tpu.memory_space<vmem>> -> memref<128xi32, #tpu.memory_space<vmem>>
    %dma_start3A_57 = arith.constant 0 : i32
    %dma_start3A_58 = arith.constant 0 : i32
    %dma_start3A_59 = tpu.memref_slice %arg2[%dma_start3A_57, %dma_start3A_58] : memref<10000x128xf32, #tpu.memory_space<hbm>> -> memref<10000x128xf32, #tpu.memory_space<hbm>>
    tpu.enqueue_indirect_dma source(%dma_start3A_59 : memref<10000x128xf32, #tpu.memory_space<hbm>>) target(%arg11 : memref<128x128xf32, #tpu.memory_space<vmem>>) offsets(%dma_start3A_56 : memref<128xi32, #tpu.memory_space<vmem>>) semaphore(%arg14 : memref<!tpu.dma_semaphore, #tpu.memory_space<semaphore_mem>>)
    %add3A_60 = arith.constant 1 : i32
    %add3A_61 = arith.addi %mul3A_4, %add3A_60 : i32
    %dma_start3A_62 = arith.constant 0 : i32
    %dma_start3A_63 = arith.constant 0 : i32
    %dma_start3A_64 = tpu.memref_slice %arg3[%add3A_61, %dma_start3A_62, %dma_start3A_63] : memref<2496x2x128xi32, #tpu.memory_space<hbm>> -> memref<1x2x128xi32, #tpu.memory_space<hbm>>
    %dma_start3A_65 = tpu.memref_squeeze %dma_start3A_64 : memref<1x2x128xi32, #tpu.memory_space<hbm>> -> memref<2x128xi32, #tpu.memory_space<hbm>>
    %dma_start3A_66 = arith.constant 0 : i32
    %dma_start3A_67 = arith.constant 0 : i32
    %dma_start3A_68 = tpu.memref_slice %arg3[%add3A_61, %dma_start3A_66, %dma_start3A_67] : memref<2496x2x128xi32, #tpu.memory_space<hbm>> -> memref<1x2x128xi32, #tpu.memory_space<hbm>>
    %dma_start3A_69 = tpu.memref_squeeze %dma_start3A_68 : memref<1x2x128xi32, #tpu.memory_space<hbm>> -> memref<2x128xi32, #tpu.memory_space<hbm>>
    tpu.enqueue_dma source(%dma_start3A_69 : memref<2x128xi32, #tpu.memory_space<hbm>>) target(%arg10 : memref<2x128xi32, #tpu.memory_space<vmem>>) target_semaphore(%arg17 : memref<!tpu.dma_semaphore, #tpu.memory_space<semaphore_mem>>)
    %scan3A = arith.constant 0 : i32
    %scan3A_70 = arith.constant 0 : i32
    %scan3A_71 = arith.constant 78 : i32
    %scan3A_72 = arith.addi %scan3A_70, %scan3A_71 : i32
    %scan3A_73 = arith.constant 1 : i32
    scf.for %scan3A_317 = %scan3A_70 to %scan3A_72 step %scan3A_73  : i32 {
      %jit3A = arith.constant 2 : i32
      %eq3A = arith.constant 0 : i32
      %eq3A_318 = arith.cmpi eq, %jit3A, %eq3A : i32
      %jit3A_319 = arith.constant 1 : i32
      %select_n3A = arith.select %eq3A_318, %jit3A_319, %jit3A : i32
      %rem3A = arith.remsi %scan3A_317, %select_n3A : i32
      %ne3A = arith.constant 0 : i32
      %ne3A_320 = arith.cmpi ne, %rem3A, %ne3A : i32
      %lt3A = arith.constant 0 : i32
      %lt3A_321 = arith.cmpi slt, %rem3A, %lt3A : i32
      %lt3A_322 = arith.constant 0 : i32
      %lt3A_323 = arith.cmpi slt, %select_n3A, %lt3A_322 : i32
      %ne3A_324 = arith.xori %lt3A_321, %lt3A_323 : i1
      %and3A = arith.andi %ne3A_324, %ne3A_320 : i1
      %add3A_325 = arith.addi %rem3A, %select_n3A : i32
      %select_n3A_326 = arith.select %and3A, %add3A_325, %rem3A : i32
      %eq3A_327 = arith.constant 0 : i32
      %eq3A_328 = arith.cmpi eq, %select_n3A_326, %eq3A_327 : i32
      %convert_element_type3A = arith.extui %eq3A_328 : i1 to i32
      %cond3A = arith.constant 0 : i32
      %cond3A_329 = arith.cmpi ne, %convert_element_type3A, %cond3A : i32
      scf.if %cond3A_329 {
        %lt3A_351 = arith.constant 77 : i32
        %lt3A_352 = arith.cmpi slt, %scan3A_317, %lt3A_351 : i32
        %convert_element_type3A_353 = arith.extui %lt3A_352 : i1 to i32
        %cond3A_354 = arith.constant 0 : i32
        %cond3A_355 = arith.cmpi ne, %convert_element_type3A_353, %cond3A_354 : i32
        scf.if %cond3A_355 {
          %dma_wait3A_369 = arith.constant 0 : i32
          %dma_wait3A_370 = arith.constant 0 : i32
          %dma_wait3A_371 = tpu.memref_slice %arg3[%mul3A_4, %dma_wait3A_369, %dma_wait3A_370] : memref<2496x2x128xi32, #tpu.memory_space<hbm>> -> memref<1x2x128xi32, #tpu.memory_space<hbm>>
          %dma_wait3A_372 = tpu.memref_squeeze %dma_wait3A_371 : memref<1x2x128xi32, #tpu.memory_space<hbm>> -> memref<2x128xi32, #tpu.memory_space<hbm>>
          %dma_wait3A_373 = arith.constant 0 : i32
          %dma_wait3A_374 = arith.constant 0 : i32
          %dma_wait3A_375 = tpu.memref_slice %arg3[%mul3A_4, %dma_wait3A_373, %dma_wait3A_374] : memref<2496x2x128xi32, #tpu.memory_space<hbm>> -> memref<1x2x128xi32, #tpu.memory_space<hbm>>
          %dma_wait3A_376 = tpu.memref_squeeze %dma_wait3A_375 : memref<1x2x128xi32, #tpu.memory_space<hbm>> -> memref<2x128xi32, #tpu.memory_space<hbm>>
          tpu.wait_dma2 semaphore(%arg17 : memref<!tpu.dma_semaphore, #tpu.memory_space<semaphore_mem>>) src(%dma_wait3A_376 : memref<2x128xi32, #tpu.memory_space<hbm>>) dst(%arg10 : memref<2x128xi32, #tpu.memory_space<vmem>>)
          %dma_start3A_377 = arith.constant 0 : i32
          %dma_start3A_378 = arith.constant 0 : i32
          %dma_start3A_379 = tpu.memref_slice %arg10[%dma_start3A_377, %dma_start3A_378] : memref<2x128xi32, #tpu.memory_space<vmem>> -> memref<1x128xi32, #tpu.memory_space<vmem>>
          %dma_start3A_380 = tpu.memref_squeeze %dma_start3A_379 : memref<1x128xi32, #tpu.memory_space<vmem>> -> memref<128xi32, #tpu.memory_space<vmem>>
          %dma_start3A_381 = arith.constant 0 : i32
          %dma_start3A_382 = arith.constant 0 : i32
          %dma_start3A_383 = tpu.memref_slice %arg2[%dma_start3A_381, %dma_start3A_382] : memref<10000x128xf32, #tpu.memory_space<hbm>> -> memref<10000x128xf32, #tpu.memory_space<hbm>>
          tpu.enqueue_indirect_dma source(%dma_start3A_383 : memref<10000x128xf32, #tpu.memory_space<hbm>>) target(%arg12 : memref<128x128xf32, #tpu.memory_space<vmem>>) offsets(%dma_start3A_380 : memref<128xi32, #tpu.memory_space<vmem>>) semaphore(%arg15 : memref<!tpu.dma_semaphore, #tpu.memory_space<semaphore_mem>>)
        } else {
        }
        %dma_wait3A_356 = arith.constant 0 : i32
        %dma_wait3A_357 = arith.constant 0 : i32
        %dma_wait3A_358 = tpu.memref_slice %arg9[%dma_wait3A_356, %dma_wait3A_357] : memref<2x128xi32, #tpu.memory_space<vmem>> -> memref<1x128xi32, #tpu.memory_space<vmem>>
        %dma_wait3A_359 = tpu.memref_squeeze %dma_wait3A_358 : memref<1x128xi32, #tpu.memory_space<vmem>> -> memref<128xi32, #tpu.memory_space<vmem>>
        %dma_wait3A_360 = arith.constant 0 : i32
        %dma_wait3A_361 = arith.constant 0 : i32
        %dma_wait3A_362 = tpu.memref_slice %arg2[%dma_wait3A_360, %dma_wait3A_361] : memref<10000x128xf32, #tpu.memory_space<hbm>> -> memref<10000x128xf32, #tpu.memory_space<hbm>>
        tpu.wait_indirect_dma semaphore(%arg14 : memref<!tpu.dma_semaphore, #tpu.memory_space<semaphore_mem>>) src(%dma_wait3A_362 : memref<10000x128xf32, #tpu.memory_space<hbm>>) dst(%arg11 : memref<128x128xf32, #tpu.memory_space<vmem>>)
        %run_scoped3A_363 = arith.constant 1 : i32
        "tpu.region"() ({
          %run_scoped3A_369 = tpu.sem_alloc : memref<!tpu.dma_semaphore, #tpu.memory_space<semaphore_mem>>
          %dma_start3A_370 = arith.constant 0 : i32
          %dma_start3A_371 = tpu.memref_slice %arg9[%run_scoped3A_363, %dma_start3A_370] : memref<2x128xi32, #tpu.memory_space<vmem>> -> memref<1x128xi32, #tpu.memory_space<vmem>>
          %dma_start3A_372 = tpu.memref_squeeze %dma_start3A_371 : memref<1x128xi32, #tpu.memory_space<vmem>> -> memref<128xi32, #tpu.memory_space<vmem>>
          %dma_start3A_373 = arith.constant 0 : i32
          %dma_start3A_374 = arith.constant 0 : i32
          %dma_start3A_375 = tpu.memref_slice %arg13[%dma_start3A_373, %dma_start3A_374] : memref<10240x128xf32, #tpu.memory_space<vmem_shared>> -> memref<10240x128xf32, #tpu.memory_space<vmem_shared>>
          tpu.enqueue_indirect_dma source(%arg11 : memref<128x128xf32, #tpu.memory_space<vmem>>) target(%dma_start3A_375 : memref<10240x128xf32, #tpu.memory_space<vmem_shared>>) offsets(%dma_start3A_372 : memref<128xi32, #tpu.memory_space<vmem>>) semaphore(%run_scoped3A_369 : memref<!tpu.dma_semaphore, #tpu.memory_space<semaphore_mem>>) {add = true}
          %dma_wait3A_376 = arith.constant 0 : i32
          %dma_wait3A_377 = tpu.memref_slice %arg9[%run_scoped3A_363, %dma_wait3A_376] : memref<2x128xi32, #tpu.memory_space<vmem>> -> memref<1x128xi32, #tpu.memory_space<vmem>>
          %dma_wait3A_378 = tpu.memref_squeeze %dma_wait3A_377 : memref<1x128xi32, #tpu.memory_space<vmem>> -> memref<128xi32, #tpu.memory_space<vmem>>
          %dma_wait3A_379 = arith.constant 0 : i32
          %dma_wait3A_380 = arith.constant 0 : i32
          %dma_wait3A_381 = tpu.memref_slice %arg13[%dma_wait3A_379, %dma_wait3A_380] : memref<10240x128xf32, #tpu.memory_space<vmem_shared>> -> memref<10240x128xf32, #tpu.memory_space<vmem_shared>>
          tpu.wait_indirect_dma semaphore(%run_scoped3A_369 : memref<!tpu.dma_semaphore, #tpu.memory_space<semaphore_mem>>) src(%arg11 : memref<128x128xf32, #tpu.memory_space<vmem>>) dst(%dma_wait3A_381 : memref<10240x128xf32, #tpu.memory_space<vmem_shared>>)
          tpu.yield
        }) : () -> ()
        %lt3A_364 = arith.constant 76 : i32
        %lt3A_365 = arith.cmpi slt, %scan3A_317, %lt3A_364 : i32
        %convert_element_type3A_366 = arith.extui %lt3A_365 : i1 to i32
        %cond3A_367 = arith.constant 0 : i32
        %cond3A_368 = arith.cmpi ne, %convert_element_type3A_366, %cond3A_367 : i32
        scf.if %cond3A_368 {
          %add3A_369 = arith.addi %mul3A_4, %scan3A_317 : i32
          %add3A_370 = arith.constant 2 : i32
          %add3A_371 = arith.addi %add3A_369, %add3A_370 : i32
          %dma_start3A_372 = arith.constant 0 : i32
          %dma_start3A_373 = arith.constant 0 : i32
          %dma_start3A_374 = tpu.memref_slice %arg3[%add3A_371, %dma_start3A_372, %dma_start3A_373] : memref<2496x2x128xi32, #tpu.memory_space<hbm>> -> memref<1x2x128xi32, #tpu.memory_space<hbm>>
          %dma_start3A_375 = tpu.memref_squeeze %dma_start3A_374 : memref<1x2x128xi32, #tpu.memory_space<hbm>> -> memref<2x128xi32, #tpu.memory_space<hbm>>
          %dma_start3A_376 = arith.constant 0 : i32
          %dma_start3A_377 = arith.constant 0 : i32
          %dma_start3A_378 = tpu.memref_slice %arg3[%add3A_371, %dma_start3A_376, %dma_start3A_377] : memref<2496x2x128xi32, #tpu.memory_space<hbm>> -> memref<1x2x128xi32, #tpu.memory_space<hbm>>
          %dma_start3A_379 = tpu.memref_squeeze %dma_start3A_378 : memref<1x2x128xi32, #tpu.memory_space<hbm>> -> memref<2x128xi32, #tpu.memory_space<hbm>>
          tpu.enqueue_dma source(%dma_start3A_379 : memref<2x128xi32, #tpu.memory_space<hbm>>) target(%arg9 : memref<2x128xi32, #tpu.memory_space<vmem>>) target_semaphore(%arg16 : memref<!tpu.dma_semaphore, #tpu.memory_space<semaphore_mem>>)
        } else {
        }
      } else {
      }
      %jit3A_330 = arith.constant 2 : i32
      %eq3A_331 = arith.constant 0 : i32
      %eq3A_332 = arith.cmpi eq, %jit3A_330, %eq3A_331 : i32
      %jit3A_333 = arith.constant 1 : i32
      %select_n3A_334 = arith.select %eq3A_332, %jit3A_333, %jit3A_330 : i32
      %rem3A_335 = arith.remsi %scan3A_317, %select_n3A_334 : i32
      %ne3A_336 = arith.constant 0 : i32
      %ne3A_337 = arith.cmpi ne, %rem3A_335, %ne3A_336 : i32
      %lt3A_338 = arith.constant 0 : i32
      %lt3A_339 = arith.cmpi slt, %rem3A_335, %lt3A_338 : i32
      %lt3A_340 = arith.constant 0 : i32
      %lt3A_341 = arith.cmpi slt, %select_n3A_334, %lt3A_340 : i32
      %ne3A_342 = arith.xori %lt3A_339, %lt3A_341 : i1
      %and3A_343 = arith.andi %ne3A_342, %ne3A_337 : i1
      %add3A_344 = arith.addi %rem3A_335, %select_n3A_334 : i32
      %select_n3A_345 = arith.select %and3A_343, %add3A_344, %rem3A_335 : i32
      %eq3A_346 = arith.constant 1 : i32
      %eq3A_347 = arith.cmpi eq, %select_n3A_345, %eq3A_346 : i32
      %convert_element_type3A_348 = arith.extui %eq3A_347 : i1 to i32
      %cond3A_349 = arith.constant 0 : i32
      %cond3A_350 = arith.cmpi ne, %convert_element_type3A_348, %cond3A_349 : i32
      scf.if %cond3A_350 {
        %lt3A_351 = arith.constant 77 : i32
        %lt3A_352 = arith.cmpi slt, %scan3A_317, %lt3A_351 : i32
        %convert_element_type3A_353 = arith.extui %lt3A_352 : i1 to i32
        %cond3A_354 = arith.constant 0 : i32
        %cond3A_355 = arith.cmpi ne, %convert_element_type3A_353, %cond3A_354 : i32
        scf.if %cond3A_355 {
          %dma_wait3A_369 = arith.constant 0 : i32
          %dma_wait3A_370 = arith.constant 0 : i32
          %dma_wait3A_371 = tpu.memref_slice %arg3[%mul3A_4, %dma_wait3A_369, %dma_wait3A_370] : memref<2496x2x128xi32, #tpu.memory_space<hbm>> -> memref<1x2x128xi32, #tpu.memory_space<hbm>>
          %dma_wait3A_372 = tpu.memref_squeeze %dma_wait3A_371 : memref<1x2x128xi32, #tpu.memory_space<hbm>> -> memref<2x128xi32, #tpu.memory_space<hbm>>
          %dma_wait3A_373 = arith.constant 0 : i32
          %dma_wait3A_374 = arith.constant 0 : i32
          %dma_wait3A_375 = tpu.memref_slice %arg3[%mul3A_4, %dma_wait3A_373, %dma_wait3A_374] : memref<2496x2x128xi32, #tpu.memory_space<hbm>> -> memref<1x2x128xi32, #tpu.memory_space<hbm>>
          %dma_wait3A_376 = tpu.memref_squeeze %dma_wait3A_375 : memref<1x2x128xi32, #tpu.memory_space<hbm>> -> memref<2x128xi32, #tpu.memory_space<hbm>>
          tpu.wait_dma2 semaphore(%arg16 : memref<!tpu.dma_semaphore, #tpu.memory_space<semaphore_mem>>) src(%dma_wait3A_376 : memref<2x128xi32, #tpu.memory_space<hbm>>) dst(%arg9 : memref<2x128xi32, #tpu.memory_space<vmem>>)
          %dma_start3A_377 = arith.constant 0 : i32
          %dma_start3A_378 = arith.constant 0 : i32
          %dma_start3A_379 = tpu.memref_slice %arg9[%dma_start3A_377, %dma_start3A_378] : memref<2x128xi32, #tpu.memory_space<vmem>> -> memref<1x128xi32, #tpu.memory_space<vmem>>
          %dma_start3A_380 = tpu.memref_squeeze %dma_start3A_379 : memref<1x128xi32, #tpu.memory_space<vmem>> -> memref<128xi32, #tpu.memory_space<vmem>>
          %dma_start3A_381 = arith.constant 0 : i32
          %dma_start3A_382 = arith.constant 0 : i32
          %dma_start3A_383 = tpu.memref_slice %arg2[%dma_start3A_381, %dma_start3A_382] : memref<10000x128xf32, #tpu.memory_space<hbm>> -> memref<10000x128xf32, #tpu.memory_space<hbm>>
          tpu.enqueue_indirect_dma source(%dma_start3A_383 : memref<10000x128xf32, #tpu.memory_space<hbm>>) target(%arg11 : memref<128x128xf32, #tpu.memory_space<vmem>>) offsets(%dma_start3A_380 : memref<128xi32, #tpu.memory_space<vmem>>) semaphore(%arg14 : memref<!tpu.dma_semaphore, #tpu.memory_space<semaphore_mem>>)
        } else {
        }
        %dma_wait3A_356 = arith.constant 0 : i32
        %dma_wait3A_357 = arith.constant 0 : i32
        %dma_wait3A_358 = tpu.memref_slice %arg10[%dma_wait3A_356, %dma_wait3A_357] : memref<2x128xi32, #tpu.memory_space<vmem>> -> memref<1x128xi32, #tpu.memory_space<vmem>>
        %dma_wait3A_359 = tpu.memref_squeeze %dma_wait3A_358 : memref<1x128xi32, #tpu.memory_space<vmem>> -> memref<128xi32, #tpu.memory_space<vmem>>
        %dma_wait3A_360 = arith.constant 0 : i32
        %dma_wait3A_361 = arith.constant 0 : i32
        %dma_wait3A_362 = tpu.memref_slice %arg2[%dma_wait3A_360, %dma_wait3A_361] : memref<10000x128xf32, #tpu.memory_space<hbm>> -> memref<10000x128xf32, #tpu.memory_space<hbm>>
        tpu.wait_indirect_dma semaphore(%arg15 : memref<!tpu.dma_semaphore, #tpu.memory_space<semaphore_mem>>) src(%dma_wait3A_362 : memref<10000x128xf32, #tpu.memory_space<hbm>>) dst(%arg12 : memref<128x128xf32, #tpu.memory_space<vmem>>)
        %run_scoped3A_363 = arith.constant 1 : i32
        "tpu.region"() ({
          %run_scoped3A_369 = tpu.sem_alloc : memref<!tpu.dma_semaphore, #tpu.memory_space<semaphore_mem>>
          %dma_start3A_370 = arith.constant 0 : i32
          %dma_start3A_371 = tpu.memref_slice %arg10[%run_scoped3A_363, %dma_start3A_370] : memref<2x128xi32, #tpu.memory_space<vmem>> -> memref<1x128xi32, #tpu.memory_space<vmem>>
          %dma_start3A_372 = tpu.memref_squeeze %dma_start3A_371 : memref<1x128xi32, #tpu.memory_space<vmem>> -> memref<128xi32, #tpu.memory_space<vmem>>
          %dma_start3A_373 = arith.constant 0 : i32
          %dma_start3A_374 = arith.constant 0 : i32
          %dma_start3A_375 = tpu.memref_slice %arg13[%dma_start3A_373, %dma_start3A_374] : memref<10240x128xf32, #tpu.memory_space<vmem_shared>> -> memref<10240x128xf32, #tpu.memory_space<vmem_shared>>
          tpu.enqueue_indirect_dma source(%arg12 : memref<128x128xf32, #tpu.memory_space<vmem>>) target(%dma_start3A_375 : memref<10240x128xf32, #tpu.memory_space<vmem_shared>>) offsets(%dma_start3A_372 : memref<128xi32, #tpu.memory_space<vmem>>) semaphore(%run_scoped3A_369 : memref<!tpu.dma_semaphore, #tpu.memory_space<semaphore_mem>>) {add = true}
          %dma_wait3A_376 = arith.constant 0 : i32
          %dma_wait3A_377 = tpu.memref_slice %arg10[%run_scoped3A_363, %dma_wait3A_376] : memref<2x128xi32, #tpu.memory_space<vmem>> -> memref<1x128xi32, #tpu.memory_space<vmem>>
          %dma_wait3A_378 = tpu.memref_squeeze %dma_wait3A_377 : memref<1x128xi32, #tpu.memory_space<vmem>> -> memref<128xi32, #tpu.memory_space<vmem>>
          %dma_wait3A_379 = arith.constant 0 : i32
          %dma_wait3A_380 = arith.constant 0 : i32
          %dma_wait3A_381 = tpu.memref_slice %arg13[%dma_wait3A_379, %dma_wait3A_380] : memref<10240x128xf32, #tpu.memory_space<vmem_shared>> -> memref<10240x128xf32, #tpu.memory_space<vmem_shared>>
          tpu.wait_indirect_dma semaphore(%run_scoped3A_369 : memref<!tpu.dma_semaphore, #tpu.memory_space<semaphore_mem>>) src(%arg12 : memref<128x128xf32, #tpu.memory_space<vmem>>) dst(%dma_wait3A_381 : memref<10240x128xf32, #tpu.memory_space<vmem_shared>>)
          tpu.yield
        }) : () -> ()
        %lt3A_364 = arith.constant 76 : i32
        %lt3A_365 = arith.cmpi slt, %scan3A_317, %lt3A_364 : i32
        %convert_element_type3A_366 = arith.extui %lt3A_365 : i1 to i32
        %cond3A_367 = arith.constant 0 : i32
        %cond3A_368 = arith.cmpi ne, %convert_element_type3A_366, %cond3A_367 : i32
        scf.if %cond3A_368 {
          %add3A_369 = arith.addi %mul3A_4, %scan3A_317 : i32
          %add3A_370 = arith.constant 2 : i32
          %add3A_371 = arith.addi %add3A_369, %add3A_370 : i32
          %dma_start3A_372 = arith.constant 0 : i32
          %dma_start3A_373 = arith.constant 0 : i32
          %dma_start3A_374 = tpu.memref_slice %arg3[%add3A_371, %dma_start3A_372, %dma_start3A_373] : memref<2496x2x128xi32, #tpu.memory_space<hbm>> -> memref<1x2x128xi32, #tpu.memory_space<hbm>>
          %dma_start3A_375 = tpu.memref_squeeze %dma_start3A_374 : memref<1x2x128xi32, #tpu.memory_space<hbm>> -> memref<2x128xi32, #tpu.memory_space<hbm>>
          %dma_start3A_376 = arith.constant 0 : i32
          %dma_start3A_377 = arith.constant 0 : i32
          %dma_start3A_378 = tpu.memref_slice %arg3[%add3A_371, %dma_start3A_376, %dma_start3A_377] : memref<2496x2x128xi32, #tpu.memory_space<hbm>> -> memref<1x2x128xi32, #tpu.memory_space<hbm>>
          %dma_start3A_379 = tpu.memref_squeeze %dma_start3A_378 : memref<1x2x128xi32, #tpu.memory_space<hbm>> -> memref<2x128xi32, #tpu.memory_space<hbm>>
          tpu.enqueue_dma source(%dma_start3A_379 : memref<2x128xi32, #tpu.memory_space<hbm>>) target(%arg10 : memref<2x128xi32, #tpu.memory_space<vmem>>) target_semaphore(%arg17 : memref<!tpu.dma_semaphore, #tpu.memory_space<semaphore_mem>>)
        } else {
        }
      } else {
      }
    }
    %scan3A_74 = arith.constant 78 : i32
    "tpu.region"() ({
      %run_scoped3A_317 = tpu.sem_alloc : memref<!tpu.dma_semaphore, #tpu.memory_space<semaphore_mem>>
      %dma_start3A_318 = arith.constant 0 : i32
      %dma_start3A_319 = arith.constant 0 : i32
      %dma_start3A_320 = tpu.memref_slice %arg4[%add3A, %dma_start3A_318, %dma_start3A_319] : memref<32x2x16xi32, #tpu.memory_space<hbm>> -> memref<1x2x16xi32, #tpu.memory_space<hbm>>
      %dma_start3A_321 = tpu.memref_squeeze %dma_start3A_320 : memref<1x2x16xi32, #tpu.memory_space<hbm>> -> memref<2x16xi32, #tpu.memory_space<hbm>>
      %dma_start3A_322 = arith.constant 0 : i32
      %dma_start3A_323 = arith.constant 0 : i32
      %dma_start3A_324 = tpu.memref_slice %arg4[%add3A, %dma_start3A_322, %dma_start3A_323] : memref<32x2x16xi32, #tpu.memory_space<hbm>> -> memref<1x2x16xi32, #tpu.memory_space<hbm>>
      %dma_start3A_325 = tpu.memref_squeeze %dma_start3A_324 : memref<1x2x16xi32, #tpu.memory_space<hbm>> -> memref<2x16xi32, #tpu.memory_space<hbm>>
      tpu.enqueue_dma source(%dma_start3A_325 : memref<2x16xi32, #tpu.memory_space<hbm>>) target(%arg18 : memref<2x16xi32, #tpu.memory_space<vmem>>) target_semaphore(%run_scoped3A_317 : memref<!tpu.dma_semaphore, #tpu.memory_space<semaphore_mem>>)
      %dma_wait3A_326 = arith.constant 0 : i32
      %dma_wait3A_327 = arith.constant 0 : i32
      %dma_wait3A_328 = tpu.memref_slice %arg4[%add3A, %dma_wait3A_326, %dma_wait3A_327] : memref<32x2x16xi32, #tpu.memory_space<hbm>> -> memref<1x2x16xi32, #tpu.memory_space<hbm>>
      %dma_wait3A_329 = tpu.memref_squeeze %dma_wait3A_328 : memref<1x2x16xi32, #tpu.memory_space<hbm>> -> memref<2x16xi32, #tpu.memory_space<hbm>>
      %dma_wait3A_330 = arith.constant 0 : i32
      %dma_wait3A_331 = arith.constant 0 : i32
      %dma_wait3A_332 = tpu.memref_slice %arg4[%add3A, %dma_wait3A_330, %dma_wait3A_331] : memref<32x2x16xi32, #tpu.memory_space<hbm>> -> memref<1x2x16xi32, #tpu.memory_space<hbm>>
      %dma_wait3A_333 = tpu.memref_squeeze %dma_wait3A_332 : memref<1x2x16xi32, #tpu.memory_space<hbm>> -> memref<2x16xi32, #tpu.memory_space<hbm>>
      tpu.wait_dma2 semaphore(%run_scoped3A_317 : memref<!tpu.dma_semaphore, #tpu.memory_space<semaphore_mem>>) src(%dma_wait3A_333 : memref<2x16xi32, #tpu.memory_space<hbm>>) dst(%arg18 : memref<2x16xi32, #tpu.memory_space<vmem>>)
      tpu.yield
    }) : () -> ()
    %dma_start3A_75 = arith.constant 0 : i32
    %dma_start3A_76 = arith.constant 0 : i32
    %dma_start3A_77 = tpu.memref_slice %arg18[%dma_start3A_75, %dma_start3A_76] : memref<2x16xi32, #tpu.memory_space<vmem>> -> memref<1x16xi32, #tpu.memory_space<vmem>>
    %dma_start3A_78 = tpu.memref_squeeze %dma_start3A_77 : memref<1x16xi32, #tpu.memory_space<vmem>> -> memref<16xi32, #tpu.memory_space<vmem>>
    %dma_start3A_79 = arith.constant 0 : i32
    %dma_start3A_80 = arith.constant 0 : i32
    %dma_start3A_81 = tpu.memref_slice %arg2[%dma_start3A_79, %dma_start3A_80] : memref<10000x128xf32, #tpu.memory_space<hbm>> -> memref<10000x128xf32, #tpu.memory_space<hbm>>
    tpu.enqueue_indirect_dma source(%dma_start3A_81 : memref<10000x128xf32, #tpu.memory_space<hbm>>) target(%arg19 : memref<16x128xf32, #tpu.memory_space<vmem>>) offsets(%dma_start3A_78 : memref<16xi32, #tpu.memory_space<vmem>>) semaphore(%arg14 : memref<!tpu.dma_semaphore, #tpu.memory_space<semaphore_mem>>)
    %dma_wait3A_82 = arith.constant 0 : i32
    %dma_wait3A_83 = arith.constant 0 : i32
    %dma_wait3A_84 = tpu.memref_slice %arg18[%dma_wait3A_82, %dma_wait3A_83] : memref<2x16xi32, #tpu.memory_space<vmem>> -> memref<1x16xi32, #tpu.memory_space<vmem>>
    %dma_wait3A_85 = tpu.memref_squeeze %dma_wait3A_84 : memref<1x16xi32, #tpu.memory_space<vmem>> -> memref<16xi32, #tpu.memory_space<vmem>>
    %dma_wait3A_86 = arith.constant 0 : i32
    %dma_wait3A_87 = arith.constant 0 : i32
    %dma_wait3A_88 = tpu.memref_slice %arg2[%dma_wait3A_86, %dma_wait3A_87] : memref<10000x128xf32, #tpu.memory_space<hbm>> -> memref<10000x128xf32, #tpu.memory_space<hbm>>
    tpu.wait_indirect_dma semaphore(%arg14 : memref<!tpu.dma_semaphore, #tpu.memory_space<semaphore_mem>>) src(%dma_wait3A_88 : memref<10000x128xf32, #tpu.memory_space<hbm>>) dst(%arg19 : memref<16x128xf32, #tpu.memory_space<vmem>>)
    %run_scoped3A = arith.constant 1 : i32
    "tpu.region"() ({
      %run_scoped3A_317 = tpu.sem_alloc : memref<!tpu.dma_semaphore, #tpu.memory_space<semaphore_mem>>
      %dma_start3A_318 = arith.constant 0 : i32
      %dma_start3A_319 = tpu.memref_slice %arg18[%run_scoped3A, %dma_start3A_318] : memref<2x16xi32, #tpu.memory_space<vmem>> -> memref<1x16xi32, #tpu.memory_space<vmem>>
      %dma_start3A_320 = tpu.memref_squeeze %dma_start3A_319 : memref<1x16xi32, #tpu.memory_space<vmem>> -> memref<16xi32, #tpu.memory_space<vmem>>
      %dma_start3A_321 = arith.constant 0 : i32
      %dma_start3A_322 = arith.constant 0 : i32
      %dma_start3A_323 = tpu.memref_slice %arg13[%dma_start3A_321, %dma_start3A_322] : memref<10240x128xf32, #tpu.memory_space<vmem_shared>> -> memref<10240x128xf32, #tpu.memory_space<vmem_shared>>
      tpu.enqueue_indirect_dma source(%arg19 : memref<16x128xf32, #tpu.memory_space<vmem>>) target(%dma_start3A_323 : memref<10240x128xf32, #tpu.memory_space<vmem_shared>>) offsets(%dma_start3A_320 : memref<16xi32, #tpu.memory_space<vmem>>) semaphore(%run_scoped3A_317 : memref<!tpu.dma_semaphore, #tpu.memory_space<semaphore_mem>>) {add = true}
      %dma_wait3A_324 = arith.constant 0 : i32
      %dma_wait3A_325 = tpu.memref_slice %arg18[%run_scoped3A, %dma_wait3A_324] : memref<2x16xi32, #tpu.memory_space<vmem>> -> memref<1x16xi32, #tpu.memory_space<vmem>>
      %dma_wait3A_326 = tpu.memref_squeeze %dma_wait3A_325 : memref<1x16xi32, #tpu.memory_space<vmem>> -> memref<16xi32, #tpu.memory_space<vmem>>
      %dma_wait3A_327 = arith.constant 0 : i32
      %dma_wait3A_328 = arith.constant 0 : i32
      %dma_wait3A_329 = tpu.memref_slice %arg13[%dma_wait3A_327, %dma_wait3A_328] : memref<10240x128xf32, #tpu.memory_space<vmem_shared>> -> memref<10240x128xf32, #tpu.memory_space<vmem_shared>>
      tpu.wait_indirect_dma semaphore(%run_scoped3A_317 : memref<!tpu.dma_semaphore, #tpu.memory_space<semaphore_mem>>) src(%arg19 : memref<16x128xf32, #tpu.memory_space<vmem>>) dst(%dma_wait3A_329 : memref<10240x128xf32, #tpu.memory_space<vmem_shared>>)
      tpu.yield
    }) : () -> ()
    %barrier3A_89 = arith.constant 0 : index
    tpu.barrier barrier_id(%barrier3A_89)
    %add3A_90 = arith.constant 0 : i32
    %add3A_91 = arith.addi %mul3A_2, %add3A_90 : i32
    "tpu.region"() ({
      %run_scoped3A_317 = tpu.sem_alloc : memref<!tpu.dma_semaphore, #tpu.memory_space<semaphore_mem>>
      %dma_start3A_318 = arith.constant 0 : i32
      %dma_start3A_319 = tpu.memref_slice %arg13[%add3A_91, %dma_start3A_318] : memref<10240x128xf32, #tpu.memory_space<vmem_shared>> -> memref<128x128xf32, #tpu.memory_space<vmem_shared>>
      %dma_start3A_320 = arith.constant 0 : i32
      %dma_start3A_321 = tpu.memref_slice %arg13[%add3A_91, %dma_start3A_320] : memref<10240x128xf32, #tpu.memory_space<vmem_shared>> -> memref<128x128xf32, #tpu.memory_space<vmem_shared>>
      tpu.enqueue_dma source(%dma_start3A_321 : memref<128x128xf32, #tpu.memory_space<vmem_shared>>) target(%arg11 : memref<128x128xf32, #tpu.memory_space<vmem>>) target_semaphore(%run_scoped3A_317 : memref<!tpu.dma_semaphore, #tpu.memory_space<semaphore_mem>>)
      %dma_wait3A_322 = arith.constant 0 : i32
      %dma_wait3A_323 = tpu.memref_slice %arg13[%add3A_91, %dma_wait3A_322] : memref<10240x128xf32, #tpu.memory_space<vmem_shared>> -> memref<128x128xf32, #tpu.memory_space<vmem_shared>>
      %dma_wait3A_324 = arith.constant 0 : i32
      %dma_wait3A_325 = tpu.memref_slice %arg13[%add3A_91, %dma_wait3A_324] : memref<10240x128xf32, #tpu.memory_space<vmem_shared>> -> memref<128x128xf32, #tpu.memory_space<vmem_shared>>
      tpu.wait_dma2 semaphore(%run_scoped3A_317 : memref<!tpu.dma_semaphore, #tpu.memory_space<semaphore_mem>>) src(%dma_wait3A_325 : memref<128x128xf32, #tpu.memory_space<vmem_shared>>) dst(%arg11 : memref<128x128xf32, #tpu.memory_space<vmem>>)
      tpu.yield
    }) : () -> ()
    %add3A_92 = arith.constant 0 : i32
    %add3A_93 = arith.addi %mul3A_2, %add3A_92 : i32
    %dma_start3A_94 = arith.constant 0 : i32
    %dma_start3A_95 = tpu.memref_slice %arg7[%arg0, %add3A_93, %dma_start3A_94] : memref<2x10240x128xf32, #tpu.memory_space<hbm>> -> memref<1x128x128xf32, #tpu.memory_space<hbm>>
    %dma_start3A_96 = tpu.memref_squeeze %dma_start3A_95 : memref<1x128x128xf32, #tpu.memory_space<hbm>> -> memref<128x128xf32, #tpu.memory_space<hbm>>
    %dma_start3A_97 = arith.constant 0 : i32
    %dma_start3A_98 = tpu.memref_slice %arg7[%arg0, %add3A_93, %dma_start3A_97] : memref<2x10240x128xf32, #tpu.memory_space<hbm>> -> memref<1x128x128xf32, #tpu.memory_space<hbm>>
    %dma_start3A_99 = tpu.memref_squeeze %dma_start3A_98 : memref<1x128x128xf32, #tpu.memory_space<hbm>> -> memref<128x128xf32, #tpu.memory_space<hbm>>
    tpu.enqueue_dma source(%arg11 : memref<128x128xf32, #tpu.memory_space<vmem>>) target(%dma_start3A_99 : memref<128x128xf32, #tpu.memory_space<hbm>>) target_semaphore(%arg14 : memref<!tpu.dma_semaphore, #tpu.memory_space<semaphore_mem>>)
    %add3A_100 = arith.constant 128 : i32
    %add3A_101 = arith.addi %mul3A_2, %add3A_100 : i32
    "tpu.region"() ({
      %run_scoped3A_317 = tpu.sem_alloc : memref<!tpu.dma_semaphore, #tpu.memory_space<semaphore_mem>>
      %dma_start3A_318 = arith.constant 0 : i32
      %dma_start3A_319 = tpu.memref_slice %arg13[%add3A_101, %dma_start3A_318] : memref<10240x128xf32, #tpu.memory_space<vmem_shared>> -> memref<128x128xf32, #tpu.memory_space<vmem_shared>>
      %dma_start3A_320 = arith.constant 0 : i32
      %dma_start3A_321 = tpu.memref_slice %arg13[%add3A_101, %dma_start3A_320] : memref<10240x128xf32, #tpu.memory_space<vmem_shared>> -> memref<128x128xf32, #tpu.memory_space<vmem_shared>>
      tpu.enqueue_dma source(%dma_start3A_321 : memref<128x128xf32, #tpu.memory_space<vmem_shared>>) target(%arg12 : memref<128x128xf32, #tpu.memory_space<vmem>>) target_semaphore(%run_scoped3A_317 : memref<!tpu.dma_semaphore, #tpu.memory_space<semaphore_mem>>)
      %dma_wait3A_322 = arith.constant 0 : i32
      %dma_wait3A_323 = tpu.memref_slice %arg13[%add3A_101, %dma_wait3A_322] : memref<10240x128xf32, #tpu.memory_space<vmem_shared>> -> memref<128x128xf32, #tpu.memory_space<vmem_shared>>
      %dma_wait3A_324 = arith.constant 0 : i32
      %dma_wait3A_325 = tpu.memref_slice %arg13[%add3A_101, %dma_wait3A_324] : memref<10240x128xf32, #tpu.memory_space<vmem_shared>> -> memref<128x128xf32, #tpu.memory_space<vmem_shared>>
      tpu.wait_dma2 semaphore(%run_scoped3A_317 : memref<!tpu.dma_semaphore, #tpu.memory_space<semaphore_mem>>) src(%dma_wait3A_325 : memref<128x128xf32, #tpu.memory_space<vmem_shared>>) dst(%arg12 : memref<128x128xf32, #tpu.memory_space<vmem>>)
      tpu.yield
    }) : () -> ()
    %add3A_102 = arith.constant 128 : i32
    %add3A_103 = arith.addi %mul3A_2, %add3A_102 : i32
    %dma_start3A_104 = arith.constant 0 : i32
    %dma_start3A_105 = tpu.memref_slice %arg7[%arg0, %add3A_103, %dma_start3A_104] : memref<2x10240x128xf32, #tpu.memory_space<hbm>> -> memref<1x128x128xf32, #tpu.memory_space<hbm>>
    %dma_start3A_106 = tpu.memref_squeeze %dma_start3A_105 : memref<1x128x128xf32, #tpu.memory_space<hbm>> -> memref<128x128xf32, #tpu.memory_space<hbm>>
    %dma_start3A_107 = arith.constant 0 : i32
    %dma_start3A_108 = tpu.memref_slice %arg7[%arg0, %add3A_103, %dma_start3A_107] : memref<2x10240x128xf32, #tpu.memory_space<hbm>> -> memref<1x128x128xf32, #tpu.memory_space<hbm>>
    %dma_start3A_109 = tpu.memref_squeeze %dma_start3A_108 : memref<1x128x128xf32, #tpu.memory_space<hbm>> -> memref<128x128xf32, #tpu.memory_space<hbm>>
    tpu.enqueue_dma source(%arg12 : memref<128x128xf32, #tpu.memory_space<vmem>>) target(%dma_start3A_109 : memref<128x128xf32, #tpu.memory_space<hbm>>) target_semaphore(%arg15 : memref<!tpu.dma_semaphore, #tpu.memory_space<semaphore_mem>>)
    %dma_wait3A_110 = arith.constant 0 : i32
    %dma_wait3A_111 = tpu.memref_slice %arg7[%arg0, %mul3A_2, %dma_wait3A_110] : memref<2x10240x128xf32, #tpu.memory_space<hbm>> -> memref<1x128x128xf32, #tpu.memory_space<hbm>>
    %dma_wait3A_112 = tpu.memref_squeeze %dma_wait3A_111 : memref<1x128x128xf32, #tpu.memory_space<hbm>> -> memref<128x128xf32, #tpu.memory_space<hbm>>
    %dma_wait3A_113 = arith.constant 0 : i32
    %dma_wait3A_114 = tpu.memref_slice %arg7[%arg0, %mul3A_2, %dma_wait3A_113] : memref<2x10240x128xf32, #tpu.memory_space<hbm>> -> memref<1x128x128xf32, #tpu.memory_space<hbm>>
    %dma_wait3A_115 = tpu.memref_squeeze %dma_wait3A_114 : memref<1x128x128xf32, #tpu.memory_space<hbm>> -> memref<128x128xf32, #tpu.memory_space<hbm>>
    tpu.wait_dma2 semaphore(%arg14 : memref<!tpu.dma_semaphore, #tpu.memory_space<semaphore_mem>>) src(%arg11 : memref<128x128xf32, #tpu.memory_space<vmem>>) dst(%dma_wait3A_115 : memref<128x128xf32, #tpu.memory_space<hbm>>)
    %add3A_116 = arith.constant 256 : i32
    %add3A_117 = arith.addi %mul3A_2, %add3A_116 : i32
    "tpu.region"() ({
      %run_scoped3A_317 = tpu.sem_alloc : memref<!tpu.dma_semaphore, #tpu.memory_space<semaphore_mem>>
      %dma_start3A_318 = arith.constant 0 : i32
      %dma_start3A_319 = tpu.memref_slice %arg13[%add3A_117, %dma_start3A_318] : memref<10240x128xf32, #tpu.memory_space<vmem_shared>> -> memref<128x128xf32, #tpu.memory_space<vmem_shared>>
      %dma_start3A_320 = arith.constant 0 : i32
      %dma_start3A_321 = tpu.memref_slice %arg13[%add3A_117, %dma_start3A_320] : memref<10240x128xf32, #tpu.memory_space<vmem_shared>> -> memref<128x128xf32, #tpu.memory_space<vmem_shared>>
      tpu.enqueue_dma source(%dma_start3A_321 : memref<128x128xf32, #tpu.memory_space<vmem_shared>>) target(%arg11 : memref<128x128xf32, #tpu.memory_space<vmem>>) target_semaphore(%run_scoped3A_317 : memref<!tpu.dma_semaphore, #tpu.memory_space<semaphore_mem>>)
      %dma_wait3A_322 = arith.constant 0 : i32
      %dma_wait3A_323 = tpu.memref_slice %arg13[%add3A_117, %dma_wait3A_322] : memref<10240x128xf32, #tpu.memory_space<vmem_shared>> -> memref<128x128xf32, #tpu.memory_space<vmem_shared>>
      %dma_wait3A_324 = arith.constant 0 : i32
      %dma_wait3A_325 = tpu.memref_slice %arg13[%add3A_117, %dma_wait3A_324] : memref<10240x128xf32, #tpu.memory_space<vmem_shared>> -> memref<128x128xf32, #tpu.memory_space<vmem_shared>>
      tpu.wait_dma2 semaphore(%run_scoped3A_317 : memref<!tpu.dma_semaphore, #tpu.memory_space<semaphore_mem>>) src(%dma_wait3A_325 : memref<128x128xf32, #tpu.memory_space<vmem_shared>>) dst(%arg11 : memref<128x128xf32, #tpu.memory_space<vmem>>)
      tpu.yield
    }) : () -> ()
    %add3A_118 = arith.constant 256 : i32
    %add3A_119 = arith.addi %mul3A_2, %add3A_118 : i32
    %dma_start3A_120 = arith.constant 0 : i32
    %dma_start3A_121 = tpu.memref_slice %arg7[%arg0, %add3A_119, %dma_start3A_120] : memref<2x10240x128xf32, #tpu.memory_space<hbm>> -> memref<1x128x128xf32, #tpu.memory_space<hbm>>
    %dma_start3A_122 = tpu.memref_squeeze %dma_start3A_121 : memref<1x128x128xf32, #tpu.memory_space<hbm>> -> memref<128x128xf32, #tpu.memory_space<hbm>>
    %dma_start3A_123 = arith.constant 0 : i32
    %dma_start3A_124 = tpu.memref_slice %arg7[%arg0, %add3A_119, %dma_start3A_123] : memref<2x10240x128xf32, #tpu.memory_space<hbm>> -> memref<1x128x128xf32, #tpu.memory_space<hbm>>
    %dma_start3A_125 = tpu.memref_squeeze %dma_start3A_124 : memref<1x128x128xf32, #tpu.memory_space<hbm>> -> memref<128x128xf32, #tpu.memory_space<hbm>>
    tpu.enqueue_dma source(%arg11 : memref<128x128xf32, #tpu.memory_space<vmem>>) target(%dma_start3A_125 : memref<128x128xf32, #tpu.memory_space<hbm>>) target_semaphore(%arg14 : memref<!tpu.dma_semaphore, #tpu.memory_space<semaphore_mem>>)
    %dma_wait3A_126 = arith.constant 0 : i32
    %dma_wait3A_127 = tpu.memref_slice %arg7[%arg0, %mul3A_2, %dma_wait3A_126] : memref<2x10240x128xf32, #tpu.memory_space<hbm>> -> memref<1x128x128xf32, #tpu.memory_space<hbm>>
    %dma_wait3A_128 = tpu.memref_squeeze %dma_wait3A_127 : memref<1x128x128xf32, #tpu.memory_space<hbm>> -> memref<128x128xf32, #tpu.memory_space<hbm>>
    %dma_wait3A_129 = arith.constant 0 : i32
    %dma_wait3A_130 = tpu.memref_slice %arg7[%arg0, %mul3A_2, %dma_wait3A_129] : memref<2x10240x128xf32, #tpu.memory_space<hbm>> -> memref<1x128x128xf32, #tpu.memory_space<hbm>>
    %dma_wait3A_131 = tpu.memref_squeeze %dma_wait3A_130 : memref<1x128x128xf32, #tpu.memory_space<hbm>> -> memref<128x128xf32, #tpu.memory_space<hbm>>
    tpu.wait_dma2 semaphore(%arg15 : memref<!tpu.dma_semaphore, #tpu.memory_space<semaphore_mem>>) src(%arg12 : memref<128x128xf32, #tpu.memory_space<vmem>>) dst(%dma_wait3A_131 : memref<128x128xf32, #tpu.memory_space<hbm>>)
    %add3A_132 = arith.constant 384 : i32
    %add3A_133 = arith.addi %mul3A_2, %add3A_132 : i32
    "tpu.region"() ({
      %run_scoped3A_317 = tpu.sem_alloc : memref<!tpu.dma_semaphore, #tpu.memory_space<semaphore_mem>>
      %dma_start3A_318 = arith.constant 0 : i32
      %dma_start3A_319 = tpu.memref_slice %arg13[%add3A_133, %dma_start3A_318] : memref<10240x128xf32, #tpu.memory_space<vmem_shared>> -> memref<128x128xf32, #tpu.memory_space<vmem_shared>>
      %dma_start3A_320 = arith.constant 0 : i32
      %dma_start3A_321 = tpu.memref_slice %arg13[%add3A_133, %dma_start3A_320] : memref<10240x128xf32, #tpu.memory_space<vmem_shared>> -> memref<128x128xf32, #tpu.memory_space<vmem_shared>>
      tpu.enqueue_dma source(%dma_start3A_321 : memref<128x128xf32, #tpu.memory_space<vmem_shared>>) target(%arg12 : memref<128x128xf32, #tpu.memory_space<vmem>>) target_semaphore(%run_scoped3A_317 : memref<!tpu.dma_semaphore, #tpu.memory_space<semaphore_mem>>)
      %dma_wait3A_322 = arith.constant 0 : i32
      %dma_wait3A_323 = tpu.memref_slice %arg13[%add3A_133, %dma_wait3A_322] : memref<10240x128xf32, #tpu.memory_space<vmem_shared>> -> memref<128x128xf32, #tpu.memory_space<vmem_shared>>
      %dma_wait3A_324 = arith.constant 0 : i32
      %dma_wait3A_325 = tpu.memref_slice %arg13[%add3A_133, %dma_wait3A_324] : memref<10240x128xf32, #tpu.memory_space<vmem_shared>> -> memref<128x128xf32, #tpu.memory_space<vmem_shared>>
      tpu.wait_dma2 semaphore(%run_scoped3A_317 : memref<!tpu.dma_semaphore, #tpu.memory_space<semaphore_mem>>) src(%dma_wait3A_325 : memref<128x128xf32, #tpu.memory_space<vmem_shared>>) dst(%arg12 : memref<128x128xf32, #tpu.memory_space<vmem>>)
      tpu.yield
    }) : () -> ()
    %add3A_134 = arith.constant 384 : i32
    %add3A_135 = arith.addi %mul3A_2, %add3A_134 : i32
    %dma_start3A_136 = arith.constant 0 : i32
    %dma_start3A_137 = tpu.memref_slice %arg7[%arg0, %add3A_135, %dma_start3A_136] : memref<2x10240x128xf32, #tpu.memory_space<hbm>> -> memref<1x128x128xf32, #tpu.memory_space<hbm>>
    %dma_start3A_138 = tpu.memref_squeeze %dma_start3A_137 : memref<1x128x128xf32, #tpu.memory_space<hbm>> -> memref<128x128xf32, #tpu.memory_space<hbm>>
    %dma_start3A_139 = arith.constant 0 : i32
    %dma_start3A_140 = tpu.memref_slice %arg7[%arg0, %add3A_135, %dma_start3A_139] : memref<2x10240x128xf32, #tpu.memory_space<hbm>> -> memref<1x128x128xf32, #tpu.memory_space<hbm>>
    %dma_start3A_141 = tpu.memref_squeeze %dma_start3A_140 : memref<1x128x128xf32, #tpu.memory_space<hbm>> -> memref<128x128xf32, #tpu.memory_space<hbm>>
    tpu.enqueue_dma source(%arg12 : memref<128x128xf32, #tpu.memory_space<vmem>>) target(%dma_start3A_141 : memref<128x128xf32, #tpu.memory_space<hbm>>) target_semaphore(%arg15 : memref<!tpu.dma_semaphore, #tpu.memory_space<semaphore_mem>>)
    %dma_wait3A_142 = arith.constant 0 : i32
    %dma_wait3A_143 = tpu.memref_slice %arg7[%arg0, %mul3A_2, %dma_wait3A_142] : memref<2x10240x128xf32, #tpu.memory_space<hbm>> -> memref<1x128x128xf32, #tpu.memory_space<hbm>>
    %dma_wait3A_144 = tpu.memref_squeeze %dma_wait3A_143 : memref<1x128x128xf32, #tpu.memory_space<hbm>> -> memref<128x128xf32, #tpu.memory_space<hbm>>
    %dma_wait3A_145 = arith.constant 0 : i32
    %dma_wait3A_146 = tpu.memref_slice %arg7[%arg0, %mul3A_2, %dma_wait3A_145] : memref<2x10240x128xf32, #tpu.memory_space<hbm>> -> memref<1x128x128xf32, #tpu.memory_space<hbm>>
    %dma_wait3A_147 = tpu.memref_squeeze %dma_wait3A_146 : memref<1x128x128xf32, #tpu.memory_space<hbm>> -> memref<128x128xf32, #tpu.memory_space<hbm>>
    tpu.wait_dma2 semaphore(%arg14 : memref<!tpu.dma_semaphore, #tpu.memory_space<semaphore_mem>>) src(%arg11 : memref<128x128xf32, #tpu.memory_space<vmem>>) dst(%dma_wait3A_147 : memref<128x128xf32, #tpu.memory_space<hbm>>)
    %add3A_148 = arith.constant 512 : i32
    %add3A_149 = arith.addi %mul3A_2, %add3A_148 : i32
    "tpu.region"() ({
      %run_scoped3A_317 = tpu.sem_alloc : memref<!tpu.dma_semaphore, #tpu.memory_space<semaphore_mem>>
      %dma_start3A_318 = arith.constant 0 : i32
      %dma_start3A_319 = tpu.memref_slice %arg13[%add3A_149, %dma_start3A_318] : memref<10240x128xf32, #tpu.memory_space<vmem_shared>> -> memref<128x128xf32, #tpu.memory_space<vmem_shared>>
      %dma_start3A_320 = arith.constant 0 : i32
      %dma_start3A_321 = tpu.memref_slice %arg13[%add3A_149, %dma_start3A_320] : memref<10240x128xf32, #tpu.memory_space<vmem_shared>> -> memref<128x128xf32, #tpu.memory_space<vmem_shared>>
      tpu.enqueue_dma source(%dma_start3A_321 : memref<128x128xf32, #tpu.memory_space<vmem_shared>>) target(%arg11 : memref<128x128xf32, #tpu.memory_space<vmem>>) target_semaphore(%run_scoped3A_317 : memref<!tpu.dma_semaphore, #tpu.memory_space<semaphore_mem>>)
      %dma_wait3A_322 = arith.constant 0 : i32
      %dma_wait3A_323 = tpu.memref_slice %arg13[%add3A_149, %dma_wait3A_322] : memref<10240x128xf32, #tpu.memory_space<vmem_shared>> -> memref<128x128xf32, #tpu.memory_space<vmem_shared>>
      %dma_wait3A_324 = arith.constant 0 : i32
      %dma_wait3A_325 = tpu.memref_slice %arg13[%add3A_149, %dma_wait3A_324] : memref<10240x128xf32, #tpu.memory_space<vmem_shared>> -> memref<128x128xf32, #tpu.memory_space<vmem_shared>>
      tpu.wait_dma2 semaphore(%run_scoped3A_317 : memref<!tpu.dma_semaphore, #tpu.memory_space<semaphore_mem>>) src(%dma_wait3A_325 : memref<128x128xf32, #tpu.memory_space<vmem_shared>>) dst(%arg11 : memref<128x128xf32, #tpu.memory_space<vmem>>)
      tpu.yield
    }) : () -> ()
    %add3A_150 = arith.constant 512 : i32
    %add3A_151 = arith.addi %mul3A_2, %add3A_150 : i32
    %dma_start3A_152 = arith.constant 0 : i32
    %dma_start3A_153 = tpu.memref_slice %arg7[%arg0, %add3A_151, %dma_start3A_152] : memref<2x10240x128xf32, #tpu.memory_space<hbm>> -> memref<1x128x128xf32, #tpu.memory_space<hbm>>
    %dma_start3A_154 = tpu.memref_squeeze %dma_start3A_153 : memref<1x128x128xf32, #tpu.memory_space<hbm>> -> memref<128x128xf32, #tpu.memory_space<hbm>>
    %dma_start3A_155 = arith.constant 0 : i32
    %dma_start3A_156 = tpu.memref_slice %arg7[%arg0, %add3A_151, %dma_start3A_155] : memref<2x10240x128xf32, #tpu.memory_space<hbm>> -> memref<1x128x128xf32, #tpu.memory_space<hbm>>
    %dma_start3A_157 = tpu.memref_squeeze %dma_start3A_156 : memref<1x128x128xf32, #tpu.memory_space<hbm>> -> memref<128x128xf32, #tpu.memory_space<hbm>>
    tpu.enqueue_dma source(%arg11 : memref<128x128xf32, #tpu.memory_space<vmem>>) target(%dma_start3A_157 : memref<128x128xf32, #tpu.memory_space<hbm>>) target_semaphore(%arg14 : memref<!tpu.dma_semaphore, #tpu.memory_space<semaphore_mem>>)
    %dma_wait3A_158 = arith.constant 0 : i32
    %dma_wait3A_159 = tpu.memref_slice %arg7[%arg0, %mul3A_2, %dma_wait3A_158] : memref<2x10240x128xf32, #tpu.memory_space<hbm>> -> memref<1x128x128xf32, #tpu.memory_space<hbm>>
    %dma_wait3A_160 = tpu.memref_squeeze %dma_wait3A_159 : memref<1x128x128xf32, #tpu.memory_space<hbm>> -> memref<128x128xf32, #tpu.memory_space<hbm>>
    %dma_wait3A_161 = arith.constant 0 : i32
    %dma_wait3A_162 = tpu.memref_slice %arg7[%arg0, %mul3A_2, %dma_wait3A_161] : memref<2x10240x128xf32, #tpu.memory_space<hbm>> -> memref<1x128x128xf32, #tpu.memory_space<hbm>>
    %dma_wait3A_163 = tpu.memref_squeeze %dma_wait3A_162 : memref<1x128x128xf32, #tpu.memory_space<hbm>> -> memref<128x128xf32, #tpu.memory_space<hbm>>
    tpu.wait_dma2 semaphore(%arg14 : memref<!tpu.dma_semaphore, #tpu.memory_space<semaphore_mem>>) src(%arg11 : memref<128x128xf32, #tpu.memory_space<vmem>>) dst(%dma_wait3A_163 : memref<128x128xf32, #tpu.memory_space<hbm>>)
    %dma_wait3A_164 = arith.constant 0 : i32
    %dma_wait3A_165 = tpu.memref_slice %arg7[%arg0, %mul3A_2, %dma_wait3A_164] : memref<2x10240x128xf32, #tpu.memory_space<hbm>> -> memref<1x128x128xf32, #tpu.memory_space<hbm>>
    %dma_wait3A_166 = tpu.memref_squeeze %dma_wait3A_165 : memref<1x128x128xf32, #tpu.memory_space<hbm>> -> memref<128x128xf32, #tpu.memory_space<hbm>>
    %dma_wait3A_167 = arith.constant 0 : i32
    %dma_wait3A_168 = tpu.memref_slice %arg7[%arg0, %mul3A_2, %dma_wait3A_167] : memref<2x10240x128xf32, #tpu.memory_space<hbm>> -> memref<1x128x128xf32, #tpu.memory_space<hbm>>
    %dma_wait3A_169 = tpu.memref_squeeze %dma_wait3A_168 : memref<1x128x128xf32, #tpu.memory_space<hbm>> -> memref<128x128xf32, #tpu.memory_space<hbm>>
    tpu.wait_dma2 semaphore(%arg15 : memref<!tpu.dma_semaphore, #tpu.memory_space<semaphore_mem>>) src(%arg12 : memref<128x128xf32, #tpu.memory_space<vmem>>) dst(%dma_wait3A_169 : memref<128x128xf32, #tpu.memory_space<hbm>>)
    "tpu.region"() ({
      %run_scoped3A_317 = tpu.sem_alloc : memref<!tpu.dma_semaphore, #tpu.memory_space<semaphore_mem>>
      tpu.enqueue_dma source(%arg5 : memref<128x128xf32, #tpu.memory_space<hbm>>) target(%arg11 : memref<128x128xf32, #tpu.memory_space<vmem>>) target_semaphore(%run_scoped3A_317 : memref<!tpu.dma_semaphore, #tpu.memory_space<semaphore_mem>>)
      tpu.wait_dma2 semaphore(%run_scoped3A_317 : memref<!tpu.dma_semaphore, #tpu.memory_space<semaphore_mem>>) src(%arg5 : memref<128x128xf32, #tpu.memory_space<hbm>>) dst(%arg11 : memref<128x128xf32, #tpu.memory_space<vmem>>)
      tpu.yield
    }) : () -> ()
    %add3A_170 = arith.constant 0 : i32
    %add3A_171 = arith.addi %mul3A_2, %add3A_170 : i32
    %dma_start3A_172 = arith.constant 0 : i32
    %dma_start3A_173 = tpu.memref_slice %arg13[%add3A_171, %dma_start3A_172] : memref<10240x128xf32, #tpu.memory_space<vmem_shared>> -> memref<128x128xf32, #tpu.memory_space<vmem_shared>>
    %dma_start3A_174 = arith.constant 0 : i32
    %dma_start3A_175 = tpu.memref_slice %arg13[%add3A_171, %dma_start3A_174] : memref<10240x128xf32, #tpu.memory_space<vmem_shared>> -> memref<128x128xf32, #tpu.memory_space<vmem_shared>>
    tpu.enqueue_dma source(%arg11 : memref<128x128xf32, #tpu.memory_space<vmem>>) target(%dma_start3A_175 : memref<128x128xf32, #tpu.memory_space<vmem_shared>>) target_semaphore(%arg14 : memref<!tpu.dma_semaphore, #tpu.memory_space<semaphore_mem>>)
    %add3A_176 = arith.constant 128 : i32
    %add3A_177 = arith.addi %mul3A_2, %add3A_176 : i32
    %dma_start3A_178 = arith.constant 0 : i32
    %dma_start3A_179 = tpu.memref_slice %arg13[%add3A_177, %dma_start3A_178] : memref<10240x128xf32, #tpu.memory_space<vmem_shared>> -> memref<128x128xf32, #tpu.memory_space<vmem_shared>>
    %dma_start3A_180 = arith.constant 0 : i32
    %dma_start3A_181 = tpu.memref_slice %arg13[%add3A_177, %dma_start3A_180] : memref<10240x128xf32, #tpu.memory_space<vmem_shared>> -> memref<128x128xf32, #tpu.memory_space<vmem_shared>>
    tpu.enqueue_dma source(%arg11 : memref<128x128xf32, #tpu.memory_space<vmem>>) target(%dma_start3A_181 : memref<128x128xf32, #tpu.memory_space<vmem_shared>>) target_semaphore(%arg14 : memref<!tpu.dma_semaphore, #tpu.memory_space<semaphore_mem>>)
    %add3A_182 = arith.constant 256 : i32
    %add3A_183 = arith.addi %mul3A_2, %add3A_182 : i32
    %dma_start3A_184 = arith.constant 0 : i32
    %dma_start3A_185 = tpu.memref_slice %arg13[%add3A_183, %dma_start3A_184] : memref<10240x128xf32, #tpu.memory_space<vmem_shared>> -> memref<128x128xf32, #tpu.memory_space<vmem_shared>>
    %dma_start3A_186 = arith.constant 0 : i32
    %dma_start3A_187 = tpu.memref_slice %arg13[%add3A_183, %dma_start3A_186] : memref<10240x128xf32, #tpu.memory_space<vmem_shared>> -> memref<128x128xf32, #tpu.memory_space<vmem_shared>>
    tpu.enqueue_dma source(%arg11 : memref<128x128xf32, #tpu.memory_space<vmem>>) target(%dma_start3A_187 : memref<128x128xf32, #tpu.memory_space<vmem_shared>>) target_semaphore(%arg14 : memref<!tpu.dma_semaphore, #tpu.memory_space<semaphore_mem>>)
    %add3A_188 = arith.constant 384 : i32
    %add3A_189 = arith.addi %mul3A_2, %add3A_188 : i32
    %dma_start3A_190 = arith.constant 0 : i32
    %dma_start3A_191 = tpu.memref_slice %arg13[%add3A_189, %dma_start3A_190] : memref<10240x128xf32, #tpu.memory_space<vmem_shared>> -> memref<128x128xf32, #tpu.memory_space<vmem_shared>>
    %dma_start3A_192 = arith.constant 0 : i32
    %dma_start3A_193 = tpu.memref_slice %arg13[%add3A_189, %dma_start3A_192] : memref<10240x128xf32, #tpu.memory_space<vmem_shared>> -> memref<128x128xf32, #tpu.memory_space<vmem_shared>>
    tpu.enqueue_dma source(%arg11 : memref<128x128xf32, #tpu.memory_space<vmem>>) target(%dma_start3A_193 : memref<128x128xf32, #tpu.memory_space<vmem_shared>>) target_semaphore(%arg14 : memref<!tpu.dma_semaphore, #tpu.memory_space<semaphore_mem>>)
    %add3A_194 = arith.constant 512 : i32
    %add3A_195 = arith.addi %mul3A_2, %add3A_194 : i32
    %dma_start3A_196 = arith.constant 0 : i32
    %dma_start3A_197 = tpu.memref_slice %arg13[%add3A_195, %dma_start3A_196] : memref<10240x128xf32, #tpu.memory_space<vmem_shared>> -> memref<128x128xf32, #tpu.memory_space<vmem_shared>>
    %dma_start3A_198 = arith.constant 0 : i32
    %dma_start3A_199 = tpu.memref_slice %arg13[%add3A_195, %dma_start3A_198] : memref<10240x128xf32, #tpu.memory_space<vmem_shared>> -> memref<128x128xf32, #tpu.memory_space<vmem_shared>>
    tpu.enqueue_dma source(%arg11 : memref<128x128xf32, #tpu.memory_space<vmem>>) target(%dma_start3A_199 : memref<128x128xf32, #tpu.memory_space<vmem_shared>>) target_semaphore(%arg14 : memref<!tpu.dma_semaphore, #tpu.memory_space<semaphore_mem>>)
    %dma_wait3A_200 = arith.constant 0 : i32
    %dma_wait3A_201 = tpu.memref_slice %arg13[%add3A_171, %dma_wait3A_200] : memref<10240x128xf32, #tpu.memory_space<vmem_shared>> -> memref<128x128xf32, #tpu.memory_space<vmem_shared>>
    %dma_wait3A_202 = arith.constant 0 : i32
    %dma_wait3A_203 = tpu.memref_slice %arg13[%add3A_171, %dma_wait3A_202] : memref<10240x128xf32, #tpu.memory_space<vmem_shared>> -> memref<128x128xf32, #tpu.memory_space<vmem_shared>>
    tpu.wait_dma2 semaphore(%arg14 : memref<!tpu.dma_semaphore, #tpu.memory_space<semaphore_mem>>) src(%arg11 : memref<128x128xf32, #tpu.memory_space<vmem>>) dst(%dma_wait3A_203 : memref<128x128xf32, #tpu.memory_space<vmem_shared>>)
    %dma_wait3A_204 = arith.constant 0 : i32
    %dma_wait3A_205 = tpu.memref_slice %arg13[%add3A_177, %dma_wait3A_204] : memref<10240x128xf32, #tpu.memory_space<vmem_shared>> -> memref<128x128xf32, #tpu.memory_space<vmem_shared>>
    %dma_wait3A_206 = arith.constant 0 : i32
    %dma_wait3A_207 = tpu.memref_slice %arg13[%add3A_177, %dma_wait3A_206] : memref<10240x128xf32, #tpu.memory_space<vmem_shared>> -> memref<128x128xf32, #tpu.memory_space<vmem_shared>>
    tpu.wait_dma2 semaphore(%arg14 : memref<!tpu.dma_semaphore, #tpu.memory_space<semaphore_mem>>) src(%arg11 : memref<128x128xf32, #tpu.memory_space<vmem>>) dst(%dma_wait3A_207 : memref<128x128xf32, #tpu.memory_space<vmem_shared>>)
    %dma_wait3A_208 = arith.constant 0 : i32
    %dma_wait3A_209 = tpu.memref_slice %arg13[%add3A_183, %dma_wait3A_208] : memref<10240x128xf32, #tpu.memory_space<vmem_shared>> -> memref<128x128xf32, #tpu.memory_space<vmem_shared>>
    %dma_wait3A_210 = arith.constant 0 : i32
    %dma_wait3A_211 = tpu.memref_slice %arg13[%add3A_183, %dma_wait3A_210] : memref<10240x128xf32, #tpu.memory_space<vmem_shared>> -> memref<128x128xf32, #tpu.memory_space<vmem_shared>>
    tpu.wait_dma2 semaphore(%arg14 : memref<!tpu.dma_semaphore, #tpu.memory_space<semaphore_mem>>) src(%arg11 : memref<128x128xf32, #tpu.memory_space<vmem>>) dst(%dma_wait3A_211 : memref<128x128xf32, #tpu.memory_space<vmem_shared>>)
    %dma_wait3A_212 = arith.constant 0 : i32
    %dma_wait3A_213 = tpu.memref_slice %arg13[%add3A_189, %dma_wait3A_212] : memref<10240x128xf32, #tpu.memory_space<vmem_shared>> -> memref<128x128xf32, #tpu.memory_space<vmem_shared>>
    %dma_wait3A_214 = arith.constant 0 : i32
    %dma_wait3A_215 = tpu.memref_slice %arg13[%add3A_189, %dma_wait3A_214] : memref<10240x128xf32, #tpu.memory_space<vmem_shared>> -> memref<128x128xf32, #tpu.memory_space<vmem_shared>>
    tpu.wait_dma2 semaphore(%arg14 : memref<!tpu.dma_semaphore, #tpu.memory_space<semaphore_mem>>) src(%arg11 : memref<128x128xf32, #tpu.memory_space<vmem>>) dst(%dma_wait3A_215 : memref<128x128xf32, #tpu.memory_space<vmem_shared>>)
    %dma_wait3A_216 = arith.constant 0 : i32
    %dma_wait3A_217 = tpu.memref_slice %arg13[%add3A_195, %dma_wait3A_216] : memref<10240x128xf32, #tpu.memory_space<vmem_shared>> -> memref<128x128xf32, #tpu.memory_space<vmem_shared>>
    %dma_wait3A_218 = arith.constant 0 : i32
    %dma_wait3A_219 = tpu.memref_slice %arg13[%add3A_195, %dma_wait3A_218] : memref<10240x128xf32, #tpu.memory_space<vmem_shared>> -> memref<128x128xf32, #tpu.memory_space<vmem_shared>>
    tpu.wait_dma2 semaphore(%arg14 : memref<!tpu.dma_semaphore, #tpu.memory_space<semaphore_mem>>) src(%arg11 : memref<128x128xf32, #tpu.memory_space<vmem>>) dst(%dma_wait3A_219 : memref<128x128xf32, #tpu.memory_space<vmem_shared>>)
    %barrier3A_220 = arith.constant 0 : index
    tpu.barrier barrier_id(%barrier3A_220)
    "tpu.region"() ({
      %run_scoped3A_317 = tpu.sem_alloc : memref<!tpu.dma_semaphore, #tpu.memory_space<semaphore_mem>>
      tpu.enqueue_dma source(%arg6 : memref<128x128xf32, #tpu.memory_space<hbm>>) target(%arg12 : memref<128x128xf32, #tpu.memory_space<vmem>>) target_semaphore(%run_scoped3A_317 : memref<!tpu.dma_semaphore, #tpu.memory_space<semaphore_mem>>)
      tpu.wait_dma2 semaphore(%run_scoped3A_317 : memref<!tpu.dma_semaphore, #tpu.memory_space<semaphore_mem>>) src(%arg6 : memref<128x128xf32, #tpu.memory_space<hbm>>) dst(%arg12 : memref<128x128xf32, #tpu.memory_space<vmem>>)
      tpu.yield
    }) : () -> ()
    %dma_start3A_221 = arith.constant 0 : i32
    %dma_start3A_222 = arith.constant 0 : i32
    %dma_start3A_223 = tpu.memref_slice %arg3[%mul3A_4, %dma_start3A_221, %dma_start3A_222] : memref<2496x2x128xi32, #tpu.memory_space<hbm>> -> memref<1x2x128xi32, #tpu.memory_space<hbm>>
    %dma_start3A_224 = tpu.memref_squeeze %dma_start3A_223 : memref<1x2x128xi32, #tpu.memory_space<hbm>> -> memref<2x128xi32, #tpu.memory_space<hbm>>
    %dma_start3A_225 = arith.constant 0 : i32
    %dma_start3A_226 = arith.constant 0 : i32
    %dma_start3A_227 = tpu.memref_slice %arg3[%mul3A_4, %dma_start3A_225, %dma_start3A_226] : memref<2496x2x128xi32, #tpu.memory_space<hbm>> -> memref<1x2x128xi32, #tpu.memory_space<hbm>>
    %dma_start3A_228 = tpu.memref_squeeze %dma_start3A_227 : memref<1x2x128xi32, #tpu.memory_space<hbm>> -> memref<2x128xi32, #tpu.memory_space<hbm>>
    tpu.enqueue_dma source(%dma_start3A_228 : memref<2x128xi32, #tpu.memory_space<hbm>>) target(%arg9 : memref<2x128xi32, #tpu.memory_space<vmem>>) target_semaphore(%arg14 : memref<!tpu.dma_semaphore, #tpu.memory_space<semaphore_mem>>)
    %scan3A_229 = arith.constant 0 : i32
    %scan3A_230 = arith.constant 0 : i32
    %scan3A_231 = arith.constant 78 : i32
    %scan3A_232 = arith.addi %scan3A_230, %scan3A_231 : i32
    %scan3A_233 = arith.constant 1 : i32
    scf.for %scan3A_317 = %scan3A_230 to %scan3A_232 step %scan3A_233  : i32 {
      %jit3A = arith.constant 2 : i32
      %eq3A = arith.constant 0 : i32
      %eq3A_318 = arith.cmpi eq, %jit3A, %eq3A : i32
      %jit3A_319 = arith.constant 1 : i32
      %select_n3A = arith.select %eq3A_318, %jit3A_319, %jit3A : i32
      %rem3A = arith.remsi %scan3A_317, %select_n3A : i32
      %ne3A = arith.constant 0 : i32
      %ne3A_320 = arith.cmpi ne, %rem3A, %ne3A : i32
      %lt3A = arith.constant 0 : i32
      %lt3A_321 = arith.cmpi slt, %rem3A, %lt3A : i32
      %lt3A_322 = arith.constant 0 : i32
      %lt3A_323 = arith.cmpi slt, %select_n3A, %lt3A_322 : i32
      %ne3A_324 = arith.xori %lt3A_321, %lt3A_323 : i1
      %and3A = arith.andi %ne3A_324, %ne3A_320 : i1
      %add3A_325 = arith.addi %rem3A, %select_n3A : i32
      %select_n3A_326 = arith.select %and3A, %add3A_325, %rem3A : i32
      %eq3A_327 = arith.constant 0 : i32
      %eq3A_328 = arith.cmpi eq, %select_n3A_326, %eq3A_327 : i32
      %convert_element_type3A = arith.extui %eq3A_328 : i1 to i32
      %cond3A = arith.constant 0 : i32
      %cond3A_329 = arith.cmpi ne, %convert_element_type3A, %cond3A : i32
      scf.if %cond3A_329 {
        %lt3A_351 = arith.constant 77 : i32
        %lt3A_352 = arith.cmpi slt, %scan3A_317, %lt3A_351 : i32
        %convert_element_type3A_353 = arith.extui %lt3A_352 : i1 to i32
        %cond3A_354 = arith.constant 0 : i32
        %cond3A_355 = arith.cmpi ne, %convert_element_type3A_353, %cond3A_354 : i32
        scf.if %cond3A_355 {
          %add3A_365 = arith.addi %mul3A_4, %scan3A_317 : i32
          %add3A_366 = arith.constant 1 : i32
          %add3A_367 = arith.addi %add3A_365, %add3A_366 : i32
          %dma_start3A_368 = arith.constant 0 : i32
          %dma_start3A_369 = arith.constant 0 : i32
          %dma_start3A_370 = tpu.memref_slice %arg3[%add3A_367, %dma_start3A_368, %dma_start3A_369] : memref<2496x2x128xi32, #tpu.memory_space<hbm>> -> memref<1x2x128xi32, #tpu.memory_space<hbm>>
          %dma_start3A_371 = tpu.memref_squeeze %dma_start3A_370 : memref<1x2x128xi32, #tpu.memory_space<hbm>> -> memref<2x128xi32, #tpu.memory_space<hbm>>
          %dma_start3A_372 = arith.constant 0 : i32
          %dma_start3A_373 = arith.constant 0 : i32
          %dma_start3A_374 = tpu.memref_slice %arg3[%add3A_367, %dma_start3A_372, %dma_start3A_373] : memref<2496x2x128xi32, #tpu.memory_space<hbm>> -> memref<1x2x128xi32, #tpu.memory_space<hbm>>
          %dma_start3A_375 = tpu.memref_squeeze %dma_start3A_374 : memref<1x2x128xi32, #tpu.memory_space<hbm>> -> memref<2x128xi32, #tpu.memory_space<hbm>>
          tpu.enqueue_dma source(%dma_start3A_375 : memref<2x128xi32, #tpu.memory_space<hbm>>) target(%arg10 : memref<2x128xi32, #tpu.memory_space<vmem>>) target_semaphore(%arg15 : memref<!tpu.dma_semaphore, #tpu.memory_space<semaphore_mem>>)
        } else {
        }
        %dma_wait3A_356 = arith.constant 0 : i32
        %dma_wait3A_357 = arith.constant 0 : i32
        %dma_wait3A_358 = tpu.memref_slice %arg3[%mul3A_4, %dma_wait3A_356, %dma_wait3A_357] : memref<2496x2x128xi32, #tpu.memory_space<hbm>> -> memref<1x2x128xi32, #tpu.memory_space<hbm>>
        %dma_wait3A_359 = tpu.memref_squeeze %dma_wait3A_358 : memref<1x2x128xi32, #tpu.memory_space<hbm>> -> memref<2x128xi32, #tpu.memory_space<hbm>>
        %dma_wait3A_360 = arith.constant 0 : i32
        %dma_wait3A_361 = arith.constant 0 : i32
        %dma_wait3A_362 = tpu.memref_slice %arg3[%mul3A_4, %dma_wait3A_360, %dma_wait3A_361] : memref<2496x2x128xi32, #tpu.memory_space<hbm>> -> memref<1x2x128xi32, #tpu.memory_space<hbm>>
        %dma_wait3A_363 = tpu.memref_squeeze %dma_wait3A_362 : memref<1x2x128xi32, #tpu.memory_space<hbm>> -> memref<2x128xi32, #tpu.memory_space<hbm>>
        tpu.wait_dma2 semaphore(%arg14 : memref<!tpu.dma_semaphore, #tpu.memory_space<semaphore_mem>>) src(%dma_wait3A_363 : memref<2x128xi32, #tpu.memory_space<hbm>>) dst(%arg9 : memref<2x128xi32, #tpu.memory_space<vmem>>)
        %run_scoped3A_364 = arith.constant 1 : i32
        "tpu.region"() ({
          %run_scoped3A_365 = tpu.sem_alloc : memref<!tpu.dma_semaphore, #tpu.memory_space<semaphore_mem>>
          %dma_start3A_366 = arith.constant 0 : i32
          %dma_start3A_367 = tpu.memref_slice %arg9[%run_scoped3A_364, %dma_start3A_366] : memref<2x128xi32, #tpu.memory_space<vmem>> -> memref<1x128xi32, #tpu.memory_space<vmem>>
          %dma_start3A_368 = tpu.memref_squeeze %dma_start3A_367 : memref<1x128xi32, #tpu.memory_space<vmem>> -> memref<128xi32, #tpu.memory_space<vmem>>
          %dma_start3A_369 = arith.constant 0 : i32
          %dma_start3A_370 = arith.constant 0 : i32
          %dma_start3A_371 = tpu.memref_slice %arg13[%dma_start3A_369, %dma_start3A_370] : memref<10240x128xf32, #tpu.memory_space<vmem_shared>> -> memref<10240x128xf32, #tpu.memory_space<vmem_shared>>
          tpu.enqueue_indirect_dma source(%arg12 : memref<128x128xf32, #tpu.memory_space<vmem>>) target(%dma_start3A_371 : memref<10240x128xf32, #tpu.memory_space<vmem_shared>>) offsets(%dma_start3A_368 : memref<128xi32, #tpu.memory_space<vmem>>) semaphore(%run_scoped3A_365 : memref<!tpu.dma_semaphore, #tpu.memory_space<semaphore_mem>>) {add = true}
          %dma_wait3A_372 = arith.constant 0 : i32
          %dma_wait3A_373 = tpu.memref_slice %arg9[%run_scoped3A_364, %dma_wait3A_372] : memref<2x128xi32, #tpu.memory_space<vmem>> -> memref<1x128xi32, #tpu.memory_space<vmem>>
          %dma_wait3A_374 = tpu.memref_squeeze %dma_wait3A_373 : memref<1x128xi32, #tpu.memory_space<vmem>> -> memref<128xi32, #tpu.memory_space<vmem>>
          %dma_wait3A_375 = arith.constant 0 : i32
          %dma_wait3A_376 = arith.constant 0 : i32
          %dma_wait3A_377 = tpu.memref_slice %arg13[%dma_wait3A_375, %dma_wait3A_376] : memref<10240x128xf32, #tpu.memory_space<vmem_shared>> -> memref<10240x128xf32, #tpu.memory_space<vmem_shared>>
          tpu.wait_indirect_dma semaphore(%run_scoped3A_365 : memref<!tpu.dma_semaphore, #tpu.memory_space<semaphore_mem>>) src(%arg12 : memref<128x128xf32, #tpu.memory_space<vmem>>) dst(%dma_wait3A_377 : memref<10240x128xf32, #tpu.memory_space<vmem_shared>>)
          tpu.yield
        }) : () -> ()
      } else {
      }
      %jit3A_330 = arith.constant 2 : i32
      %eq3A_331 = arith.constant 0 : i32
      %eq3A_332 = arith.cmpi eq, %jit3A_330, %eq3A_331 : i32
      %jit3A_333 = arith.constant 1 : i32
      %select_n3A_334 = arith.select %eq3A_332, %jit3A_333, %jit3A_330 : i32
      %rem3A_335 = arith.remsi %scan3A_317, %select_n3A_334 : i32
      %ne3A_336 = arith.constant 0 : i32
      %ne3A_337 = arith.cmpi ne, %rem3A_335, %ne3A_336 : i32
      %lt3A_338 = arith.constant 0 : i32
      %lt3A_339 = arith.cmpi slt, %rem3A_335, %lt3A_338 : i32
      %lt3A_340 = arith.constant 0 : i32
      %lt3A_341 = arith.cmpi slt, %select_n3A_334, %lt3A_340 : i32
      %ne3A_342 = arith.xori %lt3A_339, %lt3A_341 : i1
      %and3A_343 = arith.andi %ne3A_342, %ne3A_337 : i1
      %add3A_344 = arith.addi %rem3A_335, %select_n3A_334 : i32
      %select_n3A_345 = arith.select %and3A_343, %add3A_344, %rem3A_335 : i32
      %eq3A_346 = arith.constant 1 : i32
      %eq3A_347 = arith.cmpi eq, %select_n3A_345, %eq3A_346 : i32
      %convert_element_type3A_348 = arith.extui %eq3A_347 : i1 to i32
      %cond3A_349 = arith.constant 0 : i32
      %cond3A_350 = arith.cmpi ne, %convert_element_type3A_348, %cond3A_349 : i32
      scf.if %cond3A_350 {
        %lt3A_351 = arith.constant 77 : i32
        %lt3A_352 = arith.cmpi slt, %scan3A_317, %lt3A_351 : i32
        %convert_element_type3A_353 = arith.extui %lt3A_352 : i1 to i32
        %cond3A_354 = arith.constant 0 : i32
        %cond3A_355 = arith.cmpi ne, %convert_element_type3A_353, %cond3A_354 : i32
        scf.if %cond3A_355 {
          %add3A_365 = arith.addi %mul3A_4, %scan3A_317 : i32
          %add3A_366 = arith.constant 1 : i32
          %add3A_367 = arith.addi %add3A_365, %add3A_366 : i32
          %dma_start3A_368 = arith.constant 0 : i32
          %dma_start3A_369 = arith.constant 0 : i32
          %dma_start3A_370 = tpu.memref_slice %arg3[%add3A_367, %dma_start3A_368, %dma_start3A_369] : memref<2496x2x128xi32, #tpu.memory_space<hbm>> -> memref<1x2x128xi32, #tpu.memory_space<hbm>>
          %dma_start3A_371 = tpu.memref_squeeze %dma_start3A_370 : memref<1x2x128xi32, #tpu.memory_space<hbm>> -> memref<2x128xi32, #tpu.memory_space<hbm>>
          %dma_start3A_372 = arith.constant 0 : i32
          %dma_start3A_373 = arith.constant 0 : i32
          %dma_start3A_374 = tpu.memref_slice %arg3[%add3A_367, %dma_start3A_372, %dma_start3A_373] : memref<2496x2x128xi32, #tpu.memory_space<hbm>> -> memref<1x2x128xi32, #tpu.memory_space<hbm>>
          %dma_start3A_375 = tpu.memref_squeeze %dma_start3A_374 : memref<1x2x128xi32, #tpu.memory_space<hbm>> -> memref<2x128xi32, #tpu.memory_space<hbm>>
          tpu.enqueue_dma source(%dma_start3A_375 : memref<2x128xi32, #tpu.memory_space<hbm>>) target(%arg9 : memref<2x128xi32, #tpu.memory_space<vmem>>) target_semaphore(%arg14 : memref<!tpu.dma_semaphore, #tpu.memory_space<semaphore_mem>>)
        } else {
        }
        %dma_wait3A_356 = arith.constant 0 : i32
        %dma_wait3A_357 = arith.constant 0 : i32
        %dma_wait3A_358 = tpu.memref_slice %arg3[%mul3A_4, %dma_wait3A_356, %dma_wait3A_357] : memref<2496x2x128xi32, #tpu.memory_space<hbm>> -> memref<1x2x128xi32, #tpu.memory_space<hbm>>
        %dma_wait3A_359 = tpu.memref_squeeze %dma_wait3A_358 : memref<1x2x128xi32, #tpu.memory_space<hbm>> -> memref<2x128xi32, #tpu.memory_space<hbm>>
        %dma_wait3A_360 = arith.constant 0 : i32
        %dma_wait3A_361 = arith.constant 0 : i32
        %dma_wait3A_362 = tpu.memref_slice %arg3[%mul3A_4, %dma_wait3A_360, %dma_wait3A_361] : memref<2496x2x128xi32, #tpu.memory_space<hbm>> -> memref<1x2x128xi32, #tpu.memory_space<hbm>>
        %dma_wait3A_363 = tpu.memref_squeeze %dma_wait3A_362 : memref<1x2x128xi32, #tpu.memory_space<hbm>> -> memref<2x128xi32, #tpu.memory_space<hbm>>
        tpu.wait_dma2 semaphore(%arg15 : memref<!tpu.dma_semaphore, #tpu.memory_space<semaphore_mem>>) src(%dma_wait3A_363 : memref<2x128xi32, #tpu.memory_space<hbm>>) dst(%arg10 : memref<2x128xi32, #tpu.memory_space<vmem>>)
        %run_scoped3A_364 = arith.constant 1 : i32
        "tpu.region"() ({
          %run_scoped3A_365 = tpu.sem_alloc : memref<!tpu.dma_semaphore, #tpu.memory_space<semaphore_mem>>
          %dma_start3A_366 = arith.constant 0 : i32
          %dma_start3A_367 = tpu.memref_slice %arg10[%run_scoped3A_364, %dma_start3A_366] : memref<2x128xi32, #tpu.memory_space<vmem>> -> memref<1x128xi32, #tpu.memory_space<vmem>>
          %dma_start3A_368 = tpu.memref_squeeze %dma_start3A_367 : memref<1x128xi32, #tpu.memory_space<vmem>> -> memref<128xi32, #tpu.memory_space<vmem>>
          %dma_start3A_369 = arith.constant 0 : i32
          %dma_start3A_370 = arith.constant 0 : i32
          %dma_start3A_371 = tpu.memref_slice %arg13[%dma_start3A_369, %dma_start3A_370] : memref<10240x128xf32, #tpu.memory_space<vmem_shared>> -> memref<10240x128xf32, #tpu.memory_space<vmem_shared>>
          tpu.enqueue_indirect_dma source(%arg12 : memref<128x128xf32, #tpu.memory_space<vmem>>) target(%dma_start3A_371 : memref<10240x128xf32, #tpu.memory_space<vmem_shared>>) offsets(%dma_start3A_368 : memref<128xi32, #tpu.memory_space<vmem>>) semaphore(%run_scoped3A_365 : memref<!tpu.dma_semaphore, #tpu.memory_space<semaphore_mem>>) {add = true}
          %dma_wait3A_372 = arith.constant 0 : i32
          %dma_wait3A_373 = tpu.memref_slice %arg10[%run_scoped3A_364, %dma_wait3A_372] : memref<2x128xi32, #tpu.memory_space<vmem>> -> memref<1x128xi32, #tpu.memory_space<vmem>>
          %dma_wait3A_374 = tpu.memref_squeeze %dma_wait3A_373 : memref<1x128xi32, #tpu.memory_space<vmem>> -> memref<128xi32, #tpu.memory_space<vmem>>
          %dma_wait3A_375 = arith.constant 0 : i32
          %dma_wait3A_376 = arith.constant 0 : i32
          %dma_wait3A_377 = tpu.memref_slice %arg13[%dma_wait3A_375, %dma_wait3A_376] : memref<10240x128xf32, #tpu.memory_space<vmem_shared>> -> memref<10240x128xf32, #tpu.memory_space<vmem_shared>>
          tpu.wait_indirect_dma semaphore(%run_scoped3A_365 : memref<!tpu.dma_semaphore, #tpu.memory_space<semaphore_mem>>) src(%arg12 : memref<128x128xf32, #tpu.memory_space<vmem>>) dst(%dma_wait3A_377 : memref<10240x128xf32, #tpu.memory_space<vmem_shared>>)
          tpu.yield
        }) : () -> ()
      } else {
      }
    }
    %scan3A_234 = arith.constant 78 : i32
    "tpu.region"() ({
      %run_scoped3A_317 = tpu.sem_alloc : memref<!tpu.dma_semaphore, #tpu.memory_space<semaphore_mem>>
      %dma_start3A_318 = arith.constant 0 : i32
      %dma_start3A_319 = arith.constant 0 : i32
      %dma_start3A_320 = tpu.memref_slice %arg6[%dma_start3A_318, %dma_start3A_319] : memref<128x128xf32, #tpu.memory_space<hbm>> -> memref<16x128xf32, #tpu.memory_space<hbm>>
      %dma_start3A_321 = arith.constant 0 : i32
      %dma_start3A_322 = arith.constant 0 : i32
      %dma_start3A_323 = tpu.memref_slice %arg6[%dma_start3A_321, %dma_start3A_322] : memref<128x128xf32, #tpu.memory_space<hbm>> -> memref<16x128xf32, #tpu.memory_space<hbm>>
      tpu.enqueue_dma source(%dma_start3A_323 : memref<16x128xf32, #tpu.memory_space<hbm>>) target(%arg19 : memref<16x128xf32, #tpu.memory_space<vmem>>) target_semaphore(%run_scoped3A_317 : memref<!tpu.dma_semaphore, #tpu.memory_space<semaphore_mem>>)
      %dma_wait3A_324 = arith.constant 0 : i32
      %dma_wait3A_325 = arith.constant 0 : i32
      %dma_wait3A_326 = tpu.memref_slice %arg6[%dma_wait3A_324, %dma_wait3A_325] : memref<128x128xf32, #tpu.memory_space<hbm>> -> memref<16x128xf32, #tpu.memory_space<hbm>>
      %dma_wait3A_327 = arith.constant 0 : i32
      %dma_wait3A_328 = arith.constant 0 : i32
      %dma_wait3A_329 = tpu.memref_slice %arg6[%dma_wait3A_327, %dma_wait3A_328] : memref<128x128xf32, #tpu.memory_space<hbm>> -> memref<16x128xf32, #tpu.memory_space<hbm>>
      tpu.wait_dma2 semaphore(%run_scoped3A_317 : memref<!tpu.dma_semaphore, #tpu.memory_space<semaphore_mem>>) src(%dma_wait3A_329 : memref<16x128xf32, #tpu.memory_space<hbm>>) dst(%arg19 : memref<16x128xf32, #tpu.memory_space<vmem>>)
      tpu.yield
    }) : () -> ()
    %run_scoped3A_235 = arith.constant 1 : i32
    "tpu.region"() ({
      %run_scoped3A_317 = tpu.sem_alloc : memref<!tpu.dma_semaphore, #tpu.memory_space<semaphore_mem>>
      %dma_start3A_318 = arith.constant 0 : i32
      %dma_start3A_319 = tpu.memref_slice %arg18[%run_scoped3A_235, %dma_start3A_318] : memref<2x16xi32, #tpu.memory_space<vmem>> -> memref<1x16xi32, #tpu.memory_space<vmem>>
      %dma_start3A_320 = tpu.memref_squeeze %dma_start3A_319 : memref<1x16xi32, #tpu.memory_space<vmem>> -> memref<16xi32, #tpu.memory_space<vmem>>
      %dma_start3A_321 = arith.constant 0 : i32
      %dma_start3A_322 = arith.constant 0 : i32
      %dma_start3A_323 = tpu.memref_slice %arg13[%dma_start3A_321, %dma_start3A_322] : memref<10240x128xf32, #tpu.memory_space<vmem_shared>> -> memref<10240x128xf32, #tpu.memory_space<vmem_shared>>
      tpu.enqueue_indirect_dma source(%arg19 : memref<16x128xf32, #tpu.memory_space<vmem>>) target(%dma_start3A_323 : memref<10240x128xf32, #tpu.memory_space<vmem_shared>>) offsets(%dma_start3A_320 : memref<16xi32, #tpu.memory_space<vmem>>) semaphore(%run_scoped3A_317 : memref<!tpu.dma_semaphore, #tpu.memory_space<semaphore_mem>>) {add = true}
      %dma_wait3A_324 = arith.constant 0 : i32
      %dma_wait3A_325 = tpu.memref_slice %arg18[%run_scoped3A_235, %dma_wait3A_324] : memref<2x16xi32, #tpu.memory_space<vmem>> -> memref<1x16xi32, #tpu.memory_space<vmem>>
      %dma_wait3A_326 = tpu.memref_squeeze %dma_wait3A_325 : memref<1x16xi32, #tpu.memory_space<vmem>> -> memref<16xi32, #tpu.memory_space<vmem>>
      %dma_wait3A_327 = arith.constant 0 : i32
      %dma_wait3A_328 = arith.constant 0 : i32
      %dma_wait3A_329 = tpu.memref_slice %arg13[%dma_wait3A_327, %dma_wait3A_328] : memref<10240x128xf32, #tpu.memory_space<vmem_shared>> -> memref<10240x128xf32, #tpu.memory_space<vmem_shared>>
      tpu.wait_indirect_dma semaphore(%run_scoped3A_317 : memref<!tpu.dma_semaphore, #tpu.memory_space<semaphore_mem>>) src(%arg19 : memref<16x128xf32, #tpu.memory_space<vmem>>) dst(%dma_wait3A_329 : memref<10240x128xf32, #tpu.memory_space<vmem_shared>>)
      tpu.yield
    }) : () -> ()
    %barrier3A_236 = arith.constant 0 : index
    tpu.barrier barrier_id(%barrier3A_236)
    %add3A_237 = arith.constant 0 : i32
    %add3A_238 = arith.addi %mul3A_2, %add3A_237 : i32
    "tpu.region"() ({
      %run_scoped3A_317 = tpu.sem_alloc : memref<!tpu.dma_semaphore, #tpu.memory_space<semaphore_mem>>
      %dma_start3A_318 = arith.constant 0 : i32
      %dma_start3A_319 = tpu.memref_slice %arg13[%add3A_238, %dma_start3A_318] : memref<10240x128xf32, #tpu.memory_space<vmem_shared>> -> memref<128x128xf32, #tpu.memory_space<vmem_shared>>
      %dma_start3A_320 = arith.constant 0 : i32
      %dma_start3A_321 = tpu.memref_slice %arg13[%add3A_238, %dma_start3A_320] : memref<10240x128xf32, #tpu.memory_space<vmem_shared>> -> memref<128x128xf32, #tpu.memory_space<vmem_shared>>
      tpu.enqueue_dma source(%dma_start3A_321 : memref<128x128xf32, #tpu.memory_space<vmem_shared>>) target(%arg11 : memref<128x128xf32, #tpu.memory_space<vmem>>) target_semaphore(%run_scoped3A_317 : memref<!tpu.dma_semaphore, #tpu.memory_space<semaphore_mem>>)
      %dma_wait3A_322 = arith.constant 0 : i32
      %dma_wait3A_323 = tpu.memref_slice %arg13[%add3A_238, %dma_wait3A_322] : memref<10240x128xf32, #tpu.memory_space<vmem_shared>> -> memref<128x128xf32, #tpu.memory_space<vmem_shared>>
      %dma_wait3A_324 = arith.constant 0 : i32
      %dma_wait3A_325 = tpu.memref_slice %arg13[%add3A_238, %dma_wait3A_324] : memref<10240x128xf32, #tpu.memory_space<vmem_shared>> -> memref<128x128xf32, #tpu.memory_space<vmem_shared>>
      tpu.wait_dma2 semaphore(%run_scoped3A_317 : memref<!tpu.dma_semaphore, #tpu.memory_space<semaphore_mem>>) src(%dma_wait3A_325 : memref<128x128xf32, #tpu.memory_space<vmem_shared>>) dst(%arg11 : memref<128x128xf32, #tpu.memory_space<vmem>>)
      tpu.yield
    }) : () -> ()
    %add3A_239 = arith.constant 0 : i32
    %add3A_240 = arith.addi %mul3A_2, %add3A_239 : i32
    %dma_start3A_241 = arith.constant 0 : i32
    %dma_start3A_242 = tpu.memref_slice %arg8[%arg0, %add3A_240, %dma_start3A_241] : memref<2x10240x128xf32, #tpu.memory_space<hbm>> -> memref<1x128x128xf32, #tpu.memory_space<hbm>>
    %dma_start3A_243 = tpu.memref_squeeze %dma_start3A_242 : memref<1x128x128xf32, #tpu.memory_space<hbm>> -> memref<128x128xf32, #tpu.memory_space<hbm>>
    %dma_start3A_244 = arith.constant 0 : i32
    %dma_start3A_245 = tpu.memref_slice %arg8[%arg0, %add3A_240, %dma_start3A_244] : memref<2x10240x128xf32, #tpu.memory_space<hbm>> -> memref<1x128x128xf32, #tpu.memory_space<hbm>>
    %dma_start3A_246 = tpu.memref_squeeze %dma_start3A_245 : memref<1x128x128xf32, #tpu.memory_space<hbm>> -> memref<128x128xf32, #tpu.memory_space<hbm>>
    tpu.enqueue_dma source(%arg11 : memref<128x128xf32, #tpu.memory_space<vmem>>) target(%dma_start3A_246 : memref<128x128xf32, #tpu.memory_space<hbm>>) target_semaphore(%arg14 : memref<!tpu.dma_semaphore, #tpu.memory_space<semaphore_mem>>)
    %add3A_247 = arith.constant 128 : i32
    %add3A_248 = arith.addi %mul3A_2, %add3A_247 : i32
    "tpu.region"() ({
      %run_scoped3A_317 = tpu.sem_alloc : memref<!tpu.dma_semaphore, #tpu.memory_space<semaphore_mem>>
      %dma_start3A_318 = arith.constant 0 : i32
      %dma_start3A_319 = tpu.memref_slice %arg13[%add3A_248, %dma_start3A_318] : memref<10240x128xf32, #tpu.memory_space<vmem_shared>> -> memref<128x128xf32, #tpu.memory_space<vmem_shared>>
      %dma_start3A_320 = arith.constant 0 : i32
      %dma_start3A_321 = tpu.memref_slice %arg13[%add3A_248, %dma_start3A_320] : memref<10240x128xf32, #tpu.memory_space<vmem_shared>> -> memref<128x128xf32, #tpu.memory_space<vmem_shared>>
      tpu.enqueue_dma source(%dma_start3A_321 : memref<128x128xf32, #tpu.memory_space<vmem_shared>>) target(%arg12 : memref<128x128xf32, #tpu.memory_space<vmem>>) target_semaphore(%run_scoped3A_317 : memref<!tpu.dma_semaphore, #tpu.memory_space<semaphore_mem>>)
      %dma_wait3A_322 = arith.constant 0 : i32
      %dma_wait3A_323 = tpu.memref_slice %arg13[%add3A_248, %dma_wait3A_322] : memref<10240x128xf32, #tpu.memory_space<vmem_shared>> -> memref<128x128xf32, #tpu.memory_space<vmem_shared>>
      %dma_wait3A_324 = arith.constant 0 : i32
      %dma_wait3A_325 = tpu.memref_slice %arg13[%add3A_248, %dma_wait3A_324] : memref<10240x128xf32, #tpu.memory_space<vmem_shared>> -> memref<128x128xf32, #tpu.memory_space<vmem_shared>>
      tpu.wait_dma2 semaphore(%run_scoped3A_317 : memref<!tpu.dma_semaphore, #tpu.memory_space<semaphore_mem>>) src(%dma_wait3A_325 : memref<128x128xf32, #tpu.memory_space<vmem_shared>>) dst(%arg12 : memref<128x128xf32, #tpu.memory_space<vmem>>)
      tpu.yield
    }) : () -> ()
    %add3A_249 = arith.constant 128 : i32
    %add3A_250 = arith.addi %mul3A_2, %add3A_249 : i32
    %dma_start3A_251 = arith.constant 0 : i32
    %dma_start3A_252 = tpu.memref_slice %arg8[%arg0, %add3A_250, %dma_start3A_251] : memref<2x10240x128xf32, #tpu.memory_space<hbm>> -> memref<1x128x128xf32, #tpu.memory_space<hbm>>
    %dma_start3A_253 = tpu.memref_squeeze %dma_start3A_252 : memref<1x128x128xf32, #tpu.memory_space<hbm>> -> memref<128x128xf32, #tpu.memory_space<hbm>>
    %dma_start3A_254 = arith.constant 0 : i32
    %dma_start3A_255 = tpu.memref_slice %arg8[%arg0, %add3A_250, %dma_start3A_254] : memref<2x10240x128xf32, #tpu.memory_space<hbm>> -> memref<1x128x128xf32, #tpu.memory_space<hbm>>
    %dma_start3A_256 = tpu.memref_squeeze %dma_start3A_255 : memref<1x128x128xf32, #tpu.memory_space<hbm>> -> memref<128x128xf32, #tpu.memory_space<hbm>>
    tpu.enqueue_dma source(%arg12 : memref<128x128xf32, #tpu.memory_space<vmem>>) target(%dma_start3A_256 : memref<128x128xf32, #tpu.memory_space<hbm>>) target_semaphore(%arg15 : memref<!tpu.dma_semaphore, #tpu.memory_space<semaphore_mem>>)
    %dma_wait3A_257 = arith.constant 0 : i32
    %dma_wait3A_258 = tpu.memref_slice %arg8[%arg0, %mul3A_2, %dma_wait3A_257] : memref<2x10240x128xf32, #tpu.memory_space<hbm>> -> memref<1x128x128xf32, #tpu.memory_space<hbm>>
    %dma_wait3A_259 = tpu.memref_squeeze %dma_wait3A_258 : memref<1x128x128xf32, #tpu.memory_space<hbm>> -> memref<128x128xf32, #tpu.memory_space<hbm>>
    %dma_wait3A_260 = arith.constant 0 : i32
    %dma_wait3A_261 = tpu.memref_slice %arg8[%arg0, %mul3A_2, %dma_wait3A_260] : memref<2x10240x128xf32, #tpu.memory_space<hbm>> -> memref<1x128x128xf32, #tpu.memory_space<hbm>>
    %dma_wait3A_262 = tpu.memref_squeeze %dma_wait3A_261 : memref<1x128x128xf32, #tpu.memory_space<hbm>> -> memref<128x128xf32, #tpu.memory_space<hbm>>
    tpu.wait_dma2 semaphore(%arg14 : memref<!tpu.dma_semaphore, #tpu.memory_space<semaphore_mem>>) src(%arg11 : memref<128x128xf32, #tpu.memory_space<vmem>>) dst(%dma_wait3A_262 : memref<128x128xf32, #tpu.memory_space<hbm>>)
    %add3A_263 = arith.constant 256 : i32
    %add3A_264 = arith.addi %mul3A_2, %add3A_263 : i32
    "tpu.region"() ({
      %run_scoped3A_317 = tpu.sem_alloc : memref<!tpu.dma_semaphore, #tpu.memory_space<semaphore_mem>>
      %dma_start3A_318 = arith.constant 0 : i32
      %dma_start3A_319 = tpu.memref_slice %arg13[%add3A_264, %dma_start3A_318] : memref<10240x128xf32, #tpu.memory_space<vmem_shared>> -> memref<128x128xf32, #tpu.memory_space<vmem_shared>>
      %dma_start3A_320 = arith.constant 0 : i32
      %dma_start3A_321 = tpu.memref_slice %arg13[%add3A_264, %dma_start3A_320] : memref<10240x128xf32, #tpu.memory_space<vmem_shared>> -> memref<128x128xf32, #tpu.memory_space<vmem_shared>>
      tpu.enqueue_dma source(%dma_start3A_321 : memref<128x128xf32, #tpu.memory_space<vmem_shared>>) target(%arg11 : memref<128x128xf32, #tpu.memory_space<vmem>>) target_semaphore(%run_scoped3A_317 : memref<!tpu.dma_semaphore, #tpu.memory_space<semaphore_mem>>)
      %dma_wait3A_322 = arith.constant 0 : i32
      %dma_wait3A_323 = tpu.memref_slice %arg13[%add3A_264, %dma_wait3A_322] : memref<10240x128xf32, #tpu.memory_space<vmem_shared>> -> memref<128x128xf32, #tpu.memory_space<vmem_shared>>
      %dma_wait3A_324 = arith.constant 0 : i32
      %dma_wait3A_325 = tpu.memref_slice %arg13[%add3A_264, %dma_wait3A_324] : memref<10240x128xf32, #tpu.memory_space<vmem_shared>> -> memref<128x128xf32, #tpu.memory_space<vmem_shared>>
      tpu.wait_dma2 semaphore(%run_scoped3A_317 : memref<!tpu.dma_semaphore, #tpu.memory_space<semaphore_mem>>) src(%dma_wait3A_325 : memref<128x128xf32, #tpu.memory_space<vmem_shared>>) dst(%arg11 : memref<128x128xf32, #tpu.memory_space<vmem>>)
      tpu.yield
    }) : () -> ()
    %add3A_265 = arith.constant 256 : i32
    %add3A_266 = arith.addi %mul3A_2, %add3A_265 : i32
    %dma_start3A_267 = arith.constant 0 : i32
    %dma_start3A_268 = tpu.memref_slice %arg8[%arg0, %add3A_266, %dma_start3A_267] : memref<2x10240x128xf32, #tpu.memory_space<hbm>> -> memref<1x128x128xf32, #tpu.memory_space<hbm>>
    %dma_start3A_269 = tpu.memref_squeeze %dma_start3A_268 : memref<1x128x128xf32, #tpu.memory_space<hbm>> -> memref<128x128xf32, #tpu.memory_space<hbm>>
    %dma_start3A_270 = arith.constant 0 : i32
    %dma_start3A_271 = tpu.memref_slice %arg8[%arg0, %add3A_266, %dma_start3A_270] : memref<2x10240x128xf32, #tpu.memory_space<hbm>> -> memref<1x128x128xf32, #tpu.memory_space<hbm>>
    %dma_start3A_272 = tpu.memref_squeeze %dma_start3A_271 : memref<1x128x128xf32, #tpu.memory_space<hbm>> -> memref<128x128xf32, #tpu.memory_space<hbm>>
    tpu.enqueue_dma source(%arg11 : memref<128x128xf32, #tpu.memory_space<vmem>>) target(%dma_start3A_272 : memref<128x128xf32, #tpu.memory_space<hbm>>) target_semaphore(%arg14 : memref<!tpu.dma_semaphore, #tpu.memory_space<semaphore_mem>>)
    %dma_wait3A_273 = arith.constant 0 : i32
    %dma_wait3A_274 = tpu.memref_slice %arg8[%arg0, %mul3A_2, %dma_wait3A_273] : memref<2x10240x128xf32, #tpu.memory_space<hbm>> -> memref<1x128x128xf32, #tpu.memory_space<hbm>>
    %dma_wait3A_275 = tpu.memref_squeeze %dma_wait3A_274 : memref<1x128x128xf32, #tpu.memory_space<hbm>> -> memref<128x128xf32, #tpu.memory_space<hbm>>
    %dma_wait3A_276 = arith.constant 0 : i32
    %dma_wait3A_277 = tpu.memref_slice %arg8[%arg0, %mul3A_2, %dma_wait3A_276] : memref<2x10240x128xf32, #tpu.memory_space<hbm>> -> memref<1x128x128xf32, #tpu.memory_space<hbm>>
    %dma_wait3A_278 = tpu.memref_squeeze %dma_wait3A_277 : memref<1x128x128xf32, #tpu.memory_space<hbm>> -> memref<128x128xf32, #tpu.memory_space<hbm>>
    tpu.wait_dma2 semaphore(%arg15 : memref<!tpu.dma_semaphore, #tpu.memory_space<semaphore_mem>>) src(%arg12 : memref<128x128xf32, #tpu.memory_space<vmem>>) dst(%dma_wait3A_278 : memref<128x128xf32, #tpu.memory_space<hbm>>)
    %add3A_279 = arith.constant 384 : i32
    %add3A_280 = arith.addi %mul3A_2, %add3A_279 : i32
    "tpu.region"() ({
      %run_scoped3A_317 = tpu.sem_alloc : memref<!tpu.dma_semaphore, #tpu.memory_space<semaphore_mem>>
      %dma_start3A_318 = arith.constant 0 : i32
      %dma_start3A_319 = tpu.memref_slice %arg13[%add3A_280, %dma_start3A_318] : memref<10240x128xf32, #tpu.memory_space<vmem_shared>> -> memref<128x128xf32, #tpu.memory_space<vmem_shared>>
      %dma_start3A_320 = arith.constant 0 : i32
      %dma_start3A_321 = tpu.memref_slice %arg13[%add3A_280, %dma_start3A_320] : memref<10240x128xf32, #tpu.memory_space<vmem_shared>> -> memref<128x128xf32, #tpu.memory_space<vmem_shared>>
      tpu.enqueue_dma source(%dma_start3A_321 : memref<128x128xf32, #tpu.memory_space<vmem_shared>>) target(%arg12 : memref<128x128xf32, #tpu.memory_space<vmem>>) target_semaphore(%run_scoped3A_317 : memref<!tpu.dma_semaphore, #tpu.memory_space<semaphore_mem>>)
      %dma_wait3A_322 = arith.constant 0 : i32
      %dma_wait3A_323 = tpu.memref_slice %arg13[%add3A_280, %dma_wait3A_322] : memref<10240x128xf32, #tpu.memory_space<vmem_shared>> -> memref<128x128xf32, #tpu.memory_space<vmem_shared>>
      %dma_wait3A_324 = arith.constant 0 : i32
      %dma_wait3A_325 = tpu.memref_slice %arg13[%add3A_280, %dma_wait3A_324] : memref<10240x128xf32, #tpu.memory_space<vmem_shared>> -> memref<128x128xf32, #tpu.memory_space<vmem_shared>>
      tpu.wait_dma2 semaphore(%run_scoped3A_317 : memref<!tpu.dma_semaphore, #tpu.memory_space<semaphore_mem>>) src(%dma_wait3A_325 : memref<128x128xf32, #tpu.memory_space<vmem_shared>>) dst(%arg12 : memref<128x128xf32, #tpu.memory_space<vmem>>)
      tpu.yield
    }) : () -> ()
    %add3A_281 = arith.constant 384 : i32
    %add3A_282 = arith.addi %mul3A_2, %add3A_281 : i32
    %dma_start3A_283 = arith.constant 0 : i32
    %dma_start3A_284 = tpu.memref_slice %arg8[%arg0, %add3A_282, %dma_start3A_283] : memref<2x10240x128xf32, #tpu.memory_space<hbm>> -> memref<1x128x128xf32, #tpu.memory_space<hbm>>
    %dma_start3A_285 = tpu.memref_squeeze %dma_start3A_284 : memref<1x128x128xf32, #tpu.memory_space<hbm>> -> memref<128x128xf32, #tpu.memory_space<hbm>>
    %dma_start3A_286 = arith.constant 0 : i32
    %dma_start3A_287 = tpu.memref_slice %arg8[%arg0, %add3A_282, %dma_start3A_286] : memref<2x10240x128xf32, #tpu.memory_space<hbm>> -> memref<1x128x128xf32, #tpu.memory_space<hbm>>
    %dma_start3A_288 = tpu.memref_squeeze %dma_start3A_287 : memref<1x128x128xf32, #tpu.memory_space<hbm>> -> memref<128x128xf32, #tpu.memory_space<hbm>>
    tpu.enqueue_dma source(%arg12 : memref<128x128xf32, #tpu.memory_space<vmem>>) target(%dma_start3A_288 : memref<128x128xf32, #tpu.memory_space<hbm>>) target_semaphore(%arg15 : memref<!tpu.dma_semaphore, #tpu.memory_space<semaphore_mem>>)
    %dma_wait3A_289 = arith.constant 0 : i32
    %dma_wait3A_290 = tpu.memref_slice %arg8[%arg0, %mul3A_2, %dma_wait3A_289] : memref<2x10240x128xf32, #tpu.memory_space<hbm>> -> memref<1x128x128xf32, #tpu.memory_space<hbm>>
    %dma_wait3A_291 = tpu.memref_squeeze %dma_wait3A_290 : memref<1x128x128xf32, #tpu.memory_space<hbm>> -> memref<128x128xf32, #tpu.memory_space<hbm>>
    %dma_wait3A_292 = arith.constant 0 : i32
    %dma_wait3A_293 = tpu.memref_slice %arg8[%arg0, %mul3A_2, %dma_wait3A_292] : memref<2x10240x128xf32, #tpu.memory_space<hbm>> -> memref<1x128x128xf32, #tpu.memory_space<hbm>>
    %dma_wait3A_294 = tpu.memref_squeeze %dma_wait3A_293 : memref<1x128x128xf32, #tpu.memory_space<hbm>> -> memref<128x128xf32, #tpu.memory_space<hbm>>
    tpu.wait_dma2 semaphore(%arg14 : memref<!tpu.dma_semaphore, #tpu.memory_space<semaphore_mem>>) src(%arg11 : memref<128x128xf32, #tpu.memory_space<vmem>>) dst(%dma_wait3A_294 : memref<128x128xf32, #tpu.memory_space<hbm>>)
    %add3A_295 = arith.constant 512 : i32
    %add3A_296 = arith.addi %mul3A_2, %add3A_295 : i32
    "tpu.region"() ({
      %run_scoped3A_317 = tpu.sem_alloc : memref<!tpu.dma_semaphore, #tpu.memory_space<semaphore_mem>>
      %dma_start3A_318 = arith.constant 0 : i32
      %dma_start3A_319 = tpu.memref_slice %arg13[%add3A_296, %dma_start3A_318] : memref<10240x128xf32, #tpu.memory_space<vmem_shared>> -> memref<128x128xf32, #tpu.memory_space<vmem_shared>>
      %dma_start3A_320 = arith.constant 0 : i32
      %dma_start3A_321 = tpu.memref_slice %arg13[%add3A_296, %dma_start3A_320] : memref<10240x128xf32, #tpu.memory_space<vmem_shared>> -> memref<128x128xf32, #tpu.memory_space<vmem_shared>>
      tpu.enqueue_dma source(%dma_start3A_321 : memref<128x128xf32, #tpu.memory_space<vmem_shared>>) target(%arg11 : memref<128x128xf32, #tpu.memory_space<vmem>>) target_semaphore(%run_scoped3A_317 : memref<!tpu.dma_semaphore, #tpu.memory_space<semaphore_mem>>)
      %dma_wait3A_322 = arith.constant 0 : i32
      %dma_wait3A_323 = tpu.memref_slice %arg13[%add3A_296, %dma_wait3A_322] : memref<10240x128xf32, #tpu.memory_space<vmem_shared>> -> memref<128x128xf32, #tpu.memory_space<vmem_shared>>
      %dma_wait3A_324 = arith.constant 0 : i32
      %dma_wait3A_325 = tpu.memref_slice %arg13[%add3A_296, %dma_wait3A_324] : memref<10240x128xf32, #tpu.memory_space<vmem_shared>> -> memref<128x128xf32, #tpu.memory_space<vmem_shared>>
      tpu.wait_dma2 semaphore(%run_scoped3A_317 : memref<!tpu.dma_semaphore, #tpu.memory_space<semaphore_mem>>) src(%dma_wait3A_325 : memref<128x128xf32, #tpu.memory_space<vmem_shared>>) dst(%arg11 : memref<128x128xf32, #tpu.memory_space<vmem>>)
      tpu.yield
    }) : () -> ()
    %add3A_297 = arith.constant 512 : i32
    %add3A_298 = arith.addi %mul3A_2, %add3A_297 : i32
    %dma_start3A_299 = arith.constant 0 : i32
    %dma_start3A_300 = tpu.memref_slice %arg8[%arg0, %add3A_298, %dma_start3A_299] : memref<2x10240x128xf32, #tpu.memory_space<hbm>> -> memref<1x128x128xf32, #tpu.memory_space<hbm>>
    %dma_start3A_301 = tpu.memref_squeeze %dma_start3A_300 : memref<1x128x128xf32, #tpu.memory_space<hbm>> -> memref<128x128xf32, #tpu.memory_space<hbm>>
    %dma_start3A_302 = arith.constant 0 : i32
    %dma_start3A_303 = tpu.memref_slice %arg8[%arg0, %add3A_298, %dma_start3A_302] : memref<2x10240x128xf32, #tpu.memory_space<hbm>> -> memref<1x128x128xf32, #tpu.memory_space<hbm>>
    %dma_start3A_304 = tpu.memref_squeeze %dma_start3A_303 : memref<1x128x128xf32, #tpu.memory_space<hbm>> -> memref<128x128xf32, #tpu.memory_space<hbm>>
    tpu.enqueue_dma source(%arg11 : memref<128x128xf32, #tpu.memory_space<vmem>>) target(%dma_start3A_304 : memref<128x128xf32, #tpu.memory_space<hbm>>) target_semaphore(%arg14 : memref<!tpu.dma_semaphore, #tpu.memory_space<semaphore_mem>>)
    %dma_wait3A_305 = arith.constant 0 : i32
    %dma_wait3A_306 = tpu.memref_slice %arg8[%arg0, %mul3A_2, %dma_wait3A_305] : memref<2x10240x128xf32, #tpu.memory_space<hbm>> -> memref<1x128x128xf32, #tpu.memory_space<hbm>>
    %dma_wait3A_307 = tpu.memref_squeeze %dma_wait3A_306 : memref<1x128x128xf32, #tpu.memory_space<hbm>> -> memref<128x128xf32, #tpu.memory_space<hbm>>
    %dma_wait3A_308 = arith.constant 0 : i32
    %dma_wait3A_309 = tpu.memref_slice %arg8[%arg0, %mul3A_2, %dma_wait3A_308] : memref<2x10240x128xf32, #tpu.memory_space<hbm>> -> memref<1x128x128xf32, #tpu.memory_space<hbm>>
    %dma_wait3A_310 = tpu.memref_squeeze %dma_wait3A_309 : memref<1x128x128xf32, #tpu.memory_space<hbm>> -> memref<128x128xf32, #tpu.memory_space<hbm>>
    tpu.wait_dma2 semaphore(%arg14 : memref<!tpu.dma_semaphore, #tpu.memory_space<semaphore_mem>>) src(%arg11 : memref<128x128xf32, #tpu.memory_space<vmem>>) dst(%dma_wait3A_310 : memref<128x128xf32, #tpu.memory_space<hbm>>)
    %dma_wait3A_311 = arith.constant 0 : i32
    %dma_wait3A_312 = tpu.memref_slice %arg8[%arg0, %mul3A_2, %dma_wait3A_311] : memref<2x10240x128xf32, #tpu.memory_space<hbm>> -> memref<1x128x128xf32, #tpu.memory_space<hbm>>
    %dma_wait3A_313 = tpu.memref_squeeze %dma_wait3A_312 : memref<1x128x128xf32, #tpu.memory_space<hbm>> -> memref<128x128xf32, #tpu.memory_space<hbm>>
    %dma_wait3A_314 = arith.constant 0 : i32
    %dma_wait3A_315 = tpu.memref_slice %arg8[%arg0, %mul3A_2, %dma_wait3A_314] : memref<2x10240x128xf32, #tpu.memory_space<hbm>> -> memref<1x128x128xf32, #tpu.memory_space<hbm>>
    %dma_wait3A_316 = tpu.memref_squeeze %dma_wait3A_315 : memref<1x128x128xf32, #tpu.memory_space<hbm>> -> memref<128x128xf32, #tpu.memory_space<hbm>>
    tpu.wait_dma2 semaphore(%arg15 : memref<!tpu.dma_semaphore, #tpu.memory_space<semaphore_mem>>) src(%arg12 : memref<128x128xf32, #tpu.memory_space<vmem>>) dst(%dma_wait3A_316 : memref<128x128xf32, #tpu.memory_space<hbm>>)
    return
  }
}

module attributes {stable_mosaic.version = 14 : i64} {
  func.func @_mm_body(%arg0: i32, %arg1: memref<1000x128xf32, #tpu.memory_space<vmem>>, %arg2: memref<128x128xf32, #tpu.memory_space<vmem>>, %arg3: memref<1000x128xf32, #tpu.memory_space<vmem>>) attributes {dimension_semantics = [#tpu.dimension_semantics<arbitrary>], iteration_bounds = array<i64: 10>, scalar_prefetch = 0 : i64, scratch_operands = 0 : i64, tpu.core_type = #tpu.core_type<tc>, window_params = [{transform_indices = @transform_0, window_bounds = array<i64: 1000, 128>}, {pipeline_mode = #tpu.pipeline_mode<synchronous>, transform_indices = @transform_1, window_bounds = array<i64: 128, 128>}, {transform_indices = @transform_2, window_bounds = array<i64: 1000, 128>}]} {
    %get3A = arith.constant 0 : index
    %get3A_0 = arith.constant 0 : index
    %get3A_1 = vector.load %arg1[%get3A, %get3A_0] : memref<1000x128xf32, #tpu.memory_space<vmem>>, vector<1000x128xf32>
    %get3A_2 = arith.constant 0 : index
    %get3A_3 = arith.constant 0 : index
    %get3A_4 = vector.load %arg2[%get3A_2, %get3A_3] : memref<128x128xf32, #tpu.memory_space<vmem>>, vector<128x128xf32>
    %dot_general3A = arith.constant dense<0.000000e+00> : vector<1000x128xf32>
    %dot_general3A_5 = tpu.matmul %get3A_1, %get3A_4, %dot_general3A {dimension_numbers = #tpu.dot_dimension_numbers<[1], [1], [0], [0], [0, 0, 1, 0], [], []>, transpose_lhs_hint = false} : vector<1000x128xf32>, vector<128x128xf32>, vector<1000x128xf32> -> vector<1000x128xf32>
    %swap3A = arith.constant 0 : index
    %swap3A_6 = arith.constant 0 : index
    %swap3A_7 = vector.load %arg3[%swap3A, %swap3A_6] : memref<1000x128xf32, #tpu.memory_space<vmem>>, vector<1000x128xf32>
    tpu.vector_store %arg3[%swap3A, %swap3A_6], %dot_general3A_5 {strides = array<i32>} : memref<1000x128xf32, #tpu.memory_space<vmem>>, vector<1000x128xf32>,
    return
  }
  func.func @transform_0(%arg0: i32) -> (i32, i32) {
    %c0_i32 = arith.constant 0 : i32
    %c0_i32_0 = arith.constant 0 : i32
    return %arg0, %c0_i32 : i32, i32
  }
  func.func @transform_1(%arg0: i32) -> (i32, i32) {
    %c0_i32 = arith.constant 0 : i32
    %c0_i32_0 = arith.constant 0 : i32
    %c0_i32_1 = arith.constant 0 : i32
    return %c0_i32, %c0_i32_0 : i32, i32
  }
  func.func @transform_2(%arg0: i32) -> (i32, i32) {
    %c0_i32 = arith.constant 0 : i32
    %c0_i32_0 = arith.constant 0 : i32
    return %arg0, %c0_i32 : i32, i32
  }
}

module attributes {stable_mosaic.version = 14 : i64} {
  func.func @_mid_body(%arg0: i32, %arg1: memref<2x1000x128xf32, #tpu.memory_space<vmem>>, %arg2: memref<2x1000x128xf32, #tpu.memory_space<vmem>>, %arg3: memref<1000x128xf32, #tpu.memory_space<vmem>>, %arg4: memref<128x128xf32, #tpu.memory_space<vmem>>, %arg5: memref<1x128xf32, #tpu.memory_space<vmem>>, %arg6: memref<128x128xf32, #tpu.memory_space<vmem>>, %arg7: memref<128x128xf32, #tpu.memory_space<vmem>>, %arg8: memref<1x128xf32, #tpu.memory_space<vmem>>, %arg9: memref<1000x128xf32, #tpu.memory_space<vmem>>, %arg10: memref<1000x128xf32, #tpu.memory_space<vmem>>) attributes {dimension_semantics = [#tpu.dimension_semantics<arbitrary>], iteration_bounds = array<i64: 10>, scalar_prefetch = 0 : i64, scratch_operands = 0 : i64, tpu.core_type = #tpu.core_type<tc>, window_params = [{transform_indices = @transform_0, window_bounds = array<i64: 2, 1000, 128>}, {transform_indices = @transform_1, window_bounds = array<i64: 2, 1000, 128>}, {transform_indices = @transform_2, window_bounds = array<i64: 1000, 128>}, {pipeline_mode = #tpu.pipeline_mode<synchronous>, transform_indices = @transform_3, window_bounds = array<i64: 128, 128>}, {pipeline_mode = #tpu.pipeline_mode<synchronous>, transform_indices = @transform_4, window_bounds = array<i64: 1, 128>}, {pipeline_mode = #tpu.pipeline_mode<synchronous>, transform_indices = @transform_5, window_bounds = array<i64: 128, 128>}, {pipeline_mode = #tpu.pipeline_mode<synchronous>, transform_indices = @transform_6, window_bounds = array<i64: 128, 128>}, {pipeline_mode = #tpu.pipeline_mode<synchronous>, transform_indices = @transform_7, window_bounds = array<i64: 1, 128>}, {transform_indices = @transform_8, window_bounds = array<i64: 1000, 128>}, {transform_indices = @transform_9, window_bounds = array<i64: 1000, 128>}]} {
    %get3A = arith.constant 0 : index
    %get3A_0 = arith.constant 0 : index
    %get3A_1 = arith.constant 0 : index
    %get3A_2 = vector.load %arg1[%get3A, %get3A_0, %get3A_1] : memref<2x1000x128xf32, #tpu.memory_space<vmem>>, vector<1x1000x128xf32>
    %get3A_3 = vector.shape_cast %get3A_2 : vector<1x1000x128xf32> to vector<1000x128xf32>
    %get3A_4 = arith.constant 1 : index
    %get3A_5 = arith.constant 0 : index
    %get3A_6 = arith.constant 0 : index
    %get3A_7 = vector.load %arg1[%get3A_4, %get3A_5, %get3A_6] : memref<2x1000x128xf32, #tpu.memory_space<vmem>>, vector<1x1000x128xf32>
    %get3A_8 = vector.shape_cast %get3A_7 : vector<1x1000x128xf32> to vector<1000x128xf32>
    %add3A = arith.addf %get3A_3, %get3A_8 : vector<1000x128xf32>
    %get3A_9 = arith.constant 0 : index
    %get3A_10 = arith.constant 0 : index
    %get3A_11 = arith.constant 0 : index
    %get3A_12 = vector.load %arg2[%get3A_9, %get3A_10, %get3A_11] : memref<2x1000x128xf32, #tpu.memory_space<vmem>>, vector<1x1000x128xf32>
    %get3A_13 = vector.shape_cast %get3A_12 : vector<1x1000x128xf32> to vector<1000x128xf32>
    %get3A_14 = arith.constant 1 : index
    %get3A_15 = arith.constant 0 : index
    %get3A_16 = arith.constant 0 : index
    %get3A_17 = vector.load %arg2[%get3A_14, %get3A_15, %get3A_16] : memref<2x1000x128xf32, #tpu.memory_space<vmem>>, vector<1x1000x128xf32>
    %get3A_18 = vector.shape_cast %get3A_17 : vector<1x1000x128xf32> to vector<1000x128xf32>
    %add3A_19 = arith.addf %get3A_13, %get3A_18 : vector<1000x128xf32>
    %max3A = arith.constant 1.000000e+00 : f32
    %max3A_20 = vector.broadcast %max3A : f32 to vector<1000x128xf32>
    %max3A_21 = arith.maximumf %add3A_19, %max3A_20 : vector<1000x128xf32>
    %div3A = arith.constant 1.000000e+00 : f32
    %div3A_22 = vector.broadcast %div3A : f32 to vector<1000x128xf32>
    %div3A_23 = arith.divf %div3A_22, %max3A_21 : vector<1000x128xf32>
    %slice3A = vector.extract_strided_slice %div3A_23 {offsets = [0, 0], sizes = [1000, 1], strides = [1, 1]} : vector<1000x128xf32> to vector<1000x1xf32>
    %get3A_24 = arith.constant 0 : index
    %get3A_25 = arith.constant 0 : index
    %get3A_26 = vector.load %arg3[%get3A_24, %get3A_25] : memref<1000x128xf32, #tpu.memory_space<vmem>>, vector<1000x128xf32>
    %get3A_27 = arith.constant 0 : index
    %get3A_28 = arith.constant 0 : index
    %get3A_29 = vector.load %arg4[%get3A_27, %get3A_28] : memref<128x128xf32, #tpu.memory_space<vmem>>, vector<128x128xf32>
    %dot_general3A = arith.constant dense<0.000000e+00> : vector<1000x128xf32>
    %dot_general3A_30 = tpu.matmul %get3A_26, %get3A_29, %dot_general3A {dimension_numbers = #tpu.dot_dimension_numbers<[1], [1], [0], [0], [0, 0, 1, 0], [], []>, transpose_lhs_hint = false} : vector<1000x128xf32>, vector<128x128xf32>, vector<1000x128xf32> -> vector<1000x128xf32>
    %mul3A = vector.broadcast %slice3A : vector<1000x1xf32> to vector<1000x128xf32>
    %mul3A_31 = arith.mulf %add3A, %mul3A : vector<1000x128xf32>
    %get3A_32 = arith.constant 0 : index
    %get3A_33 = arith.constant 0 : index
    %get3A_34 = vector.load %arg5[%get3A_32, %get3A_33] : memref<1x128xf32, #tpu.memory_space<vmem>>, vector<1x128xf32>
    %add3A_35 = vector.broadcast %get3A_34 : vector<1x128xf32> to vector<1000x128xf32>
    %add3A_36 = arith.addf %mul3A_31, %add3A_35 : vector<1000x128xf32>
    %add3A_37 = arith.addf %add3A_36, %dot_general3A_30 : vector<1000x128xf32>
    %max3A_38 = arith.constant 0.000000e+00 : f32
    %max3A_39 = vector.broadcast %max3A_38 : f32 to vector<1000x128xf32>
    %max3A_40 = arith.maximumf %add3A_37, %max3A_39 : vector<1000x128xf32>
    %get3A_41 = arith.constant 0 : index
    %get3A_42 = arith.constant 0 : index
    %get3A_43 = vector.load %arg6[%get3A_41, %get3A_42] : memref<128x128xf32, #tpu.memory_space<vmem>>, vector<128x128xf32>
    %dot_general3A_44 = arith.constant dense<0.000000e+00> : vector<1000x128xf32>
    %dot_general3A_45 = tpu.matmul %max3A_40, %get3A_43, %dot_general3A_44 {dimension_numbers = #tpu.dot_dimension_numbers<[1], [1], [0], [0], [0, 0, 1, 0], [], []>, transpose_lhs_hint = false} : vector<1000x128xf32>, vector<128x128xf32>, vector<1000x128xf32> -> vector<1000x128xf32>
    %swap3A = arith.constant 0 : index
    %swap3A_46 = arith.constant 0 : index
    %swap3A_47 = vector.load %arg9[%swap3A, %swap3A_46] : memref<1000x128xf32, #tpu.memory_space<vmem>>, vector<1000x128xf32>
    tpu.vector_store %arg9[%swap3A, %swap3A_46], %dot_general3A_45 {strides = array<i32>} : memref<1000x128xf32, #tpu.memory_space<vmem>>, vector<1000x128xf32>,
    %get3A_48 = arith.constant 0 : index
    %get3A_49 = arith.constant 0 : index
    %get3A_50 = vector.load %arg7[%get3A_48, %get3A_49] : memref<128x128xf32, #tpu.memory_space<vmem>>, vector<128x128xf32>
    %dot_general3A_51 = arith.constant dense<0.000000e+00> : vector<1000x128xf32>
    %dot_general3A_52 = tpu.matmul %max3A_40, %get3A_50, %dot_general3A_51 {dimension_numbers = #tpu.dot_dimension_numbers<[1], [1], [0], [0], [0, 0, 1, 0], [], []>, transpose_lhs_hint = false} : vector<1000x128xf32>, vector<128x128xf32>, vector<1000x128xf32> -> vector<1000x128xf32>
    %get3A_53 = arith.constant 0 : index
    %get3A_54 = arith.constant 0 : index
    %get3A_55 = vector.load %arg8[%get3A_53, %get3A_54] : memref<1x128xf32, #tpu.memory_space<vmem>>, vector<1x128xf32>
    %add3A_56 = vector.broadcast %get3A_55 : vector<1x128xf32> to vector<1000x128xf32>
    %add3A_57 = arith.addf %dot_general3A_52, %add3A_56 : vector<1000x128xf32>
    %swap3A_58 = arith.constant 0 : index
    %swap3A_59 = arith.constant 0 : index
    %swap3A_60 = vector.load %arg10[%swap3A_58, %swap3A_59] : memref<1000x128xf32, #tpu.memory_space<vmem>>, vector<1000x128xf32>
    tpu.vector_store %arg10[%swap3A_58, %swap3A_59], %add3A_57 {strides = array<i32>} : memref<1000x128xf32, #tpu.memory_space<vmem>>, vector<1000x128xf32>,
    return
  }
  func.func @transform_0(%arg0: i32) -> (i32, i32, i32) {
    %c0_i32 = arith.constant 0 : i32
    %c0_i32_0 = arith.constant 0 : i32
    %c0_i32_1 = arith.constant 0 : i32
    return %c0_i32, %arg0, %c0_i32_0 : i32, i32, i32
  }
  func.func @transform_1(%arg0: i32) -> (i32, i32, i32) {
    %c0_i32 = arith.constant 0 : i32
    %c0_i32_0 = arith.constant 0 : i32
    %c0_i32_1 = arith.constant 0 : i32
    return %c0_i32, %arg0, %c0_i32_0 : i32, i32, i32
  }
  func.func @transform_2(%arg0: i32) -> (i32, i32) {
    %c0_i32 = arith.constant 0 : i32
    %c0_i32_0 = arith.constant 0 : i32
    return %arg0, %c0_i32 : i32, i32
  }
  func.func @transform_3(%arg0: i32) -> (i32, i32) {
    %c0_i32 = arith.constant 0 : i32
    %c0_i32_0 = arith.constant 0 : i32
    %c0_i32_1 = arith.constant 0 : i32
    return %c0_i32, %c0_i32_0 : i32, i32
  }
  func.func @transform_4(%arg0: i32) -> (i32, i32) {
    %c0_i32 = arith.constant 0 : i32
    %c0_i32_0 = arith.constant 0 : i32
    %c0_i32_1 = arith.constant 0 : i32
    return %c0_i32, %c0_i32_0 : i32, i32
  }
  func.func @transform_5(%arg0: i32) -> (i32, i32) {
    %c0_i32 = arith.constant 0 : i32
    %c0_i32_0 = arith.constant 0 : i32
    %c0_i32_1 = arith.constant 0 : i32
    return %c0_i32, %c0_i32_0 : i32, i32
  }
  func.func @transform_6(%arg0: i32) -> (i32, i32) {
    %c0_i32 = arith.constant 0 : i32
    %c0_i32_0 = arith.constant 0 : i32
    %c0_i32_1 = arith.constant 0 : i32
    return %c0_i32, %c0_i32_0 : i32, i32
  }
  func.func @transform_7(%arg0: i32) -> (i32, i32) {
    %c0_i32 = arith.constant 0 : i32
    %c0_i32_0 = arith.constant 0 : i32
    %c0_i32_1 = arith.constant 0 : i32
    return %c0_i32, %c0_i32_0 : i32, i32
  }
  func.func @transform_8(%arg0: i32) -> (i32, i32) {
    %c0_i32 = arith.constant 0 : i32
    %c0_i32_0 = arith.constant 0 : i32
    return %arg0, %c0_i32 : i32, i32
  }
  func.func @transform_9(%arg0: i32) -> (i32, i32) {
    %c0_i32 = arith.constant 0 : i32
    %c0_i32_0 = arith.constant 0 : i32
    return %arg0, %c0_i32 : i32, i32
  }
}

module attributes {stable_mosaic.version = 14 : i64} {
  func.func @_out_body(%arg0: i32, %arg1: memref<2x1000x128xf32, #tpu.memory_space<vmem>>, %arg2: memref<2x1000x128xf32, #tpu.memory_space<vmem>>, %arg3: memref<1000x128xf32, #tpu.memory_space<vmem>>, %arg4: memref<1000x128xf32, #tpu.memory_space<vmem>>) attributes {dimension_semantics = [#tpu.dimension_semantics<arbitrary>], iteration_bounds = array<i64: 10>, scalar_prefetch = 0 : i64, scratch_operands = 0 : i64, tpu.core_type = #tpu.core_type<tc>, window_params = [{transform_indices = @transform_0, window_bounds = array<i64: 2, 1000, 128>}, {transform_indices = @transform_1, window_bounds = array<i64: 2, 1000, 128>}, {transform_indices = @transform_2, window_bounds = array<i64: 1000, 128>}, {transform_indices = @transform_3, window_bounds = array<i64: 1000, 128>}]} {
    %get3A = arith.constant 0 : index
    %get3A_0 = arith.constant 0 : index
    %get3A_1 = arith.constant 0 : index
    %get3A_2 = vector.load %arg2[%get3A, %get3A_0, %get3A_1] : memref<2x1000x128xf32, #tpu.memory_space<vmem>>, vector<1x1000x128xf32>
    %get3A_3 = vector.shape_cast %get3A_2 : vector<1x1000x128xf32> to vector<1000x128xf32>
    %get3A_4 = arith.constant 1 : index
    %get3A_5 = arith.constant 0 : index
    %get3A_6 = arith.constant 0 : index
    %get3A_7 = vector.load %arg2[%get3A_4, %get3A_5, %get3A_6] : memref<2x1000x128xf32, #tpu.memory_space<vmem>>, vector<1x1000x128xf32>
    %get3A_8 = vector.shape_cast %get3A_7 : vector<1x1000x128xf32> to vector<1000x128xf32>
    %add3A = arith.addf %get3A_3, %get3A_8 : vector<1000x128xf32>
    %max3A = arith.constant 1.000000e+00 : f32
    %max3A_9 = vector.broadcast %max3A : f32 to vector<1000x128xf32>
    %max3A_10 = arith.maximumf %add3A, %max3A_9 : vector<1000x128xf32>
    %div3A = arith.constant 1.000000e+00 : f32
    %div3A_11 = vector.broadcast %div3A : f32 to vector<1000x128xf32>
    %div3A_12 = arith.divf %div3A_11, %max3A_10 : vector<1000x128xf32>
    %slice3A = vector.extract_strided_slice %div3A_12 {offsets = [0, 0], sizes = [1000, 1], strides = [1, 1]} : vector<1000x128xf32> to vector<1000x1xf32>
    %get3A_13 = arith.constant 0 : index
    %get3A_14 = arith.constant 0 : index
    %get3A_15 = arith.constant 0 : index
    %get3A_16 = vector.load %arg1[%get3A_13, %get3A_14, %get3A_15] : memref<2x1000x128xf32, #tpu.memory_space<vmem>>, vector<1x1000x128xf32>
    %get3A_17 = vector.shape_cast %get3A_16 : vector<1x1000x128xf32> to vector<1000x128xf32>
    %get3A_18 = arith.constant 1 : index
    %get3A_19 = arith.constant 0 : index
    %get3A_20 = arith.constant 0 : index
    %get3A_21 = vector.load %arg1[%get3A_18, %get3A_19, %get3A_20] : memref<2x1000x128xf32, #tpu.memory_space<vmem>>, vector<1x1000x128xf32>
    %get3A_22 = vector.shape_cast %get3A_21 : vector<1x1000x128xf32> to vector<1000x128xf32>
    %add3A_23 = arith.addf %get3A_17, %get3A_22 : vector<1000x128xf32>
    %mul3A = vector.broadcast %slice3A : vector<1000x1xf32> to vector<1000x128xf32>
    %mul3A_24 = arith.mulf %add3A_23, %mul3A : vector<1000x128xf32>
    %get3A_25 = arith.constant 0 : index
    %get3A_26 = arith.constant 0 : index
    %get3A_27 = vector.load %arg3[%get3A_25, %get3A_26] : memref<1000x128xf32, #tpu.memory_space<vmem>>, vector<1000x128xf32>
    %add3A_28 = arith.addf %mul3A_24, %get3A_27 : vector<1000x128xf32>
    %swap3A = arith.constant 0 : index
    %swap3A_29 = arith.constant 0 : index
    %swap3A_30 = vector.load %arg4[%swap3A, %swap3A_29] : memref<1000x128xf32, #tpu.memory_space<vmem>>, vector<1000x128xf32>
    tpu.vector_store %arg4[%swap3A, %swap3A_29], %add3A_28 {strides = array<i32>} : memref<1000x128xf32, #tpu.memory_space<vmem>>, vector<1000x128xf32>,
    return
  }
  func.func @transform_0(%arg0: i32) -> (i32, i32, i32) {
    %c0_i32 = arith.constant 0 : i32
    %c0_i32_0 = arith.constant 0 : i32
    %c0_i32_1 = arith.constant 0 : i32
    return %c0_i32, %arg0, %c0_i32_0 : i32, i32, i32
  }
  func.func @transform_1(%arg0: i32) -> (i32, i32, i32) {
    %c0_i32 = arith.constant 0 : i32
    %c0_i32_0 = arith.constant 0 : i32
    %c0_i32_1 = arith.constant 0 : i32
    return %c0_i32, %arg0, %c0_i32_0 : i32, i32, i32
  }
  func.func @transform_2(%arg0: i32) -> (i32, i32) {
    %c0_i32 = arith.constant 0 : i32
    %c0_i32_0 = arith.constant 0 : i32
    return %arg0, %c0_i32 : i32, i32
  }
  func.func @transform_3(%arg0: i32) -> (i32, i32) {
    %c0_i32 = arith.constant 0 : i32
    %c0_i32_0 = arith.constant 0 : i32
    return %arg0, %c0_i32 : i32, i32
  }
}

</mosaic_0001>

<sc_bundles>
// kernel: kernel.10.cloned.1.call-start
scs
__scs_entry_jumppad:
0x0: {  	(pc) =	sbr.rel $0x88, $3  }
0x1: {  	(tag) =	ssettag $0x0;
	lr =	simm.s32 $0x1  }
0x2: {  	[smem:$0x3F99] =	sst lr;
	_ =	strace $0xD0000000  }
0x3: {  	_ = 	snop  }
0x4: {  	_ = 	snop  }
0x5: {  	_ = 	snop  }
0x6: {  	_ = 	snop  }
0x7: {  	_ = 	snop  }
__scs_overlays_trampoline_lowered:
0x8: {  	[smem:$0x3FA8] =	sst s0  }
0x9: {  	[smem:$0x3FA9] =	sst s1  }
0xa: {  	[smem:$0x3FAA] =	sst s2  }
0xb: {  	[smem:$0x3FAB] =	sst s3  }
0xc: {  	[smem:$0x3FAC] =	sst s4  }
0xd: {  	[smem:$0x3FAD] =	sst s5  }
0xe: {  	[smem:$0x3FAE] =	sst s6  }
0xf: {  	[smem:$0x3FAF] =	sst s7  }
0x10: {  	[smem:$0x3FB0] =	sst s8  }
0x11: {  	[smem:$0x3FB1] =	sst s9;
	s0 =	simm.s32 @!p0 $0x0  }
0x12: {  	s1 =	sld [smem:$0x3F97];
	s0 =	simm.s32 @p0 $0x1  }
0x13: {  	[smem:$0x3FB2] =	sst s0;
	s0 =	simm.s32 @!p1 $0x0  }
0x14: {  	s2 =	sld [smem:$0x3F96];
	s0 =	simm.s32 @p1 $0x1  }
0x15: {  	[smem:$0x3FB3] =	sst s0;
	s0 =	simm.s32 @!p2 $0x0  }
0x16: {  	s3 =	sld [smem:$0x3FDB];
	s0 =	simm.s32 @p2 $0x1  }
0x17: {  	s4 =	simm.s32 $0x1BF5;
	[smem:$0x3FB5] =	sst s0  }
0x18: {  	s0 =	sld [smem:$0x3F98];
	_ =	swait.ge [sflag:s4], $0x0  }
0x19: {  	s7 =	sld [smem:$0x3F99]  }
0x1a: {  	s8 =	sadd.s32 $0xFFFFE003, lr  }
0x1b: {  	s9 =	sadd.s32 $0xFFFFFEF7, lr;
	s5 =	simm.s32 $0xFFFFFFFF;
	p2 =	slt.u32 s8, $0xFFFFF086  }
0x1c: {  	p1 =	slt.u32 s9, $0xF7A;
	s5 =	simm.s32 @!p2 $0x0  }
0x1d: {  	s5 =	simm.s32 @p1 $0x1;
	p0 =	seq.s32 s7, s2  }
0x1e: {  	s7 =	smul.u32 @!p0 $0xF7A, s2;
	p2 =	seq.s32 @!p0 s5, $0x0  }
0x1f: {  	s9 =	smul.u32 $0xF7A, s1;
	s8 =	simm.s32 @!p0 $0x1BF5;
	p2 =	por !p2, p0  }
0x20: {  	[sflag:s8] =	ssyncset.s32 @!p0 $0xFFFFF086;
	s6 =	sadd.s32 @!p0 s3, s7;
	s7 =	simm.s32 @!p0 $0x108  }
0x21: {  	s3 =	sadd.s32 s3, s9;
	s6 =	sadd.s32 @!p0 $0x88, s6;
	s7 =	simm.s32 @p2 $0x1082  }
0x22: {  	[simem:s7], [sflag:s8] =	dma.local @!p0 [hbm:s6], $0xF7A  }
0x23: {  	s9 =	sor.u32 $0xD0000000, s2;
	s6 =	simm.s32 $0x108;
	_ =	swait.ge @!p0 [sflag:s8], $0x0  }
0x24: {  	s3 =	sadd.s32 $0x88, s3;
	s6 =	simm.s32 @!p1 $0x1082;
	[sflag:s4] =	ssyncset.s32 $0xFFFFF086  }
0x25: {  	[simem:s6], [sflag:s4] =	dma.local [hbm:s3], $0xF7A  }
0x26: {  	[smem:$0x3F99] =	sst s1;
	(tag) =	ssettag s2;
	_ =	strace s9  }
0x27: {  	s1 =	sld [smem:$0x3FA9]  }
0x28: {  	s2 =	sld [smem:$0x3FAA]  }
0x29: {  	s4 =	sld [smem:$0x3FAC]  }
0x2a: {  	p0 =	seq.s32 s5, $0x0;
	s5 =	sld [smem:$0x3FAD]  }
0x2b: {  	s6 =	sld [smem:$0x3FAE]  }
0x2c: {  	s7 =	sld [smem:$0x3FAF]  }
0x2d: {  	s3 =	simm.s32 $0x108;
	s8 =	sld [smem:$0x3FB0]  }
0x2e: {  	s3 =	simm.s32 @!p0 $0x1082;
	s9 =	sld [smem:$0x3FB1]  }
0x2f: {  	lr =	sadd.s32 s0, s3;
	s0 =	sld [smem:$0x3FA8]  }
0x30: {  	s3 =	sld [smem:$0x3FAB]  }
0x31: {  	[smem:$0x3FB4] =	sst s10  }
0x32: {  	s10 =	sld [smem:$0x3FB2];
	_ =	sdelay $0x3  }
0x33: {  	p0 =	seq.s32 s10, $0x1;
	s10 =	sld [smem:$0x3FB4];
	_ =	sdelay $0x3  }
0x34: {  	[smem:$0x3FB4] =	sst s10  }
0x35: {  	s10 =	sld [smem:$0x3FB3];
	_ =	sdelay $0x3  }
0x36: {  	p1 =	seq.s32 s10, $0x1;
	s10 =	sld [smem:$0x3FB4];
	_ =	sdelay $0x3  }
0x37: {  	[smem:$0x3FB4] =	sst s10  }
0x38: {  	s10 =	sld [smem:$0x3FB5]  }
0x39: {  	_ = 	snop;
	(pc) =	sbr.ind lr, $3  }
0x3a: {  	_ = 	snop  }
0x3b: {  	_ = 	snop  }
0x3c: {  	p2 =	seq.s32 s10, $0x1;
	s10 =	sld [smem:$0x3FB4]  }
0x3d: {  	_ =	shalt  }
0x3e: {  	_ =	shalt  }
0x3f: {  	_ =	shalt  }
0x40: {  	_ =	shalt  }
0x41: {  	_ =	shalt  }
0x42: {  	_ =	shalt  }
0x43: {  	_ =	shalt  }
0x44: {  	_ =	shalt  }
0x45: {  	_ =	shalt  }
0x46: {  	_ =	shalt  }
0x47: {  	_ =	shalt  }
0x48: {  	_ =	shalt  }
0x49: {  	_ =	shalt  }
0x4a: {  	_ =	shalt  }
0x4b: {  	_ =	shalt  }
0x4c: {  	_ =	shalt  }
0x4d: {  	_ =	shalt  }
0x4e: {  	_ =	shalt  }
0x4f: {  	_ =	shalt  }
0x50: {  	_ =	shalt  }
0x51: {  	_ =	shalt  }
0x52: {  	_ =	shalt  }
0x53: {  	_ =	shalt  }
0x54: {  	_ =	shalt  }
0x55: {  	_ =	shalt  }
0x56: {  	_ =	shalt  }
0x57: {  	_ =	shalt  }
0x58: {  	_ =	shalt  }
0x59: {  	_ =	shalt  }
0x5a: {  	_ =	shalt  }
0x5b: {  	_ =	shalt  }
0x5c: {  	_ =	shalt  }
0x5d: {  	_ =	shalt  }
0x5e: {  	_ =	shalt  }
0x5f: {  	_ =	shalt  }
0x60: {  	_ =	shalt  }
0x61: {  	_ =	shalt  }
0x62: {  	_ =	shalt  }
0x63: {  	_ =	shalt  }
0x64: {  	_ =	shalt  }
0x65: {  	_ =	shalt  }
0x66: {  	_ =	shalt  }
0x67: {  	_ =	shalt  }
0x68: {  	_ =	shalt  }
0x69: {  	_ =	shalt  }
0x6a: {  	_ =	shalt  }
0x6b: {  	_ =	shalt  }
0x6c: {  	_ =	shalt  }
0x6d: {  	_ =	shalt  }
0x6e: {  	_ =	shalt  }
0x6f: {  	_ =	shalt  }
0x70: {  	_ =	shalt  }
0x71: {  	_ =	shalt  }
0x72: {  	_ =	shalt  }
0x73: {  	_ =	shalt  }
0x74: {  	_ =	shalt  }
0x75: {  	_ =	shalt  }
0x76: {  	_ =	shalt  }
0x77: {  	_ =	shalt  }
0x78: {  	_ =	shalt  }
0x79: {  	_ =	shalt  }
0x7a: {  	_ =	shalt  }
0x7b: {  	_ =	shalt  }
0x7c: {  	_ =	shalt  }
0x7d: {  	_ =	shalt  }
0x7e: {  	_ =	shalt  }
0x7f: {  	_ =	shalt  }
0x80: {  	_ =	shalt  }
0x81: {  	_ =	shalt  }
0x82: {  	_ =	shalt  }
0x83: {  	_ =	shalt  }
0x84: {  	_ =	shalt  }
0x85: {  	_ =	shalt  }
0x86: {  	_ =	shalt  }
0x87: {  	_ =	shalt  }
.Lfunc_end0:
.L_simem_size_0:
called_computation.1_lowered:
.L_overlay_start_0:
0x88: {  	s2 =	sld [smem:$0x3FD9]  }
0x89: {  	s3 =	sld [smem:$0x3FFE];
	_ =	sdelay $0x1  }
0x8a: {  	s1 =	srdreg.scid  }
0x8b: {  	s0 =	sand.u32 $0x1, s1  }
0x8c: {  	s17 =	sshll.u32 s0, $0xA;
	s2 =	sadd.s32 s3, s2  }
0x8d: {  	s2 =	sadd.s32 s2, s17  }
0x8e: {  	[smem:$0x3FC0] =	sst s2  }
0x8f: {  	_ = 	snop  }
0x90: {  	s2 =	sld [smem:$0x3FD0];
	(tm) =	ssettm $0x1  }
0x91: {  	s18 =	sld [smem:$0x3FFB];
	_ =	sdelay $0x3  }
0x92: {  	_ =	strace s18  }
0x93: {  	s3 =	sld [smem:$0x3FFC];
	_ =	sdelay $0x3  }
0x94: {  	_ =	strace s3  }
0x95: {  	s3 =	sld [smem:$0x3FFD];
	_ =	sdelay $0x3  }
0x96: {  	_ =	strace s3  }
0x97: {  	_ =	strace $0x8FFFFFFF  }
0x98: {  	s19 =	sld [smem:$0x3FDB];
	_ =	sdelay $0x1  }
0x99: {  	s4 =	simm.s32 $_scs_section_size  }
0x9a: {  	s5 =	simm.s32 $_size__tile_overlayer_lowered;
	s6 =	simm.s32 $_tile_overlayer_lowered  }
0x9b: {  	s22 =	simm.s32 $0x1BFF;
	s21 =	sshll.u32 s6, $0x1;
	s3 =	sadd.s32 s4, s19  }
0x9c: {  	s7 =	simm.s32 $0x0;
	s20 =	sshll.u32 s5, $0x1;
	s5 =	sadd.s32 s21, s3  }
0x9d: {  	[timem:s7], [sflag:s22] =	dma.local [hbm:s5], s20  }
0x9e: {  	_ =	swait.ge [sflag:s22], s20  }
0x9f: {  	s4 =	ssub.s32 $0x0, s20;
	[sflag:s22] =	ssyncset.done $0x0  }
0xa0: {  	[sflag:s22] =	ssyncadd.s32 s4;
	_ =	sdelay $0x1  }
0xa1: {  	s23 =	simm.s32 $0x1B8B  }
0xa2: {  	_ =	swait.ge [sflag:s23], $0x1  }
0xa3: {  	[sflag:s23] =	ssyncset.done $0x0  }
0xa4: {  	s25 =	simm.s32 $0x1B8E;
	s24 =	sld [smem:$0x3FFE];
	[sflag:s23] =	ssyncadd.s32 $0xFFFFFFFF  }
0xa5: {  	s26 =	simm.s32 $execute0_lowered;
	[smem:$0x3FD2] =	sst s25  }
0xa6: {  	s5 =	sshll.u32 s26, $0x1;
	_ =	strace $0x80000049;
	[dreg:$0x1] =	wrdreg $0xFFFFFFFF  }
0xa7: {  	s28 =	simm.s32 $_size_execute0_lowered;
	s3 =	sadd.s32 s3, s5;
	[dreg:$0x0] =	wrdreg $0x0  }
0xa8: {  	s5 =	sshll.u32 s28, $0x1;
	[dreg:$0x2] =	wrdreg s3  }
0xa9: {  	[dreg:$0x3] =	wrdreg s5  }
0xaa: {  	[dreg:$0x4] =	wrdreg $0xC0  }
0xab: {  	_ =	task [dreg:s7], $0x5FFFF  }
0xac: {  	[dreg:$0x1] =	wrdreg $0xFFFFFFFF  }
0xad: {  	[dreg:$0x0] =	wrdreg $0x60  }
0xae: {  	[dreg:$0x2] =	wrdreg s2  }
0xaf: {  	[dreg:$0x3] =	wrdreg s24  }
0xb0: {  	[dreg:$0x4] =	wrdreg $0x82000  }
0xb1: {  	[dreg:$0x5] =	wrdreg $0x9  }
0xb2: {  	_ =	task.clear_ibuf [dreg:s7], $0x6FFFF;
	_ =	strace $0x90000049  }
0xb3: {  	s29 =	simm.s32 $0x9;
	_ =	strace $0x8000004B  }
0xb4: {  	_ =	swait.ge [sflag:s29], $0x1  }
0xb5: {  	[sflag:s29] =	ssyncadd.s32 $0xFFFFFFFF  }
0xb6: {  	_ =	strace $0x9000004B  }
0xb7: {  	_ =	sfence  }
0xb8: {  	s30 =	sld [smem:$0x0];
	_ =	sdelay $0x2  }
0xb9: {  	s31 =	sshll.u32 s1, $0xD;
	s1 =	sshrl.u32 s1, $0x2  }
0xba: {  	s3 =	sand.u32 $0x4000, s31;
	s1 =	sadd.s32 s1, s30  }
0xbb: {  	s0 =	sor.u32 s3, s0;
	s1 =	sshll.u32 s1, $0x11  }
0xbc: {  	s0 =	sor.u32 s1, s0  }
0xbd: {  	s0 =	sadd.s32 $0x8F2B, s0  }
0xbe: {  	[sflag:s0] =	ssyncadd.remote.s32 $0x1  }
0xbf: {  	_ =	sfence.sel $0xFFFF  }
0xc0: {  	[dreg:$0x0] =	wrdreg $0xFFFFFFFF;
	(pc) =	sbr.abs _section_cstart, $3  }
0xc1: {  	[dreg:$0x1] =	wrdreg $0xFFFFFFFF  }
0xc2: {  	_ =	task.clear_ibuf [dreg:s7], $0x2FFFF;
	_ =	strace $0x9FFFFFFF  }
0xc3: {  	(tm) =	ssettm $0x7FFFFFFF  }
tec
execute0_lowered:
.L_overlay_start_1:
0x0: {  	(tag) =	ssettag $0x1  }
0x1: {  	s1 =	rddreg [dreg:$0x0]  }
0x2: {  	s0 =	rddreg [dreg:$0x1]  }
0x3: {  	s2 =	rddreg [dreg:$0x2]  }
0x4: {  	s3 =	srdreg.scid;
	s4 =	simm.s32 $0x0;
	s16 =	stileid.u32  }
0x5: {  	s28 =	simm.s32 $0x4200;
	s29 =	simm.s32 $0x2;
	s30 =	simm.s32 $0x180  }
0x6: {  	s31 =	simm.s32 $0x1C200;
	s3 =	sand.u32 $0x1, s3;
	[smem:$0x7FF] =	sst s4  }
0x7: {  	s10 =	sadd.s32 $0x2E00, s0;
	s24 =	smul.u32 $0x50000, s16;
	s7 =	sadd.s32 $0x16E00, s0  }
0x8: {  	s13 =	smul.u32 $0x14000, s16;
	s5 =	sshll.u32 s3, $0x4;
	_ =	strace $0x8000004A  }
0x9: {  	[dreg:$0x4] =	wrdreg s7;
	s25 =	ssub.s32 $0x2, s3;
	s18 =	smul.u32 $0x140000, s3  }
0xa: {  	s3 =	smul.u32 $0x9C00, s3;
	s5 =	sor.u32 s16, s5;
	s8 =	sshrl.u32 s25, $0x1  }
0xb: {  	s14 =	sadd.s32 $0x4000, s13;
	s15 =	sadd.s32 $0x8000, s13;
	s17 =	sadd.s32 $0xC000, s13  }
0xc: {  	s20 =	sadd.s32 $0x10000, s13;
	s6 =	sshll.u32 s5, $0x5;
	s19 =	ssub.s32 s25, s8  }
0xd: {  	s7 =	sadd.s32 s14, s2;
	s5 =	smul.u32 $0x9C0, s5;
	s8 =	sadd.s32 s15, s2  }
0xe: {  	s9 =	sadd.s32 s17, s2;
	s11 =	sadd.s32 s20, s2;
	s26 =	sadd.s32 s13, s18  }
0xf: {  	s13 =	sadd.s32 s18, s14;
	s21 =	sadd.s32 s18, s15;
	s23 =	sadd.s32 s18, s17  }
0x10: {  	s25 =	sadd.s32 s18, s20;
	s3 =	sadd.s32 s3, s10;
	s12 =	sadd.s32 s6, s0  }
0x11: {  	s0 =	sadd.s32 $0x17600, s0;
	s6 =	sshrl.u32 s24, $0x2;
	s14 =	sshrl.u32 s13, $0x3  }
0x12: {  	s22 =	sshrl.u32 s21, $0x3;
	s24 =	smul.u32 $0x9C0, s16;
	s19 =	smax.u32 s19, $0x1  }
0x13: {  	s21 =	simm.s32 $0x200;
	s6 =	sadd.s32 s6, s2;
	s5 =	sadd.s32 s10, s5  }
0x14: {  	s12 =	sadd.s32 $0x2A00, s12;
	[dreg:$0x5] =	wrdreg s5;
	s5 =	sadd.s32 $0x20, s5  }
0x15: {  	[dreg:$0x7] =	wrdreg s12;
	s3 =	sadd.s32 s24, s3;
	s24 =	simm.s32 $0x80  }
0x16: {  	s12 =	simm.s32 $0x0;
	[dreg:$0x6] =	wrdreg s5;
	s5 =	sshrl.u32 s26, $0x3  }
0x17: {  	s26 =	sshrl.u32 s25, $0x3;
	s13 =	sadd.s32 $0x40, s3;
	s25 =	simm.s32 $0x100  }
0x18: {  	s3 =	simm.s32 $0x1C300;
	s5 =	sadd.s32 s0, s5;
	s18 =	sadd.s32 s0, s26  }
0x19: {  	s26 =	simm.s32 $0x4;
	[dreg:$0x8] =	wrdreg s5;
	s5 =	sadd.s32 s0, s14  }
0x1a: {  	[dreg:$0x9] =	wrdreg s5;
	s5 =	sadd.s32 s0, s22;
	s22 =	simm.s32 $0x5  }
0x1b: {  	[dreg:$0xa] =	wrdreg s5;
	s5 =	sshrl.u32 s23, $0x3;
	s23 =	simm.s32 $0x1  }
0x1c: {  	s17 =	sadd.s32 s0, s5;
	s0 =	simm.s32 $0x10;
	s5 =	simm.s32 $0x3  }
.LBB2_1:
0x1d: {  	s10 =	rddreg [dreg:$0x4]  }
0x1e: {  	[tilespmem:s21], [sflag:$0x5] =	stream.linear.gather [hbm4b:s10+s4], $0x4000, $0x38;
	[tilespmem:$0x1CB00] =	vst v63  }
0x1f: {  	_ =	swait.ge [sflag:s22], $0x4000  }
0x20: {  	[sflag:s22] =	ssyncset.done $0x0  }
0x21: {  	[sflag:s22] =	ssyncadd.s32 $0xFFFFC000  }
0x22: {  	[spmem:s6] =	stream.linear.scatter [tilespmem:s21], [sflag:$0x1], $0x4000, $0x38;
	[tilespmem:$0x1CB00] =	vst v63  }
0x23: {  	_ = 	snop  }
0x24: {  	[spmem:s7] =	stream.linear.scatter [tilespmem:s21], [sflag:$0x1], $0x4000, $0x38;
	[tilespmem:$0x1CB00] =	vst v63  }
0x25: {  	_ = 	snop  }
0x26: {  	[spmem:s8] =	stream.linear.scatter [tilespmem:s21], [sflag:$0x1], $0x4000, $0x38;
	[tilespmem:$0x1CB00] =	vst v63  }
0x27: {  	_ = 	snop  }
0x28: {  	[spmem:s9] =	stream.linear.scatter [tilespmem:s21], [sflag:$0x1], $0x4000, $0x38;
	[tilespmem:$0x1CB00] =	vst v63  }
0x29: {  	_ = 	snop  }
0x2a: {  	[spmem:s11] =	stream.linear.scatter [tilespmem:s21], [sflag:$0x1], $0x4000, $0x38;
	[tilespmem:$0x1CB00] =	vst v63  }
0x2b: {  	_ =	swait.ge [sflag:s23], $0x4000  }
0x2c: {  	[sflag:s23] =	ssyncset.done $0x0  }
0x2d: {  	[sflag:s23] =	ssyncadd.s32 $0xFFFFC000  }
0x2e: {  	_ =	swait.ge [sflag:s23], $0x4000  }
0x2f: {  	[sflag:s23] =	ssyncset.done $0x0  }
0x30: {  	[sflag:s23] =	ssyncadd.s32 $0xFFFFC000  }
0x31: {  	_ =	swait.ge [sflag:s23], $0x4000  }
0x32: {  	[sflag:s23] =	ssyncset.done $0x0  }
0x33: {  	[sflag:s23] =	ssyncadd.s32 $0xFFFFC000  }
0x34: {  	_ =	swait.ge [sflag:s23], $0x4000  }
0x35: {  	[sflag:s23] =	ssyncset.done $0x0  }
0x36: {  	[sflag:s23] =	ssyncadd.s32 $0xFFFFC000  }
0x37: {  	_ =	swait.ge [sflag:s23], $0x4000  }
0x38: {  	[sflag:s23] =	ssyncset.done $0x0  }
0x39: {  	[sflag:s23] =	ssyncadd.s32 $0xFFFFC000  }
0x3a: {  	[bflag:$0x0] =	sbarrier.arrive $0xFFFF  }
0x3b: {  	s16 =	rddreg [dreg:$0x5]  }
0x3c: {  	[tilespmem:s4], [sflag:$0x5] =	stream.linear.gather [hbm4b:s16+s4], $0x100, $0x38;
	[tilespmem:$0x1CB00] =	vst v63  }
0x3d: {  	_ =	swait.ge [sflag:s22], $0x100  }
0x3e: {  	[sflag:s22] =	ssyncset.done $0x0  }
0x3f: {  	[sflag:s22] =	ssyncadd.s32 $0xFFFFFF00  }
0x40: {  	[tilespmem:s21], [sflag:$0x1] =	stream.indirect.gather [hbm4b:s1+s24], $0x80, s4, s24, $0xb8;
	[tilespmem:$0x1CB00] =	vst v63  }
0x41: {  	s20 =	rddreg [dreg:$0x6]  }
0x42: {  	[tilespmem:s25], [sflag:$0x4] =	stream.linear.gather [hbm4b:s20+s4], $0x100, $0x38;
	[tilespmem:$0x1CB00] =	vst v63  }
0x43: {  	s10 =	simm.s32 $0x0;
	s20 =	smov.u32 s13  }
.LBB2_2:
0x44: {  	s14 =	sand.u32 $0x1, s10  }
0x45: {  	p0 =	seq.s32 s14, $0x1  }
0x46: {  	s14 =	simm.s32 @!p0 $0x4  }
0x47: {  	_ =	swait.ge @!p0 [sflag:s14], $0x100  }
0x48: {  	s15 =	simm.s32 @!p0 $0x100;
	[sflag:s14] =	ssyncset.done @!p0 $0x0  }
0x49: {  	s16 =	simm.s32 @!p0 $0x4200;
	[sflag:s14] =	ssyncadd.s32 @!p0 $0xFFFFFF00;
	s14 =	simm.s32 @!p0 $0x80  }
0x4a: {  	[tilespmem:s16], [sflag:$0x2] =	stream.indirect.gather @!p0 [hbm4b:s1+s14], $0x80, s15, s14, $0xb8;
	[tilespmem:$0x1CB00] =	vst v63  }
0x4b: {  	s15 =	simm.s32 @!p0 $0x1  }
0x4c: {  	_ =	swait.ge @!p0 [sflag:s15], $0x4000  }
0x4d: {  	[sflag:s15] =	ssyncset.done @!p0 $0x0  }
0x4e: {  	[sflag:s15] =	ssyncadd.s32 @!p0 $0xFFFFC000;
	s15 =	simm.s32 @!p0 $0x200  }
0x4f: {  	[spmem:s2] =	stream.indirect.scatter.add.f32 @!p0 [tilespmem:s15], [sflag:$0x5], $0x80, s14, s14, $0xb8;
	[tilespmem:$0x1CB00] =	vst v63  }
0x50: {  	s14 =	simm.s32 @!p0 $0x5  }
0x51: {  	_ =	swait.ge @!p0 [sflag:s14], $0x4000  }
0x52: {  	[sflag:s14] =	ssyncset.done @!p0 $0x0  }
0x53: {  	[sflag:s14] =	ssyncadd.s32 @!p0 $0xFFFFC000;
	s14 =	simm.s32 @!p0 $0x0  }
0x54: {  	[tilespmem:s14], [sflag:$0x3] =	stream.linear.gather @!p0 [hbm4b:s20+s14], $0x100, $0x38;
	[tilespmem:$0x1CB00] =	vst v63  }
0x55: {  	s14 =	sand.u32 @!p0 $0x1, s10  }
0x56: {  	p1 =	seq.s32 @!p0 s14, $0x0  }
0x57: {  	p0 =	por p0, !p1  }
0x58: {  	_ =	swait.ge @p0 [sflag:s5], $0x100  }
0x59: {  	[sflag:s5] =	ssyncset.done @p0 $0x0  }
0x5a: {  	[sflag:s5] =	ssyncadd.s32 @p0 $0xFFFFFF00  }
0x5b: {  	[tilespmem:s21], [sflag:$0x1] =	stream.indirect.gather @p0 [hbm4b:s1+s24], $0x80, s4, s24, $0xb8;
	[tilespmem:$0x1CB00] =	vst v63  }
0x5c: {  	_ =	swait.ge @p0 [sflag:s29], $0x4000  }
0x5d: {  	[sflag:s29] =	ssyncset.done @p0 $0x0  }
0x5e: {  	[sflag:s29] =	ssyncadd.s32 @p0 $0xFFFFC000  }
0x5f: {  	[spmem:s2] =	stream.indirect.scatter.add.f32 @p0 [tilespmem:s28], [sflag:$0x5], $0x80, s30, s24, $0xb8;
	[tilespmem:$0x1CB00] =	vst v63  }
0x60: {  	_ =	swait.ge @p0 [sflag:s22], $0x4000  }
0x61: {  	[sflag:s22] =	ssyncset.done @p0 $0x0  }
0x62: {  	s10 =	sadd.s32 $0x1, s10;
	[sflag:s22] =	ssyncadd.s32 @p0 $0xFFFFC000  }
0x63: {  	[tilespmem:s25], [sflag:$0x4] =	stream.linear.gather @p0 [hbm4b:s20+s4], $0x100, $0x38;
	[tilespmem:$0x1CB00] =	vst v63  }
0x64: {  	p0 =	sne.s32 s10, $0x4C  }
.Ltmp0:
0x65: {  	_ = 	snop;
	(pc) =	sbr.rel @p0 .LBB2_2-.Ltmp0, $2  }
0x66: {  	_ =	sdelay $0x2  }
0x67: {  	s20 =	sadd.s32 $0x20, s20  }
0x68: {  	_ =	swait.ge [sflag:s26], $0x100  }
0x69: {  	[sflag:s26] =	ssyncset.done $0x0  }
0x6a: {  	[sflag:s26] =	ssyncadd.s32 $0xFFFFFF00  }
0x6b: {  	[tilespmem:s28], [sflag:$0x2] =	stream.indirect.gather [hbm4b:s1+s24], $0x80, s25, s24, $0xb8;
	[tilespmem:$0x1CB00] =	vst v63  }
0x6c: {  	_ =	swait.ge [sflag:s23], $0x4000  }
0x6d: {  	[sflag:s23] =	ssyncset.done $0x0  }
0x6e: {  	[sflag:s23] =	ssyncadd.s32 $0xFFFFC000  }
0x6f: {  	[spmem:s2] =	stream.indirect.scatter.add.f32 [tilespmem:s21], [sflag:$0x5], $0x80, s24, s24, $0xb8;
	[tilespmem:$0x1CB00] =	vst v63  }
0x70: {  	_ =	swait.ge [sflag:s22], $0x4000  }
0x71: {  	[sflag:s22] =	ssyncset.done $0x0  }
0x72: {  	[sflag:s22] =	ssyncadd.s32 $0xFFFFC000  }
0x73: {  	_ =	swait.ge [sflag:s29], $0x4000  }
0x74: {  	[sflag:s29] =	ssyncset.done $0x0  }
0x75: {  	[sflag:s29] =	ssyncadd.s32 $0xFFFFC000  }
0x76: {  	[spmem:s2] =	stream.indirect.scatter.add.f32 [tilespmem:s28], [sflag:$0x5], $0x80, s30, s24, $0xb8;
	[tilespmem:$0x1CB00] =	vst v63  }
0x77: {  	_ =	swait.ge [sflag:s22], $0x4000  }
0x78: {  	[sflag:s22] =	ssyncset.done $0x0  }
0x79: {  	s10 =	rddreg [dreg:$0x7];
	[sflag:s22] =	ssyncadd.s32 $0xFFFFC000  }
0x7a: {  	[tilespmem:s31], [sflag:$0x5] =	stream.linear.gather [hbm4b:s10+s4], $0x100, $0x38;
	[tilespmem:$0x1CB00] =	vst v63  }
0x7b: {  	_ =	swait.ge [sflag:s22], $0x100  }
0x7c: {  	[sflag:s22] =	ssyncset.done $0x0  }
0x7d: {  	[sflag:s22] =	ssyncadd.s32 $0xFFFFFF00  }
0x7e: {  	[tilespmem:s3], [sflag:$0x1] =	stream.indirect.gather [hbm4b:s1+s0], $0x80, s31, s0, $0xb8;
	[tilespmem:$0x1CB00] =	vst v63  }
0x7f: {  	_ =	swait.ge [sflag:s23], $0x800  }
0x80: {  	[sflag:s23] =	ssyncset.done $0x0  }
0x81: {  	s14 =	simm.s32 $0x1C280;
	[sflag:s23] =	ssyncadd.s32 $0xFFFFF800  }
0x82: {  	[spmem:s2] =	stream.indirect.scatter.add.f32 [tilespmem:s3], [sflag:$0x5], $0x80, s14, s0, $0xb8;
	[tilespmem:$0x1CB00] =	vst v63  }
0x83: {  	_ =	swait.ge [sflag:s22], $0x800  }
0x84: {  	[sflag:s22] =	ssyncset.done $0x0  }
0x85: {  	[sflag:s22] =	ssyncadd.s32 $0xFFFFF800  }
0x86: {  	[bflag:$0x0] =	sbarrier.arrive $0xFFFF  }
0x87: {  	[tilespmem:s21], [sflag:$0x5] =	stream.linear.gather [spmem:s6], $0x4000, $0x38;
	[tilespmem:$0x1CB00] =	vst v63  }
0x88: {  	_ =	swait.ge [sflag:s22], $0x4000  }
0x89: {  	[sflag:s22] =	ssyncset.done $0x0  }
0x8a: {  	s15 =	rddreg [dreg:$0x8];
	[sflag:s22] =	ssyncadd.s32 $0xFFFFC000  }
0x8b: {  	[hbm4b:s15+s4] =	stream.linear.scatter [tilespmem:s21], [sflag:$0x1], $0x4000, $0x38;
	[tilespmem:$0x1CB00] =	vst v63  }
0x8c: {  	_ = 	snop  }
0x8d: {  	[tilespmem:s28], [sflag:$0x5] =	stream.linear.gather [spmem:s7], $0x4000, $0x38;
	[tilespmem:$0x1CB00] =	vst v63  }
0x8e: {  	_ =	swait.ge [sflag:s22], $0x4000  }
0x8f: {  	[sflag:s22] =	ssyncset.done $0x0  }
0x90: {  	s16 =	rddreg [dreg:$0x9];
	[sflag:s22] =	ssyncadd.s32 $0xFFFFC000  }
0x91: {  	[hbm4b:s16+s4] =	stream.linear.scatter [tilespmem:s28], [sflag:$0x2], $0x4000, $0x38;
	[tilespmem:$0x1CB00] =	vst v63  }
0x92: {  	_ =	swait.ge [sflag:s23], $0x4000  }
0x93: {  	[sflag:s23] =	ssyncset.done $0x0  }
0x94: {  	[sflag:s23] =	ssyncadd.s32 $0xFFFFC000  }
0x95: {  	[tilespmem:s21], [sflag:$0x5] =	stream.linear.gather [spmem:s8], $0x4000, $0x38;
	[tilespmem:$0x1CB00] =	vst v63  }
0x96: {  	_ =	swait.ge [sflag:s22], $0x4000  }
0x97: {  	[sflag:s22] =	ssyncset.done $0x0  }
0x98: {  	s20 =	rddreg [dreg:$0xa];
	[sflag:s22] =	ssyncadd.s32 $0xFFFFC000  }
0x99: {  	[hbm4b:s20+s4] =	stream.linear.scatter [tilespmem:s21], [sflag:$0x1], $0x4000, $0x38;
	[tilespmem:$0x1CB00] =	vst v63  }
0x9a: {  	_ =	swait.ge [sflag:s29], $0x4000  }
0x9b: {  	[sflag:s29] =	ssyncset.done $0x0  }
0x9c: {  	[sflag:s29] =	ssyncadd.s32 $0xFFFFC000  }
0x9d: {  	[tilespmem:s28], [sflag:$0x5] =	stream.linear.gather [spmem:s9], $0x4000, $0x38;
	[tilespmem:$0x1CB00] =	vst v63  }
0x9e: {  	_ =	swait.ge [sflag:s22], $0x4000  }
0x9f: {  	[sflag:s22] =	ssyncset.done $0x0  }
0xa0: {  	[sflag:s22] =	ssyncadd.s32 $0xFFFFC000  }
0xa1: {  	[hbm4b:s17+s4] =	stream.linear.scatter [tilespmem:s28], [sflag:$0x2], $0x4000, $0x38;
	[tilespmem:$0x1CB00] =	vst v63  }
0xa2: {  	_ =	swait.ge [sflag:s23], $0x4000  }
0xa3: {  	[sflag:s23] =	ssyncset.done $0x0  }
0xa4: {  	[sflag:s23] =	ssyncadd.s32 $0xFFFFC000  }
0xa5: {  	[tilespmem:s21], [sflag:$0x5] =	stream.linear.gather [spmem:s11], $0x4000, $0x38;
	[tilespmem:$0x1CB00] =	vst v63  }
0xa6: {  	_ =	swait.ge [sflag:s22], $0x4000  }
0xa7: {  	[sflag:s22] =	ssyncset.done $0x0  }
0xa8: {  	s12 =	sadd.s32 $0x1, s12;
	[sflag:s22] =	ssyncadd.s32 $0xFFFFC000  }
0xa9: {  	[hbm4b:s18+s4] =	stream.linear.scatter [tilespmem:s21], [sflag:$0x1], $0x4000, $0x38;
	[tilespmem:$0x1CB00] =	vst v63  }
0xaa: {  	p0 =	sne.s32 s12, s19;
	_ =	swait.ge [sflag:s23], $0x4000  }
.Ltmp1:
0xab: {  	[sflag:s23] =	ssyncset.done $0x0;
	(pc) =	sbr.rel @p0 .LBB2_1-.Ltmp1, $4  }
0xac: {  	[sflag:s23] =	ssyncadd.s32 $0xFFFFC000  }
0xad: {  	_ =	swait.ge [sflag:s29], $0x4000  }
0xae: {  	[sflag:s29] =	ssyncset.done $0x0  }
0xaf: {  	[sflag:s29] =	ssyncadd.s32 $0xFFFFC000  }
0xb0: {  	_ =	sfence.sel $0x180000  }
0xb1: {  	[bflag:$0x0] =	sbarrier.arrive $0xFFFF  }
0xb2: {  	_ =	strace $0x9000004A  }
0xb3: {  	s0 =	stileid.u32;
	[bflag:$0x2] =	sbarrier.arrive $0xFFFF  }
0xb4: {  	p0 =	sne.s32 s0, $0x0;
	s0 =	rddreg [dreg:$0x3]  }
0xb5: {  	s0 =	sadd.s32 @!p0 $0x100000, s0  }
0xb6: {  	[sflag:s0] =	ssyncadd.tile.s32 @!p0 $0x1;
	_ =	shalt  }
.Lfunc_end2:
_tile_overlayer_lowered:
.L_overlay_start_2:
0xb7: {  	(tag) =	ssettag $0x2  }
0xb8: {  	s0 =	rddreg [dreg:$0x0];
	s2 =	stileid.u32  }
0xb9: {  	s1 =	rddreg [dreg:$0x1];
	p0 =	sne.s32 s2, $0x0  }
0xba: {  	s3 =	rddreg [dreg:$0x2];
	[bflag:$0x3] =	sbarrier.arrive $0xFFFF;
	s2 =	simm.s32 @!p0 $0x1C05  }
0xbb: {  	[timem:s3], [sflag:s2] =	dma.local @!p0 [hbm:s0], s1  }
0xbc: {  	s0 =	simm.s32 @!p0 $0x5  }
0xbd: {  	_ =	swait.ge @!p0 [sflag:s0], s1  }
0xbe: {  	s1 =	ssub.s32 @!p0 $0x0, s1;
	[sflag:s0] =	ssyncset.done @!p0 $0x0  }
0xbf: {  	[sflag:s0] =	ssyncadd.s32 @!p0 s1  }
0xc0: {  	[bflag:$0x3] =	sbarrier.arrive $0xFFFF  }
0xc1: {  	_ =	shalt  }

// kernel: kernel.7.cloned.1.call-start
scs
__scs_entry_jumppad:
0x0: {  	(pc) =	sbr.rel $0x88, $3  }
0x1: {  	(tag) =	ssettag $0x0;
	lr =	simm.s32 $0x1  }
0x2: {  	[smem:$0x3F99] =	sst lr;
	_ =	strace $0xD0000000  }
0x3: {  	_ = 	snop  }
0x4: {  	_ = 	snop  }
0x5: {  	_ = 	snop  }
0x6: {  	_ = 	snop  }
0x7: {  	_ = 	snop  }
__scs_overlays_trampoline_lowered:
0x8: {  	[smem:$0x3FA8] =	sst s0  }
0x9: {  	[smem:$0x3FA9] =	sst s1  }
0xa: {  	[smem:$0x3FAA] =	sst s2  }
0xb: {  	[smem:$0x3FAB] =	sst s3  }
0xc: {  	[smem:$0x3FAC] =	sst s4  }
0xd: {  	[smem:$0x3FAD] =	sst s5  }
0xe: {  	[smem:$0x3FAE] =	sst s6  }
0xf: {  	[smem:$0x3FAF] =	sst s7  }
0x10: {  	[smem:$0x3FB0] =	sst s8  }
0x11: {  	[smem:$0x3FB1] =	sst s9;
	s0 =	simm.s32 @!p0 $0x0  }
0x12: {  	s1 =	sld [smem:$0x3F97];
	s0 =	simm.s32 @p0 $0x1  }
0x13: {  	[smem:$0x3FB2] =	sst s0;
	s0 =	simm.s32 @!p1 $0x0  }
0x14: {  	s2 =	sld [smem:$0x3F96];
	s0 =	simm.s32 @p1 $0x1  }
0x15: {  	[smem:$0x3FB3] =	sst s0;
	s0 =	simm.s32 @!p2 $0x0  }
0x16: {  	s3 =	sld [smem:$0x3FDB];
	s0 =	simm.s32 @p2 $0x1  }
0x17: {  	s4 =	simm.s32 $0x1BF5;
	[smem:$0x3FB5] =	sst s0  }
0x18: {  	s0 =	sld [smem:$0x3F98];
	_ =	swait.ge [sflag:s4], $0x0  }
0x19: {  	s7 =	sld [smem:$0x3F99]  }
0x1a: {  	s8 =	sadd.s32 $0xFFFFE003, lr  }
0x1b: {  	s9 =	sadd.s32 $0xFFFFFEF7, lr;
	s5 =	simm.s32 $0xFFFFFFFF;
	p2 =	slt.u32 s8, $0xFFFFF086  }
0x1c: {  	p1 =	slt.u32 s9, $0xF7A;
	s5 =	simm.s32 @!p2 $0x0  }
0x1d: {  	s5 =	simm.s32 @p1 $0x1;
	p0 =	seq.s32 s7, s2  }
0x1e: {  	s7 =	smul.u32 @!p0 $0xF7A, s2;
	p2 =	seq.s32 @!p0 s5, $0x0  }
0x1f: {  	s9 =	smul.u32 $0xF7A, s1;
	s8 =	simm.s32 @!p0 $0x1BF5;
	p2 =	por !p2, p0  }
0x20: {  	[sflag:s8] =	ssyncset.s32 @!p0 $0xFFFFF086;
	s6 =	sadd.s32 @!p0 s3, s7;
	s7 =	simm.s32 @!p0 $0x108  }
0x21: {  	s3 =	sadd.s32 s3, s9;
	s6 =	sadd.s32 @!p0 $0x88, s6;
	s7 =	simm.s32 @p2 $0x1082  }
0x22: {  	[simem:s7], [sflag:s8] =	dma.local @!p0 [hbm:s6], $0xF7A  }
0x23: {  	s9 =	sor.u32 $0xD0000000, s2;
	s6 =	simm.s32 $0x108;
	_ =	swait.ge @!p0 [sflag:s8], $0x0  }
0x24: {  	s3 =	sadd.s32 $0x88, s3;
	s6 =	simm.s32 @!p1 $0x1082;
	[sflag:s4] =	ssyncset.s32 $0xFFFFF086  }
0x25: {  	[simem:s6], [sflag:s4] =	dma.local [hbm:s3], $0xF7A  }
0x26: {  	[smem:$0x3F99] =	sst s1;
	(tag) =	ssettag s2;
	_ =	strace s9  }
0x27: {  	s1 =	sld [smem:$0x3FA9]  }
0x28: {  	s2 =	sld [smem:$0x3FAA]  }
0x29: {  	s4 =	sld [smem:$0x3FAC]  }
0x2a: {  	p0 =	seq.s32 s5, $0x0;
	s5 =	sld [smem:$0x3FAD]  }
0x2b: {  	s6 =	sld [smem:$0x3FAE]  }
0x2c: {  	s7 =	sld [smem:$0x3FAF]  }
0x2d: {  	s3 =	simm.s32 $0x108;
	s8 =	sld [smem:$0x3FB0]  }
0x2e: {  	s3 =	simm.s32 @!p0 $0x1082;
	s9 =	sld [smem:$0x3FB1]  }
0x2f: {  	lr =	sadd.s32 s0, s3;
	s0 =	sld [smem:$0x3FA8]  }
0x30: {  	s3 =	sld [smem:$0x3FAB]  }
0x31: {  	[smem:$0x3FB4] =	sst s10  }
0x32: {  	s10 =	sld [smem:$0x3FB2];
	_ =	sdelay $0x3  }
0x33: {  	p0 =	seq.s32 s10, $0x1;
	s10 =	sld [smem:$0x3FB4];
	_ =	sdelay $0x3  }
0x34: {  	[smem:$0x3FB4] =	sst s10  }
0x35: {  	s10 =	sld [smem:$0x3FB3];
	_ =	sdelay $0x3  }
0x36: {  	p1 =	seq.s32 s10, $0x1;
	s10 =	sld [smem:$0x3FB4];
	_ =	sdelay $0x3  }
0x37: {  	[smem:$0x3FB4] =	sst s10  }
0x38: {  	s10 =	sld [smem:$0x3FB5]  }
0x39: {  	_ = 	snop;
	(pc) =	sbr.ind lr, $3  }
0x3a: {  	_ = 	snop  }
0x3b: {  	_ = 	snop  }
0x3c: {  	p2 =	seq.s32 s10, $0x1;
	s10 =	sld [smem:$0x3FB4]  }
0x3d: {  	_ =	shalt  }
0x3e: {  	_ =	shalt  }
0x3f: {  	_ =	shalt  }
0x40: {  	_ =	shalt  }
0x41: {  	_ =	shalt  }
0x42: {  	_ =	shalt  }
0x43: {  	_ =	shalt  }
0x44: {  	_ =	shalt  }
0x45: {  	_ =	shalt  }
0x46: {  	_ =	shalt  }
0x47: {  	_ =	shalt  }
0x48: {  	_ =	shalt  }
0x49: {  	_ =	shalt  }
0x4a: {  	_ =	shalt  }
0x4b: {  	_ =	shalt  }
0x4c: {  	_ =	shalt  }
0x4d: {  	_ =	shalt  }
0x4e: {  	_ =	shalt  }
0x4f: {  	_ =	shalt  }
0x50: {  	_ =	shalt  }
0x51: {  	_ =	shalt  }
0x52: {  	_ =	shalt  }
0x53: {  	_ =	shalt  }
0x54: {  	_ =	shalt  }
0x55: {  	_ =	shalt  }
0x56: {  	_ =	shalt  }
0x57: {  	_ =	shalt  }
0x58: {  	_ =	shalt  }
0x59: {  	_ =	shalt  }
0x5a: {  	_ =	shalt  }
0x5b: {  	_ =	shalt  }
0x5c: {  	_ =	shalt  }
0x5d: {  	_ =	shalt  }
0x5e: {  	_ =	shalt  }
0x5f: {  	_ =	shalt  }
0x60: {  	_ =	shalt  }
0x61: {  	_ =	shalt  }
0x62: {  	_ =	shalt  }
0x63: {  	_ =	shalt  }
0x64: {  	_ =	shalt  }
0x65: {  	_ =	shalt  }
0x66: {  	_ =	shalt  }
0x67: {  	_ =	shalt  }
0x68: {  	_ =	shalt  }
0x69: {  	_ =	shalt  }
0x6a: {  	_ =	shalt  }
0x6b: {  	_ =	shalt  }
0x6c: {  	_ =	shalt  }
0x6d: {  	_ =	shalt  }
0x6e: {  	_ =	shalt  }
0x6f: {  	_ =	shalt  }
0x70: {  	_ =	shalt  }
0x71: {  	_ =	shalt  }
0x72: {  	_ =	shalt  }
0x73: {  	_ =	shalt  }
0x74: {  	_ =	shalt  }
0x75: {  	_ =	shalt  }
0x76: {  	_ =	shalt  }
0x77: {  	_ =	shalt  }
0x78: {  	_ =	shalt  }
0x79: {  	_ =	shalt  }
0x7a: {  	_ =	shalt  }
0x7b: {  	_ =	shalt  }
0x7c: {  	_ =	shalt  }
0x7d: {  	_ =	shalt  }
0x7e: {  	_ =	shalt  }
0x7f: {  	_ =	shalt  }
0x80: {  	_ =	shalt  }
0x81: {  	_ =	shalt  }
0x82: {  	_ =	shalt  }
0x83: {  	_ =	shalt  }
0x84: {  	_ =	shalt  }
0x85: {  	_ =	shalt  }
0x86: {  	_ =	shalt  }
0x87: {  	_ =	shalt  }
.Lfunc_end0:
.L_simem_size_0:
called_computation_lowered:
.L_overlay_start_0:
0x88: {  	s2 =	sld [smem:$0x3FD9]  }
0x89: {  	s3 =	sld [smem:$0x3FFE];
	_ =	sdelay $0x1  }
0x8a: {  	s1 =	srdreg.scid  }
0x8b: {  	s0 =	sand.u32 $0x1, s1  }
0x8c: {  	s17 =	sshll.u32 s0, $0xA;
	s2 =	sadd.s32 s3, s2  }
0x8d: {  	s2 =	sadd.s32 s2, s17  }
0x8e: {  	[smem:$0x3FC0] =	sst s2  }
0x8f: {  	_ = 	snop  }
0x90: {  	s2 =	sld [smem:$0x3FD0];
	(tm) =	ssettm $0x1  }
0x91: {  	s18 =	sld [smem:$0x3FFB];
	_ =	sdelay $0x3  }
0x92: {  	_ =	strace s18  }
0x93: {  	s3 =	sld [smem:$0x3FFC];
	_ =	sdelay $0x3  }
0x94: {  	_ =	strace s3  }
0x95: {  	s3 =	sld [smem:$0x3FFD];
	_ =	sdelay $0x3  }
0x96: {  	_ =	strace s3  }
0x97: {  	_ =	strace $0x8FFFFFFF  }
0x98: {  	s19 =	sld [smem:$0x3FDB];
	_ =	sdelay $0x1  }
0x99: {  	s4 =	simm.s32 $_scs_section_size  }
0x9a: {  	s5 =	simm.s32 $_size__tile_overlayer_lowered;
	s6 =	simm.s32 $_tile_overlayer_lowered  }
0x9b: {  	s22 =	simm.s32 $0x1BFF;
	s21 =	sshll.u32 s6, $0x1;
	s3 =	sadd.s32 s4, s19  }
0x9c: {  	s7 =	simm.s32 $0x0;
	s20 =	sshll.u32 s5, $0x1;
	s5 =	sadd.s32 s21, s3  }
0x9d: {  	[timem:s7], [sflag:s22] =	dma.local [hbm:s5], s20  }
0x9e: {  	_ =	swait.ge [sflag:s22], s20  }
0x9f: {  	s4 =	ssub.s32 $0x0, s20;
	[sflag:s22] =	ssyncset.done $0x0  }
0xa0: {  	[sflag:s22] =	ssyncadd.s32 s4;
	_ =	sdelay $0x1  }
0xa1: {  	s23 =	simm.s32 $0x1B8B  }
0xa2: {  	_ =	swait.ge [sflag:s23], $0x1  }
0xa3: {  	[sflag:s23] =	ssyncset.done $0x0  }
0xa4: {  	s25 =	simm.s32 $0x1B8E;
	s24 =	sld [smem:$0x3FFE];
	[sflag:s23] =	ssyncadd.s32 $0xFFFFFFFF  }
0xa5: {  	s26 =	simm.s32 $execute0_lowered;
	[smem:$0x3FD2] =	sst s25  }
0xa6: {  	s5 =	sshll.u32 s26, $0x1;
	_ =	strace $0x80000046;
	[dreg:$0x1] =	wrdreg $0xFFFFFFFF  }
0xa7: {  	s28 =	simm.s32 $_size_execute0_lowered;
	s3 =	sadd.s32 s3, s5;
	[dreg:$0x0] =	wrdreg $0x0  }
0xa8: {  	s5 =	sshll.u32 s28, $0x1;
	[dreg:$0x2] =	wrdreg s3  }
0xa9: {  	[dreg:$0x3] =	wrdreg s5  }
0xaa: {  	[dreg:$0x4] =	wrdreg $0xC0  }
0xab: {  	_ =	task [dreg:s7], $0x5FFFF  }
0xac: {  	[dreg:$0x1] =	wrdreg $0xFFFFFFFF  }
0xad: {  	[dreg:$0x0] =	wrdreg $0x60  }
0xae: {  	[dreg:$0x2] =	wrdreg s2  }
0xaf: {  	[dreg:$0x3] =	wrdreg s24  }
0xb0: {  	[dreg:$0x4] =	wrdreg $0x82000  }
0xb1: {  	[dreg:$0x5] =	wrdreg $0x9  }
0xb2: {  	_ =	task.clear_ibuf [dreg:s7], $0x6FFFF;
	_ =	strace $0x90000046  }
0xb3: {  	s29 =	simm.s32 $0x9;
	_ =	strace $0x80000048  }
0xb4: {  	_ =	swait.ge [sflag:s29], $0x1  }
0xb5: {  	[sflag:s29] =	ssyncadd.s32 $0xFFFFFFFF  }
0xb6: {  	_ =	strace $0x90000048  }
0xb7: {  	_ =	sfence  }
0xb8: {  	s30 =	sld [smem:$0x0];
	_ =	sdelay $0x2  }
0xb9: {  	s31 =	sshll.u32 s1, $0xD;
	s1 =	sshrl.u32 s1, $0x2  }
0xba: {  	s3 =	sand.u32 $0x4000, s31;
	s1 =	sadd.s32 s1, s30  }
0xbb: {  	s0 =	sor.u32 s3, s0;
	s1 =	sshll.u32 s1, $0x11  }
0xbc: {  	s0 =	sor.u32 s1, s0  }
0xbd: {  	s0 =	sadd.s32 $0x8F2B, s0  }
0xbe: {  	[sflag:s0] =	ssyncadd.remote.s32 $0x1  }
0xbf: {  	_ =	sfence.sel $0xFFFF  }
0xc0: {  	[dreg:$0x0] =	wrdreg $0xFFFFFFFF;
	(pc) =	sbr.abs _section_cstart, $3  }
0xc1: {  	[dreg:$0x1] =	wrdreg $0xFFFFFFFF  }
0xc2: {  	_ =	task.clear_ibuf [dreg:s7], $0x2FFFF;
	_ =	strace $0x9FFFFFFF  }
0xc3: {  	(tm) =	ssettm $0x7FFFFFFF  }
tec
execute0_lowered:
.L_overlay_start_1:
0x0: {  	(tag) =	ssettag $0x1  }
0x1: {  	s1 =	rddreg [dreg:$0x0]  }
0x2: {  	s0 =	rddreg [dreg:$0x1]  }
0x3: {  	s2 =	rddreg [dreg:$0x2];
	s3 =	srdreg.scid;
	s4 =	simm.s32 $0x0  }
0x4: {  	s19 =	stileid.u32;
	s30 =	simm.s32 $0x200;
	s31 =	simm.s32 $0x5  }
0x5: {  	s3 =	sand.u32 $0x1, s3;
	[smem:$0x7FF] =	sst s4;
	s8 =	smul.u32 $0x14000, s19  }
0x6: {  	s6 =	sadd.s32 $0x17600, s0;
	s9 =	sadd.s32 $0x67600, s0;
	s24 =	smul.u32 $0x9C0, s19  }
0x7: {  	s5 =	sshll.u32 s3, $0x4;
	_ =	strace $0x80000047;
	s11 =	smul.u32 $0x140000, s3  }
0x8: {  	s7 =	ssub.s32 $0x2, s3;
	s3 =	smul.u32 $0x9C00, s3;
	s5 =	sor.u32 s19, s5  }
0x9: {  	s10 =	sshrl.u32 s7, $0x1;
	s12 =	sadd.s32 $0x4000, s8;
	s13 =	sadd.s32 $0x8000, s8  }
0xa: {  	s14 =	sadd.s32 $0xC000, s8;
	s7 =	ssub.s32 s7, s10;
	s10 =	smul.u32 $0x50000, s19  }
0xb: {  	s15 =	sadd.s32 s8, s11;
	s8 =	sadd.s32 $0x10000, s8;
	s16 =	sadd.s32 s11, s12  }
0xc: {  	s20 =	sadd.s32 s11, s13;
	s21 =	sadd.s32 s11, s14;
	s29 =	sshll.u32 s5, $0x5  }
0xd: {  	s19 =	sadd.s32 s14, s2;
	s5 =	smul.u32 $0x9C0, s5;
	s14 =	simm.s32 $0x3  }
0xe: {  	s15 =	sshrl.u32 s15, $0x3;
	s16 =	sshrl.u32 s16, $0x3;
	s11 =	sadd.s32 s11, s8  }
0xf: {  	s17 =	sadd.s32 s6, s15;
	s18 =	sadd.s32 s6, s16;
	s11 =	sshrl.u32 s11, $0x3  }
0x10: {  	s23 =	sadd.s32 s9, s15;
	s25 =	sadd.s32 s9, s16;
	[dreg:$0x4] =	wrdreg s17  }
0x11: {  	s15 =	sadd.s32 s24, s3;
	s3 =	simm.s32 $0x80;
	[dreg:$0x5] =	wrdreg s18  }
0x12: {  	s17 =	sshrl.u32 s20, $0x3;
	s18 =	sshrl.u32 s21, $0x3;
	[dreg:$0x9] =	wrdreg s23  }
0x13: {  	[dreg:$0xa] =	wrdreg s25;
	s23 =	sshrl.u32 s10, $0x2;
	s20 =	sadd.s32 s6, s17  }
0x14: {  	s21 =	sadd.s32 $0x16600, s0;
	s22 =	sadd.s32 s6, s18;
	[dreg:$0x6] =	wrdreg s20  }
0x15: {  	s6 =	sadd.s32 s6, s11;
	s26 =	sadd.s32 s9, s17;
	[dreg:$0x7] =	wrdreg s22  }
0x16: {  	s28 =	sadd.s32 s9, s18;
	s9 =	sadd.s32 s9, s11;
	[dreg:$0x8] =	wrdreg s6  }
0x17: {  	s16 =	sadd.s32 s23, s2;
	s17 =	sadd.s32 s12, s2;
	[dreg:$0xb] =	wrdreg s26  }
0x18: {  	s18 =	sadd.s32 s13, s2;
	s11 =	sadd.s32 $0x16E00, s0;
	[dreg:$0xc] =	wrdreg s28  }
0x19: {  	s23 =	sadd.s32 $0x2E20, s0;
	s12 =	simm.s32 $0x1C300;
	[dreg:$0xd] =	wrdreg s9  }
0x1a: {  	s6 =	sadd.s32 $0x2E00, s0;
	s22 =	sadd.s32 s29, s0;
	s20 =	sadd.s32 s8, s2  }
0x1b: {  	s25 =	sadd.s32 s5, s23;
	s29 =	smax.u32 s7, $0x1;
	s7 =	simm.s32 $0x4200  }
0x1c: {  	s8 =	simm.s32 $0x2;
	s9 =	simm.s32 $0x180;
	[dreg:$0xf] =	wrdreg s25  }
0x1d: {  	s24 =	sadd.s32 s6, s5;
	s26 =	sadd.s32 s6, s15;
	[dreg:$0x11] =	wrdreg s29  }
0x1e: {  	s28 =	sadd.s32 $0x2A00, s22;
	s5 =	simm.s32 $0x100;
	[dreg:$0xe] =	wrdreg s24  }
0x1f: {  	s25 =	simm.s32 $0x0;
	[dreg:$0x10] =	wrdreg s28;
	s0 =	sadd.s32 $0x40, s26  }
0x20: {  	s24 =	simm.s32 $0x10;
	[dreg:$0x12] =	wrdreg s0;
	s0 =	simm.s32 $0x1  }
.LBB2_1:
0x21: {  	[tilespmem:s30], [sflag:$0x5] =	stream.linear.gather [hbm4b:s11+s4], $0x4000, $0x38;
	[tilespmem:$0x1CB00] =	vst v63  }
0x22: {  	_ =	swait.ge [sflag:s31], $0x4000  }
0x23: {  	[sflag:s31] =	ssyncset.done $0x0  }
0x24: {  	[sflag:s31] =	ssyncadd.s32 $0xFFFFC000  }
0x25: {  	[spmem:s16] =	stream.linear.scatter [tilespmem:s30], [sflag:$0x1], $0x4000, $0x38;
	[tilespmem:$0x1CB00] =	vst v63  }
0x26: {  	_ = 	snop  }
0x27: {  	[spmem:s17] =	stream.linear.scatter [tilespmem:s30], [sflag:$0x1], $0x4000, $0x38;
	[tilespmem:$0x1CB00] =	vst v63  }
0x28: {  	_ = 	snop  }
0x29: {  	[spmem:s18] =	stream.linear.scatter [tilespmem:s30], [sflag:$0x1], $0x4000, $0x38;
	[tilespmem:$0x1CB00] =	vst v63  }
0x2a: {  	_ = 	snop  }
0x2b: {  	[spmem:s19] =	stream.linear.scatter [tilespmem:s30], [sflag:$0x1], $0x4000, $0x38;
	[tilespmem:$0x1CB00] =	vst v63  }
0x2c: {  	_ = 	snop  }
0x2d: {  	[spmem:s20] =	stream.linear.scatter [tilespmem:s30], [sflag:$0x1], $0x4000, $0x38;
	[tilespmem:$0x1CB00] =	vst v63  }
0x2e: {  	_ =	swait.ge [sflag:s0], $0x4000  }
0x2f: {  	[sflag:s0] =	ssyncset.done $0x0  }
0x30: {  	[sflag:s0] =	ssyncadd.s32 $0xFFFFC000  }
0x31: {  	_ =	swait.ge [sflag:s0], $0x4000  }
0x32: {  	[sflag:s0] =	ssyncset.done $0x0  }
0x33: {  	[sflag:s0] =	ssyncadd.s32 $0xFFFFC000  }
0x34: {  	_ =	swait.ge [sflag:s0], $0x4000  }
0x35: {  	[sflag:s0] =	ssyncset.done $0x0  }
0x36: {  	[sflag:s0] =	ssyncadd.s32 $0xFFFFC000  }
0x37: {  	_ =	swait.ge [sflag:s0], $0x4000  }
0x38: {  	[sflag:s0] =	ssyncset.done $0x0  }
0x39: {  	[sflag:s0] =	ssyncadd.s32 $0xFFFFC000  }
0x3a: {  	_ =	swait.ge [sflag:s0], $0x4000  }
0x3b: {  	[sflag:s0] =	ssyncset.done $0x0  }
0x3c: {  	[sflag:s0] =	ssyncadd.s32 $0xFFFFC000  }
0x3d: {  	[bflag:$0x0] =	sbarrier.arrive $0xFFFF  }
0x3e: {  	s6 =	rddreg [dreg:$0xe]  }
0x3f: {  	[tilespmem:s4], [sflag:$0x5] =	stream.linear.gather [hbm4b:s6+s4], $0x100, $0x38;
	[tilespmem:$0x1CB00] =	vst v63  }
0x40: {  	_ =	swait.ge [sflag:s31], $0x100  }
0x41: {  	[sflag:s31] =	ssyncset.done $0x0  }
0x42: {  	s29 =	rddreg [dreg:$0xf];
	[sflag:s31] =	ssyncadd.s32 $0xFFFFFF00  }
0x43: {  	[tilespmem:s30], [sflag:$0x1] =	stream.indirect.gather [hbm4b:s1+s3], $0x80, s4, s3, $0xb8;
	[tilespmem:$0x1CB00] =	vst v63  }
0x44: {  	s28 =	simm.s32 $0x0;
	s26 =	rddreg [dreg:$0x12]  }
0x45: {  	[tilespmem:s5], [sflag:$0x4] =	stream.linear.gather [hbm4b:s29+s4], $0x100, $0x38;
	[tilespmem:$0x1CB00] =	vst v63  }
.LBB2_2:
0x46: {  	s29 =	sand.u32 $0x1, s28  }
0x47: {  	p0 =	seq.s32 s29, $0x1  }
0x48: {  	s29 =	simm.s32 @!p0 $0x4  }
0x49: {  	_ =	swait.ge @!p0 [sflag:s29], $0x100  }
0x4a: {  	s10 =	simm.s32 @!p0 $0x100;
	[sflag:s29] =	ssyncset.done @!p0 $0x0  }
0x4b: {  	s13 =	simm.s32 @!p0 $0x4200;
	[sflag:s29] =	ssyncadd.s32 @!p0 $0xFFFFFF00;
	s29 =	simm.s32 @!p0 $0x80  }
0x4c: {  	[tilespmem:s13], [sflag:$0x2] =	stream.indirect.gather @!p0 [hbm4b:s1+s29], $0x80, s10, s29, $0xb8;
	[tilespmem:$0x1CB00] =	vst v63  }
0x4d: {  	s10 =	simm.s32 @!p0 $0x1  }
0x4e: {  	_ =	swait.ge @!p0 [sflag:s10], $0x4000  }
0x4f: {  	[sflag:s10] =	ssyncset.done @!p0 $0x0  }
0x50: {  	[sflag:s10] =	ssyncadd.s32 @!p0 $0xFFFFC000;
	s10 =	simm.s32 @!p0 $0x200  }
0x51: {  	[spmem:s2] =	stream.indirect.scatter.add.f32 @!p0 [tilespmem:s10], [sflag:$0x5], $0x80, s29, s29, $0xb8;
	[tilespmem:$0x1CB00] =	vst v63  }
0x52: {  	s10 =	simm.s32 @!p0 $0x5  }
0x53: {  	_ =	swait.ge @!p0 [sflag:s10], $0x4000  }
0x54: {  	[sflag:s10] =	ssyncset.done @!p0 $0x0  }
0x55: {  	[sflag:s10] =	ssyncadd.s32 @!p0 $0xFFFFC000;
	s10 =	simm.s32 @!p0 $0x0  }
0x56: {  	[tilespmem:s10], [sflag:$0x3] =	stream.linear.gather @!p0 [hbm4b:s26+s10], $0x100, $0x38;
	[tilespmem:$0x1CB00] =	vst v63  }
0x57: {  	s10 =	sand.u32 @!p0 $0x1, s28  }
0x58: {  	p1 =	seq.s32 @!p0 s10, $0x0  }
0x59: {  	p0 =	por p0, !p1  }
0x5a: {  	_ =	swait.ge @p0 [sflag:s14], $0x100  }
0x5b: {  	[sflag:s14] =	ssyncset.done @p0 $0x0  }
0x5c: {  	[sflag:s14] =	ssyncadd.s32 @p0 $0xFFFFFF00  }
0x5d: {  	[tilespmem:s30], [sflag:$0x1] =	stream.indirect.gather @p0 [hbm4b:s1+s3], $0x80, s4, s3, $0xb8;
	[tilespmem:$0x1CB00] =	vst v63  }
0x5e: {  	_ =	swait.ge @p0 [sflag:s8], $0x4000  }
0x5f: {  	[sflag:s8] =	ssyncset.done @p0 $0x0  }
0x60: {  	[sflag:s8] =	ssyncadd.s32 @p0 $0xFFFFC000  }
0x61: {  	[spmem:s2] =	stream.indirect.scatter.add.f32 @p0 [tilespmem:s7], [sflag:$0x5], $0x80, s9, s3, $0xb8;
	[tilespmem:$0x1CB00] =	vst v63  }
0x62: {  	_ =	swait.ge @p0 [sflag:s31], $0x4000  }
0x63: {  	[sflag:s31] =	ssyncset.done @p0 $0x0  }
0x64: {  	s28 =	sadd.s32 $0x1, s28;
	[sflag:s31] =	ssyncadd.s32 @p0 $0xFFFFC000  }
0x65: {  	[tilespmem:s5], [sflag:$0x4] =	stream.linear.gather @p0 [hbm4b:s26+s4], $0x100, $0x38;
	[tilespmem:$0x1CB00] =	vst v63  }
0x66: {  	p0 =	sne.s32 s28, $0x4C  }
.Ltmp0:
0x67: {  	_ = 	snop;
	(pc) =	sbr.rel @p0 .LBB2_2-.Ltmp0, $2  }
0x68: {  	_ =	sdelay $0x2  }
0x69: {  	s26 =	sadd.s32 $0x20, s26  }
0x6a: {  	s6 =	simm.s32 $0x4  }
0x6b: {  	_ =	swait.ge [sflag:s6], $0x100  }
0x6c: {  	[sflag:s6] =	ssyncset.done $0x0  }
0x6d: {  	[sflag:s6] =	ssyncadd.s32 $0xFFFFFF00  }
0x6e: {  	[tilespmem:s7], [sflag:$0x2] =	stream.indirect.gather [hbm4b:s1+s3], $0x80, s5, s3, $0xb8;
	[tilespmem:$0x1CB00] =	vst v63  }
0x6f: {  	_ =	swait.ge [sflag:s0], $0x4000  }
0x70: {  	[sflag:s0] =	ssyncset.done $0x0  }
0x71: {  	[sflag:s0] =	ssyncadd.s32 $0xFFFFC000  }
0x72: {  	[spmem:s2] =	stream.indirect.scatter.add.f32 [tilespmem:s30], [sflag:$0x5], $0x80, s3, s3, $0xb8;
	[tilespmem:$0x1CB00] =	vst v63  }
0x73: {  	_ =	swait.ge [sflag:s31], $0x4000  }
0x74: {  	[sflag:s31] =	ssyncset.done $0x0  }
0x75: {  	[sflag:s31] =	ssyncadd.s32 $0xFFFFC000  }
0x76: {  	_ =	swait.ge [sflag:s8], $0x4000  }
0x77: {  	[sflag:s8] =	ssyncset.done $0x0  }
0x78: {  	[sflag:s8] =	ssyncadd.s32 $0xFFFFC000  }
0x79: {  	[spmem:s2] =	stream.indirect.scatter.add.f32 [tilespmem:s7], [sflag:$0x5], $0x80, s9, s3, $0xb8;
	[tilespmem:$0x1CB00] =	vst v63  }
0x7a: {  	_ =	swait.ge [sflag:s31], $0x4000  }
0x7b: {  	s26 =	simm.s32 $0x0;
	[sflag:s31] =	ssyncset.done $0x0  }
0x7c: {  	s10 =	simm.s32 $0x1C200;
	s13 =	rddreg [dreg:$0x10];
	[sflag:s31] =	ssyncadd.s32 $0xFFFFC000  }
0x7d: {  	[tilespmem:s10], [sflag:$0x5] =	stream.linear.gather [hbm4b:s13+s26], $0x100, $0x38;
	[tilespmem:$0x1CB00] =	vst v63  }
0x7e: {  	_ =	swait.ge [sflag:s31], $0x100  }
0x7f: {  	[sflag:s31] =	ssyncset.done $0x0  }
0x80: {  	[sflag:s31] =	ssyncadd.s32 $0xFFFFFF00  }
0x81: {  	[tilespmem:s12], [sflag:$0x1] =	stream.indirect.gather [hbm4b:s1+s24], $0x80, s10, s24, $0xb8;
	[tilespmem:$0x1CB00] =	vst v63  }
0x82: {  	_ =	swait.ge [sflag:s0], $0x800  }
0x83: {  	[sflag:s0] =	ssyncset.done $0x0  }
0x84: {  	s22 =	simm.s32 $0x1C280;
	[sflag:s0] =	ssyncadd.s32 $0xFFFFF800  }
0x85: {  	[spmem:s2] =	stream.indirect.scatter.add.f32 [tilespmem:s12], [sflag:$0x5], $0x80, s22, s24, $0xb8;
	[tilespmem:$0x1CB00] =	vst v63  }
0x86: {  	_ =	swait.ge [sflag:s31], $0x800  }
0x87: {  	[sflag:s31] =	ssyncset.done $0x0  }
0x88: {  	[sflag:s31] =	ssyncadd.s32 $0xFFFFF800  }
0x89: {  	[bflag:$0x0] =	sbarrier.arrive $0xFFFF  }
0x8a: {  	[tilespmem:s30], [sflag:$0x5] =	stream.linear.gather [spmem:s16], $0x4000, $0x38;
	[tilespmem:$0x1CB00] =	vst v63  }
0x8b: {  	_ =	swait.ge [sflag:s31], $0x4000  }
0x8c: {  	[sflag:s31] =	ssyncset.done $0x0  }
0x8d: {  	s10 =	rddreg [dreg:$0x4];
	[sflag:s31] =	ssyncadd.s32 $0xFFFFC000  }
0x8e: {  	[hbm4b:s10+s26] =	stream.linear.scatter [tilespmem:s30], [sflag:$0x1], $0x4000, $0x38;
	[tilespmem:$0x1CB00] =	vst v63  }
0x8f: {  	_ = 	snop  }
0x90: {  	[tilespmem:s7], [sflag:$0x5] =	stream.linear.gather [spmem:s17], $0x4000, $0x38;
	[tilespmem:$0x1CB00] =	vst v63  }
0x91: {  	_ =	swait.ge [sflag:s31], $0x4000  }
0x92: {  	[sflag:s31] =	ssyncset.done $0x0  }
0x93: {  	s13 =	rddreg [dreg:$0x5];
	[sflag:s31] =	ssyncadd.s32 $0xFFFFC000  }
0x94: {  	[hbm4b:s13+s26] =	stream.linear.scatter [tilespmem:s7], [sflag:$0x2], $0x4000, $0x38;
	[tilespmem:$0x1CB00] =	vst v63  }
0x95: {  	_ =	swait.ge [sflag:s0], $0x4000  }
0x96: {  	[sflag:s0] =	ssyncset.done $0x0  }
0x97: {  	[sflag:s0] =	ssyncadd.s32 $0xFFFFC000  }
0x98: {  	[tilespmem:s30], [sflag:$0x5] =	stream.linear.gather [spmem:s18], $0x4000, $0x38;
	[tilespmem:$0x1CB00] =	vst v63  }
0x99: {  	_ =	swait.ge [sflag:s31], $0x4000  }
0x9a: {  	[sflag:s31] =	ssyncset.done $0x0  }
0x9b: {  	s22 =	rddreg [dreg:$0x6];
	[sflag:s31] =	ssyncadd.s32 $0xFFFFC000  }
0x9c: {  	[hbm4b:s22+s26] =	stream.linear.scatter [tilespmem:s30], [sflag:$0x1], $0x4000, $0x38;
	[tilespmem:$0x1CB00] =	vst v63  }
0x9d: {  	_ =	swait.ge [sflag:s8], $0x4000  }
0x9e: {  	[sflag:s8] =	ssyncset.done $0x0  }
0x9f: {  	[sflag:s8] =	ssyncadd.s32 $0xFFFFC000  }
0xa0: {  	[tilespmem:s7], [sflag:$0x5] =	stream.linear.gather [spmem:s19], $0x4000, $0x38;
	[tilespmem:$0x1CB00] =	vst v63  }
0xa1: {  	_ =	swait.ge [sflag:s31], $0x4000  }
0xa2: {  	[sflag:s31] =	ssyncset.done $0x0  }
0xa3: {  	s24 =	rddreg [dreg:$0x7];
	[sflag:s31] =	ssyncadd.s32 $0xFFFFC000  }
0xa4: {  	[hbm4b:s24+s26] =	stream.linear.scatter [tilespmem:s7], [sflag:$0x2], $0x4000, $0x38;
	[tilespmem:$0x1CB00] =	vst v63  }
0xa5: {  	_ =	swait.ge [sflag:s0], $0x4000  }
0xa6: {  	[sflag:s0] =	ssyncset.done $0x0  }
0xa7: {  	[sflag:s0] =	ssyncadd.s32 $0xFFFFC000  }
0xa8: {  	[tilespmem:s30], [sflag:$0x5] =	stream.linear.gather [spmem:s20], $0x4000, $0x38;
	[tilespmem:$0x1CB00] =	vst v63  }
0xa9: {  	_ =	swait.ge [sflag:s31], $0x4000  }
0xaa: {  	[sflag:s31] =	ssyncset.done $0x0  }
0xab: {  	s10 =	rddreg [dreg:$0x8];
	[sflag:s31] =	ssyncadd.s32 $0xFFFFC000  }
0xac: {  	[hbm4b:s10+s26] =	stream.linear.scatter [tilespmem:s30], [sflag:$0x1], $0x4000, $0x38;
	[tilespmem:$0x1CB00] =	vst v63  }
0xad: {  	_ =	swait.ge [sflag:s0], $0x4000  }
0xae: {  	[sflag:s0] =	ssyncset.done $0x0  }
0xaf: {  	[sflag:s0] =	ssyncadd.s32 $0xFFFFC000  }
0xb0: {  	_ =	swait.ge [sflag:s8], $0x4000  }
0xb1: {  	[sflag:s8] =	ssyncset.done $0x0  }
0xb2: {  	[sflag:s8] =	ssyncadd.s32 $0xFFFFC000  }
0xb3: {  	[tilespmem:s30], [sflag:$0x5] =	stream.linear.gather [hbm4b:s11+s26], $0x4000, $0x38;
	[tilespmem:$0x1CB00] =	vst v63  }
0xb4: {  	_ =	swait.ge [sflag:s31], $0x4000  }
0xb5: {  	[sflag:s31] =	ssyncset.done $0x0  }
0xb6: {  	[sflag:s31] =	ssyncadd.s32 $0xFFFFC000  }
0xb7: {  	[spmem:s16] =	stream.linear.scatter [tilespmem:s30], [sflag:$0x1], $0x4000, $0x38;
	[tilespmem:$0x1CB00] =	vst v63  }
0xb8: {  	_ = 	snop  }
0xb9: {  	[spmem:s17] =	stream.linear.scatter [tilespmem:s30], [sflag:$0x1], $0x4000, $0x38;
	[tilespmem:$0x1CB00] =	vst v63  }
0xba: {  	_ = 	snop  }
0xbb: {  	[spmem:s18] =	stream.linear.scatter [tilespmem:s30], [sflag:$0x1], $0x4000, $0x38;
	[tilespmem:$0x1CB00] =	vst v63  }
0xbc: {  	_ = 	snop  }
0xbd: {  	[spmem:s19] =	stream.linear.scatter [tilespmem:s30], [sflag:$0x1], $0x4000, $0x38;
	[tilespmem:$0x1CB00] =	vst v63  }
0xbe: {  	_ = 	snop  }
0xbf: {  	[spmem:s20] =	stream.linear.scatter [tilespmem:s30], [sflag:$0x1], $0x4000, $0x38;
	[tilespmem:$0x1CB00] =	vst v63  }
0xc0: {  	_ =	swait.ge [sflag:s0], $0x4000  }
0xc1: {  	[sflag:s0] =	ssyncset.done $0x0  }
0xc2: {  	[sflag:s0] =	ssyncadd.s32 $0xFFFFC000  }
0xc3: {  	_ =	swait.ge [sflag:s0], $0x4000  }
0xc4: {  	[sflag:s0] =	ssyncset.done $0x0  }
0xc5: {  	[sflag:s0] =	ssyncadd.s32 $0xFFFFC000  }
0xc6: {  	_ =	swait.ge [sflag:s0], $0x4000  }
0xc7: {  	[sflag:s0] =	ssyncset.done $0x0  }
0xc8: {  	[sflag:s0] =	ssyncadd.s32 $0xFFFFC000  }
0xc9: {  	_ =	swait.ge [sflag:s0], $0x4000  }
0xca: {  	[sflag:s0] =	ssyncset.done $0x0  }
0xcb: {  	[sflag:s0] =	ssyncadd.s32 $0xFFFFC000  }
0xcc: {  	_ =	swait.ge [sflag:s0], $0x4000  }
0xcd: {  	[sflag:s0] =	ssyncset.done $0x0  }
0xce: {  	[sflag:s0] =	ssyncadd.s32 $0xFFFFC000  }
0xcf: {  	[bflag:$0x0] =	sbarrier.arrive $0xFFFF  }
0xd0: {  	[tilespmem:s7], [sflag:$0x5] =	stream.linear.gather [hbm4b:s21+s26], $0x4000, $0x38;
	[tilespmem:$0x1CB00] =	vst v63  }
0xd1: {  	_ =	swait.ge [sflag:s31], $0x4000  }
0xd2: {  	s24 =	smov.u32 s21;
	s21 =	sand.u32 $0x1, s26;
	[sflag:s31] =	ssyncset.done $0x0  }
0xd3: {  	p0 =	seq.s32 s21, $0x1;
	s13 =	rddreg [dreg:$0xe];
	[sflag:s31] =	ssyncadd.s32 $0xFFFFC000  }
0xd4: {  	[tilespmem:s26], [sflag:$0x1] =	stream.linear.gather [hbm4b:s13+s26], $0x100, $0x38;
	[tilespmem:$0x1CB00] =	vst v63  }
0xd5: {  	s10 =	sadd.s32 @p0 s15, s23;
	s13 =	simm.s32 @p0 $0x0;
	s26 =	simm.s32 @p0 $0x2  }
0xd6: {  	[tilespmem:s13], [sflag:$0x1] =	stream.linear.gather @p0 [hbm4b:s10+s13], $0x100, $0x38;
	[tilespmem:$0x1CB00] =	vst v63  }
0xd7: {  	_ =	swait.ge @p0 [sflag:s26], $0x100  }
0xd8: {  	s10 =	simm.s32 @p0 $0x4200;
	[sflag:s26] =	ssyncset.done @p0 $0x0  }
0xd9: {  	s13 =	simm.s32 @p0 $0x80;
	[sflag:s26] =	ssyncadd.s32 @p0 $0xFFFFFF00;
	s26 =	simm.s32 @p0 $0x180  }
0xda: {  	[spmem:s2] =	stream.indirect.scatter.add.f32 @p0 [tilespmem:s10], [sflag:$0x5], $0x80, s26, s13, $0xb8;
	[tilespmem:$0x1CB00] =	vst v63  }
0xdb: {  	s10 =	sand.u32 @!p0 $0x1FFFFFC0, s15  }
0xdc: {  	s13 =	simm.s32 @!p0 $0x0;
	s26 =	simm.s32 @!p0 $0x100;
	s10 =	sadd.s32 @!p0 s10, s23  }
0xdd: {  	[tilespmem:s26], [sflag:$0x2] =	stream.linear.gather @!p0 [hbm4b:s10+s13], $0x100, $0x38;
	[tilespmem:$0x1CB00] =	vst v63  }
0xde: {  	s10 =	simm.s32 @!p0 $0x1  }
0xdf: {  	s28 =	simm.s32 $0x2;
	_ =	swait.ge @!p0 [sflag:s10], $0x100  }
0xe0: {  	s29 =	simm.s32 @!p0 $0x6;
	s13 =	simm.s32 @!p0 $0x4200;
	[sflag:s10] =	ssyncset.done @!p0 $0x0  }
0xe1: {  	s26 =	simm.s32 $0x1;
	[sflag:s10] =	ssyncadd.s32 @!p0 $0xFFFFFF00;
	s10 =	simm.s32 @!p0 $0x80  }
0xe2: {  	[spmem:s2] =	stream.indirect.scatter.add.f32 @!p0 [tilespmem:s13], [sflag:$0x6], $0x80, s10, s10, $0xb8;
	[tilespmem:$0x1CB00] =	vst v63  }
0xe3: {  	s22 =	smov.u32 s11;
	s29 =	simm.s32 @p0 $0x5;
	s10 =	sand.u32 $0x1, s26  }
0xe4: {  	s26 =	sadd.s32 $0x20, s15;
	p0 =	seq.s32 s10, $0x1;
	_ =	swait.ge [sflag:s29], $0x4000  }
.LBB2_4:
0xe5: {  	s10 =	sadd.s32 @p0 s26, s23  }
0xe6: {  	s13 =	simm.s32 @p0 $0x0;
	[sflag:s29] =	ssyncset.done $0x0;
	s6 =	smov.u32 s28  }
0xe7: {  	s28 =	sadd.s32 $0x1, s28;
	s11 =	simm.s32 @p0 $0x2;
	[sflag:s29] =	ssyncadd.s32 $0xFFFFC000  }
0xe8: {  	[tilespmem:s13], [sflag:$0x1] =	stream.linear.gather @p0 [hbm4b:s10+s13], $0x100, $0x38;
	[tilespmem:$0x1CB00] =	vst v63  }
0xe9: {  	p1 =	sne.s32 s28, $0x4D;
	s10 =	simm.s32 @!p0 $0x1;
	_ =	swait.ge @p0 [sflag:s11], $0x100  }
0xea: {  	s29 =	sand.u32 @!p0 $0x1FFFFFC0, s26;
	s13 =	simm.s32 @p0 $0x4200;
	[sflag:s11] =	ssyncset.done @p0 $0x0  }
0xeb: {  	s21 =	simm.s32 @p0 $0x180;
	[sflag:s11] =	ssyncadd.s32 @p0 $0xFFFFFF00;
	s11 =	simm.s32 @p0 $0x80  }
0xec: {  	[spmem:s2] =	stream.indirect.scatter.add.f32 @p0 [tilespmem:s13], [sflag:$0x5], $0x80, s21, s11, $0xb8;
	[tilespmem:$0x1CB00] =	vst v63  }
0xed: {  	s11 =	sadd.s32 @!p0 s29, s23;
	s13 =	simm.s32 @!p0 $0x0;
	s21 =	simm.s32 @!p0 $0x100  }
0xee: {  	[tilespmem:s21], [sflag:$0x2] =	stream.linear.gather @!p0 [hbm4b:s11+s13], $0x100, $0x38;
	[tilespmem:$0x1CB00] =	vst v63  }
.Ltmp1:
0xef: {  	s6 =	sand.u32 $0x1, s6;
	_ =	swait.ge @!p0 [sflag:s10], $0x100;
	(pc) =	sbr.rel @p1 .LBB2_4-.Ltmp1, $4  }
0xf0: {  	s29 =	simm.s32 @!p0 $0x6;
	s11 =	simm.s32 @!p0 $0x4200;
	[sflag:s10] =	ssyncset.done @!p0 $0x0  }
0xf1: {  	s29 =	simm.s32 @p0 $0x5;
	[sflag:s10] =	ssyncadd.s32 @!p0 $0xFFFFFF00;
	s10 =	simm.s32 @!p0 $0x80  }
0xf2: {  	[spmem:s2] =	stream.indirect.scatter.add.f32 @!p0 [tilespmem:s11], [sflag:$0x6], $0x80, s10, s10, $0xb8;
	[tilespmem:$0x1CB00] =	vst v63  }
0xf3: {  	s26 =	sadd.s32 $0x20, s26;
	p0 =	seq.s32 s6, $0x1;
	_ =	swait.ge [sflag:s29], $0x4000  }
0xf4: {  	s6 =	sadd.s32 @p0 s26, s23;
	[sflag:s29] =	ssyncset.done $0x0  }
0xf5: {  	s10 =	simm.s32 @p0 $0x0;
	s11 =	simm.s32 @p0 $0x2;
	[sflag:s29] =	ssyncadd.s32 $0xFFFFC000  }
0xf6: {  	[tilespmem:s10], [sflag:$0x1] =	stream.linear.gather @p0 [hbm4b:s6+s10], $0x100, $0x38;
	[tilespmem:$0x1CB00] =	vst v63  }
0xf7: {  	_ =	swait.ge @p0 [sflag:s11], $0x100  }
0xf8: {  	s6 =	simm.s32 @p0 $0x4200;
	[sflag:s11] =	ssyncset.done @p0 $0x0  }
0xf9: {  	s10 =	simm.s32 @p0 $0x80;
	[sflag:s11] =	ssyncadd.s32 @p0 $0xFFFFFF00;
	s11 =	simm.s32 @p0 $0x180  }
0xfa: {  	[spmem:s2] =	stream.indirect.scatter.add.f32 @p0 [tilespmem:s6], [sflag:$0x5], $0x80, s11, s10, $0xb8;
	[tilespmem:$0x1CB00] =	vst v63  }
0xfb: {  	s6 =	sand.u32 @!p0 $0x1FFFFFC0, s26  }
0xfc: {  	s10 =	simm.s32 @!p0 $0x0;
	s11 =	simm.s32 @!p0 $0x100;
	s6 =	sadd.s32 @!p0 s6, s23  }
0xfd: {  	[tilespmem:s11], [sflag:$0x2] =	stream.linear.gather @!p0 [hbm4b:s6+s10], $0x100, $0x38;
	[tilespmem:$0x1CB00] =	vst v63  }
0xfe: {  	s6 =	simm.s32 @!p0 $0x1  }
0xff: {  	_ =	swait.ge @!p0 [sflag:s6], $0x100  }
0x100: {  	[sflag:s6] =	ssyncset.done @!p0 $0x0  }
0x101: {  	s10 =	simm.s32 @!p0 $0x4200;
	[sflag:s6] =	ssyncadd.s32 @!p0 $0xFFFFFF00;
	s6 =	simm.s32 @!p0 $0x80  }
0x102: {  	[spmem:s2] =	stream.indirect.scatter.add.f32 @!p0 [tilespmem:s10], [sflag:$0x6], $0x80, s6, s6, $0xb8;
	[tilespmem:$0x1CB00] =	vst v63  }
0x103: {  	s6 =	simm.s32 @!p0 $0x6  }
0x104: {  	s6 =	simm.s32 @p0 $0x5  }
0x105: {  	_ =	swait.ge [sflag:s6], $0x4000  }
0x106: {  	[sflag:s6] =	ssyncset.done $0x0  }
0x107: {  	[sflag:s6] =	ssyncadd.s32 $0xFFFFC000  }
0x108: {  	_ =	swait.ge [sflag:s8], $0x100  }
0x109: {  	[sflag:s8] =	ssyncset.done $0x0  }
0x10a: {  	[sflag:s8] =	ssyncadd.s32 $0xFFFFFF00  }
0x10b: {  	[spmem:s2] =	stream.indirect.scatter.add.f32 [tilespmem:s7], [sflag:$0x5], $0x80, s9, s3, $0xb8;
	[tilespmem:$0x1CB00] =	vst v63  }
0x10c: {  	_ =	swait.ge [sflag:s31], $0x4000  }
0x10d: {  	[sflag:s31] =	ssyncset.done $0x0  }
0x10e: {  	[sflag:s31] =	ssyncadd.s32 $0xFFFFC000  }
0x10f: {  	[tilespmem:s12], [sflag:$0x5] =	stream.linear.gather [hbm4b:s24+s4], $0x800, $0x38;
	[tilespmem:$0x1CB00] =	vst v63  }
0x110: {  	_ =	swait.ge [sflag:s31], $0x800  }
0x111: {  	s21 =	smov.u32 s24;
	[sflag:s31] =	ssyncset.done $0x0  }
0x112: {  	s29 =	simm.s32 $0x1C280;
	s24 =	simm.s32 $0x10;
	[sflag:s31] =	ssyncadd.s32 $0xFFFFF800  }
0x113: {  	[spmem:s2] =	stream.indirect.scatter.add.f32 [tilespmem:s12], [sflag:$0x5], $0x80, s29, s24, $0xb8;
	[tilespmem:$0x1CB00] =	vst v63  }
0x114: {  	_ =	swait.ge [sflag:s31], $0x800  }
0x115: {  	[sflag:s31] =	ssyncset.done $0x0  }
0x116: {  	[sflag:s31] =	ssyncadd.s32 $0xFFFFF800  }
0x117: {  	[bflag:$0x0] =	sbarrier.arrive $0xFFFF  }
0x118: {  	[tilespmem:s30], [sflag:$0x5] =	stream.linear.gather [spmem:s16], $0x4000, $0x38;
	[tilespmem:$0x1CB00] =	vst v63  }
0x119: {  	_ =	swait.ge [sflag:s31], $0x4000  }
0x11a: {  	[sflag:s31] =	ssyncset.done $0x0  }
0x11b: {  	s10 =	rddreg [dreg:$0x9];
	[sflag:s31] =	ssyncadd.s32 $0xFFFFC000  }
0x11c: {  	[hbm4b:s10+s4] =	stream.linear.scatter [tilespmem:s30], [sflag:$0x1], $0x4000, $0x38;
	[tilespmem:$0x1CB00] =	vst v63  }
0x11d: {  	_ = 	snop  }
0x11e: {  	[tilespmem:s7], [sflag:$0x5] =	stream.linear.gather [spmem:s17], $0x4000, $0x38;
	[tilespmem:$0x1CB00] =	vst v63  }
0x11f: {  	_ =	swait.ge [sflag:s31], $0x4000  }
0x120: {  	[sflag:s31] =	ssyncset.done $0x0  }
0x121: {  	s11 =	rddreg [dreg:$0xa];
	[sflag:s31] =	ssyncadd.s32 $0xFFFFC000  }
0x122: {  	[hbm4b:s11+s4] =	stream.linear.scatter [tilespmem:s7], [sflag:$0x2], $0x4000, $0x38;
	[tilespmem:$0x1CB00] =	vst v63  }
0x123: {  	_ =	swait.ge [sflag:s0], $0x4000  }
0x124: {  	[sflag:s0] =	ssyncset.done $0x0  }
0x125: {  	[sflag:s0] =	ssyncadd.s32 $0xFFFFC000  }
0x126: {  	[tilespmem:s30], [sflag:$0x5] =	stream.linear.gather [spmem:s18], $0x4000, $0x38;
	[tilespmem:$0x1CB00] =	vst v63  }
0x127: {  	_ =	swait.ge [sflag:s31], $0x4000  }
0x128: {  	[sflag:s31] =	ssyncset.done $0x0  }
0x129: {  	s13 =	rddreg [dreg:$0xb];
	[sflag:s31] =	ssyncadd.s32 $0xFFFFC000  }
0x12a: {  	[hbm4b:s13+s4] =	stream.linear.scatter [tilespmem:s30], [sflag:$0x1], $0x4000, $0x38;
	[tilespmem:$0x1CB00] =	vst v63  }
0x12b: {  	_ =	swait.ge [sflag:s8], $0x4000  }
0x12c: {  	[sflag:s8] =	ssyncset.done $0x0  }
0x12d: {  	[sflag:s8] =	ssyncadd.s32 $0xFFFFC000  }
0x12e: {  	[tilespmem:s7], [sflag:$0x5] =	stream.linear.gather [spmem:s19], $0x4000, $0x38;
	[tilespmem:$0x1CB00] =	vst v63  }
0x12f: {  	_ =	swait.ge [sflag:s31], $0x4000  }
0x130: {  	[sflag:s31] =	ssyncset.done $0x0  }
0x131: {  	s26 =	rddreg [dreg:$0xc];
	[sflag:s31] =	ssyncadd.s32 $0xFFFFC000  }
0x132: {  	[hbm4b:s26+s4] =	stream.linear.scatter [tilespmem:s7], [sflag:$0x2], $0x4000, $0x38;
	[tilespmem:$0x1CB00] =	vst v63  }
0x133: {  	_ =	swait.ge [sflag:s0], $0x4000  }
0x134: {  	[sflag:s0] =	ssyncset.done $0x0  }
0x135: {  	[sflag:s0] =	ssyncadd.s32 $0xFFFFC000  }
0x136: {  	[tilespmem:s30], [sflag:$0x5] =	stream.linear.gather [spmem:s20], $0x4000, $0x38;
	[tilespmem:$0x1CB00] =	vst v63  }
0x137: {  	_ =	swait.ge [sflag:s31], $0x4000  }
0x138: {  	[sflag:s31] =	ssyncset.done $0x0  }
0x139: {  	s28 =	rddreg [dreg:$0xd];
	[sflag:s31] =	ssyncadd.s32 $0xFFFFC000  }
0x13a: {  	[hbm4b:s28+s4] =	stream.linear.scatter [tilespmem:s30], [sflag:$0x1], $0x4000, $0x38;
	[tilespmem:$0x1CB00] =	vst v63  }
0x13b: {  	_ =	swait.ge [sflag:s0], $0x4000  }
0x13c: {  	[sflag:s0] =	ssyncset.done $0x0  }
0x13d: {  	[sflag:s0] =	ssyncadd.s32 $0xFFFFC000  }
0x13e: {  	_ =	swait.ge [sflag:s8], $0x4000  }
0x13f: {  	s25 =	sadd.s32 $0x1, s25;
	s29 =	rddreg [dreg:$0x11]  }
0x140: {  	p0 =	sne.s32 s25, s29  }
.Ltmp2:
0x141: {  	_ = 	snop;
	(pc) =	sbr.rel @p0 .LBB2_1-.Ltmp2, $3  }
0x142: {  	_ =	sdelay $0x1  }
0x143: {  	[sflag:s8] =	ssyncset.done $0x0  }
0x144: {  	s11 =	smov.u32 s22;
	[sflag:s8] =	ssyncadd.s32 $0xFFFFC000  }
0x145: {  	_ =	sfence.sel $0x180000  }
0x146: {  	[bflag:$0x0] =	sbarrier.arrive $0xFFFF  }
0x147: {  	_ =	strace $0x90000047  }
0x148: {  	s0 =	stileid.u32;
	[bflag:$0x2] =	sbarrier.arrive $0xFFFF  }
0x149: {  	p0 =	sne.s32 s0, $0x0;
	s0 =	rddreg [dreg:$0x3]  }
0x14a: {  	s0 =	sadd.s32 @!p0 $0x100000, s0  }
0x14b: {  	[sflag:s0] =	ssyncadd.tile.s32 @!p0 $0x1;
	_ =	shalt  }
.Lfunc_end2:
_tile_overlayer_lowered:
.L_overlay_start_2:
0x14c: {  	(tag) =	ssettag $0x2  }
0x14d: {  	s0 =	rddreg [dreg:$0x0];
	s2 =	stileid.u32  }
0x14e: {  	s1 =	rddreg [dreg:$0x1];
	p0 =	sne.s32 s2, $0x0  }
0x14f: {  	s3 =	rddreg [dreg:$0x2];
	[bflag:$0x3] =	sbarrier.arrive $0xFFFF;
	s2 =	simm.s32 @!p0 $0x1C05  }
0x150: {  	[timem:s3], [sflag:s2] =	dma.local @!p0 [hbm:s0], s1  }
0x151: {  	s0 =	simm.s32 @!p0 $0x5  }
0x152: {  	_ =	swait.ge @!p0 [sflag:s0], s1  }
0x153: {  	s1 =	ssub.s32 @!p0 $0x0, s1;
	[sflag:s0] =	ssyncset.done @!p0 $0x0  }
0x154: {  	[sflag:s0] =	ssyncadd.s32 @!p0 s1  }
0x155: {  	[bflag:$0x3] =	sbarrier.arrive $0xFFFF  }
0x156: {  	_ =	shalt  }

</sc_bundles>
